<compile_context>
chip_gen: v7x
topology: tpu7x:2x2x1
jax: 0.10.2.dev20260603
libtpu: 0.0.44.dev20260713+nightly
codegen_flags: <defaults>
</compile_context>

<pallas_src>
import functools

import jax
import jax.numpy as jnp
from jax import lax
from jax.experimental import pallas as pl
from jax.experimental.pallas import tpu as pltpu
from jax.experimental.pallas import tpu_sc as plsc

N = 10000
D = 128
E = 320000

NC = 2
NS = 16
NW = NC * NS
EB = 128
BLOCKS = 80
E_PAD = NW * BLOCKS * EB
E_PER_SC = E_PAD // NC
E_PER_TILE = E_PER_SC // NS
N_PAD = 10240
ROWS_PER_TILE = N_PAD // NS
STAGE_ROWS = 128
N_STAGE = ROWS_PER_TILE // STAGE_ROWS

AEB = 128
NBUF = 2
ABLK0 = 136
ABLK1 = 160 - ABLK0
A_N_STAGE = ROWS_PER_TILE // AEB



def _deg_body(dst_hbm, ones_hbm, zeros_hbm, out_hbm, didx, crow, acc):
    c = lax.axis_index("c")
    s = lax.axis_index("s")
    pltpu.sync_copy(zeros_hbm, crow)
    for k in range(N_STAGE):
        pltpu.sync_copy(
            crow, acc.at[pl.ds(s * ROWS_PER_TILE + k * STAGE_ROWS, STAGE_ROWS)]
        )
    pltpu.sync_copy(ones_hbm, crow)
    plsc.subcore_barrier()

    tile_base = c * E_PER_SC + s * E_PER_TILE

    def body(i, carry):
        base = tile_base + i * EB
        pltpu.sync_copy(dst_hbm.at[pl.ds(base, EB)], didx)
        pltpu.sync_copy(crow, acc.at[didx], add=True)
        return carry

    lax.fori_loop(0, BLOCKS, body, 0)
    plsc.subcore_barrier()
    for k in range(N_STAGE):
        r0 = s * ROWS_PER_TILE + k * STAGE_ROWS
        pltpu.sync_copy(acc.at[pl.ds(r0, STAGE_ROWS)], crow)
        pltpu.sync_copy(crow, out_hbm.at[pl.ds(c * N_PAD + r0, STAGE_ROWS)])


@functools.cache
def _deg_call():
    return pl.kernel(
        _deg_body,
        mesh=plsc.VectorSubcoreMesh(core_axis_name="c", subcore_axis_name="s"),
        out_type=jax.ShapeDtypeStruct((2 * N_PAD, D), jnp.float32),
        scratch_types=[
            pltpu.VMEM((EB,), jnp.int32),
            pltpu.VMEM((EB, D), jnp.float32),
            pltpu.VMEM_SHARED((N_PAD, D), jnp.float32),
        ],
    )


def _agg_body(hp_hbm, pairs_hbm, zeros_hbm, out_hbm, *sc):
    pidx = sc[:NBUF]
    rows = sc[NBUF:2 * NBUF]
    acc = sc[2 * NBUF]
    sems = sc[2 * NBUF + 1:]
    c = lax.axis_index("c")
    s = lax.axis_index("s")

    pltpu.sync_copy(zeros_hbm, rows[0])
    for k in range(A_N_STAGE):
        pltpu.sync_copy(
            rows[0], acc.at[pl.ds(s * ROWS_PER_TILE + k * AEB, AEB)]
        )
    plsc.subcore_barrier()

    tile_blk0 = jnp.where(c == 0, s * ABLK0, NS * ABLK0 + s * ABLK1)
    n_outer = jnp.where(c == 0, ABLK0 // NBUF, ABLK1 // NBUF)

    def fire(blk, b):
        pltpu.sync_copy(pairs_hbm.at[pl.ds(2 * blk, 2)], pidx[b])
        pltpu.async_copy(hp_hbm.at[pidx[b].at[0]], rows[b], sems[b])

    def drain(b):
        pltpu.make_async_copy(hp_hbm.at[pidx[b].at[0]], rows[b], sems[b]).wait()

    for b in range(NBUF - 1):
        fire(tile_blk0 + b, b)

    def body(g, carry):
        i0 = tile_blk0 + NBUF * g
        for b in range(NBUF):
            fire(i0 + b + NBUF - 1, (b + NBUF - 1) % NBUF)
            drain(b)
            pltpu.sync_copy(rows[b], acc.at[pidx[b].at[1]], add=True)
        return carry

    lax.fori_loop(0, n_outer, body, 0)
    for b in range(NBUF - 1):
        drain(b)
    plsc.subcore_barrier()
    for k in range(A_N_STAGE):
        r0 = s * ROWS_PER_TILE + k * AEB
        pltpu.sync_copy(acc.at[pl.ds(r0, AEB)], rows[0])
        pltpu.sync_copy(rows[0], out_hbm.at[pl.ds(c * N_PAD + r0, AEB)])


@functools.cache
def _agg_call():
    return pl.kernel(
        _agg_body,
        mesh=plsc.VectorSubcoreMesh(core_axis_name="c", subcore_axis_name="s"),
        out_type=jax.ShapeDtypeStruct((2 * N_PAD, D), jnp.float32),
        scratch_types=(
            [pltpu.VMEM((2, AEB), jnp.int32) for _ in range(NBUF)]
            + [pltpu.VMEM((AEB, D), jnp.float32) for _ in range(NBUF)]
            + [pltpu.VMEM_SHARED((N_PAD, D), jnp.float32)]
            + [pltpu.SemaphoreType.DMA for _ in range(NBUF)]
        ),
    )



R_BLK = 2000
GRID = N // R_BLK


def _tc1_body(x_ref, w_ref, d0_ref, d1_ref, o_ref, dis_ref):
    deg = d0_ref[:, 0:1] + d1_ref[:, 0:1] + 1.0
    dis = lax.rsqrt(deg)
    h = jnp.dot(x_ref[:], w_ref[:], preferred_element_type=jnp.float32)
    o_ref[:] = h * dis
    dis_ref[:] = jnp.broadcast_to(dis, (R_BLK, D))


def _tc2_body(p0_ref, p1_ref, hp_ref, dis_ref, b_ref, w_ref, o_ref):
    dis = dis_ref[:]
    z = dis * (p0_ref[:] + p1_ref[:] + hp_ref[:]) + b_ref[:]
    h = jnp.maximum(z, 0.0)
    h2 = jnp.dot(h, w_ref[:], preferred_element_type=jnp.float32)
    o_ref[:] = h2 * dis


def _tc3_body(p0_ref, p1_ref, hp_ref, dis_ref, b_ref, o_ref):
    o_ref[:] = dis_ref[:] * (p0_ref[:] + p1_ref[:] + hp_ref[:]) + b_ref[:]


_row_spec = pl.BlockSpec((R_BLK, D), lambda i: (i, 0))
_w_spec = pl.BlockSpec((D, D), lambda i: (0, 0))
_b_spec = pl.BlockSpec((1, D), lambda i: (0, 0))
_out_sd = jax.ShapeDtypeStruct((N, D), jnp.float32)

_tc1 = pl.pallas_call(
    _tc1_body, grid=(GRID,),
    in_specs=[_row_spec, _w_spec, _row_spec, _row_spec],
    out_specs=[_row_spec, _row_spec], out_shape=[_out_sd, _out_sd])

_tc2 = pl.pallas_call(
    _tc2_body, grid=(GRID,),
    in_specs=[_row_spec, _row_spec, _row_spec, _row_spec, _b_spec, _w_spec],
    out_specs=_row_spec, out_shape=_out_sd)

_tc3 = pl.pallas_call(
    _tc3_body, grid=(GRID,),
    in_specs=[_row_spec, _row_spec, _row_spec, _row_spec, _b_spec],
    out_specs=_row_spec, out_shape=_out_sd)



def kernel(x, edge_index, W1, b1, W2, b2):
    src = edge_index[0]
    dst = edge_index[1]
    e_alloc = E_PAD + (NBUF - 1) * AEB
    src_p = jnp.concatenate([src, jnp.zeros((e_alloc - E,), jnp.int32)])
    dst_p = jnp.concatenate([dst, jnp.full((e_alloc - E,), N, jnp.int32)])
    pairs = jnp.stack(
        [src_p.reshape(-1, AEB), dst_p.reshape(-1, AEB)], axis=1
    ).reshape(-1, AEB)

    ones128 = jnp.zeros((EB, D), jnp.float32).at[:, 0].set(1.0)
    zeros128 = jnp.zeros((EB, D), jnp.float32)
    zeros_a = jnp.zeros((AEB, D), jnp.float32)

    degc = _deg_call()(dst_p[:E_PAD], ones128, zeros128)

    b1r = b1.reshape(1, D)
    b2r = b2.reshape(1, D)

    h1p, dis = _tc1(x, W1, degc[:N], degc[N_PAD:N_PAD + N])
    s1 = _agg_call()(h1p, pairs, zeros_a)
    h2p = _tc2(s1[:N], s1[N_PAD:N_PAD + N], h1p, dis, b1r, W2)
    s2 = _agg_call()(h2p, pairs, zeros_a)
    return _tc3(s2[:N], s2[N_PAD:N_PAD + N], h2p, dis, b2r)

# --- scband reference (transcript-rebuilt; emitter-appended) ---
"""Pipeline reference for scband-simple-gcn-47132971106898 (READ-ONLY COPY).

The authoritative reference and input builder live on the scoring server;
editing this copy changes nothing except your own understanding.
"""

import jax, jax.numpy as jnp
import numpy as np

N_NODES = 10000
N_EDGES = 320000
D_IN = 128
D_HID = 128
D_OUT = 128


def _glorot(key, shape):
    fan_in, fan_out = shape[0], shape[1]
    limit = np.sqrt(6.0 / (fan_in + fan_out))
    return jax.random.uniform(key, shape, jnp.float32, -limit, limit)


def setup_inputs(seed: int = 0) -> dict:
    key = jax.random.key(seed)
    k1, k2, k3, k4 = jax.random.split(key, 4)
    x = jax.random.normal(k1, (N_NODES, D_IN), dtype=jnp.float32)
    edge_index = jax.random.randint(k2, (2, N_EDGES), 0, N_NODES, dtype=jnp.int32)
    W1 = _glorot(k3, (D_IN, D_HID))
    b1 = jnp.zeros((D_HID,), jnp.float32)
    W2 = _glorot(k4, (D_HID, D_OUT))
    b2 = jnp.zeros((D_OUT,), jnp.float32)
    return {"x": x, "edge_index": edge_index, "W1": W1, "b1": b1, "W2": W2, "b2": b2}


def _gcn_conv(x, edge_index, W, b):
    # Faithful GCNConv: add self-loops, symmetric D^{-1/2}(A+I)D^{-1/2} normalization,
    # linear transform, scatter-add aggregation, bias.
    N = x.shape[0]
    loops = jnp.arange(N, dtype=edge_index.dtype)
    src = jnp.concatenate([edge_index[0], loops])
    dst = jnp.concatenate([edge_index[1], loops])
    deg = jnp.zeros((N,), x.dtype).at[dst].add(1.0)
    deg_inv_sqrt = jnp.where(deg > 0, jax.lax.rsqrt(jnp.maximum(deg, 1e-12)), 0.0)
    norm = deg_inv_sqrt[src] * deg_inv_sqrt[dst]
    h = x @ W
    msg = h[src] * norm[:, None]
    out = jax.ops.segment_sum(msg, dst, num_segments=N)
    return out + b


def reference(x, edge_index, W1, b1, W2, b2):
    h = _gcn_conv(x, edge_index, W1, b1)
    h = jax.nn.relu(h)
    out = _gcn_conv(h, edge_index, W2, b2)
    return out

if __name__ == "__main__":
    import jax
    _d = setup_inputs()
    print(jax.jit(kernel)(*tuple(_d.values())))

</pallas_src>

<mosaic_0001>
#map = affine_map<(d0, d1) -> (0)>
#map1 = affine_map<(d0, d1) -> (0, 0)>
module attributes {stable_mosaic.version = 14 : i64} {
  func.func @_deg_body(%arg0: i32, %arg1: i32, %arg2: memref<327680xi32, #tpu.memory_space<hbm>>, %arg3: memref<128x128xf32, #tpu.memory_space<hbm>>, %arg4: memref<128x128xf32, #tpu.memory_space<hbm>>, %arg5: memref<20480x128xf32, #tpu.memory_space<hbm>>, %arg6: memref<128xi32, #tpu.memory_space<vmem>>, %arg7: memref<128x128xf32, #tpu.memory_space<vmem>>, %arg8: memref<10240x128xf32, #tpu.memory_space<vmem_shared>>) attributes {dimension_semantics = [#tpu.dimension_semantics<core_parallel>, #tpu.dimension_semantics<subcore_parallel>], iteration_bounds = array<i64: 2, 16>, scalar_prefetch = 0 : i64, scratch_operands = 3 : i64, tpu.core_type = #tpu.core_type<sc_vector_subcore>, window_params = [{transform_indices = #map}, {transform_indices = #map1}, {transform_indices = #map1}, {transform_indices = #map1}]} {
    "tpu.region"() ({
      %run_scoped3A = tpu.sem_alloc : memref<!tpu.dma_semaphore, #tpu.memory_space<semaphore_mem>>
      tpu.enqueue_dma source(%arg4 : memref<128x128xf32, #tpu.memory_space<hbm>>) target(%arg7 : memref<128x128xf32, #tpu.memory_space<vmem>>) target_semaphore(%run_scoped3A : memref<!tpu.dma_semaphore, #tpu.memory_space<semaphore_mem>>)
      tpu.wait_dma2 semaphore(%run_scoped3A : memref<!tpu.dma_semaphore, #tpu.memory_space<semaphore_mem>>) src(%arg4 : memref<128x128xf32, #tpu.memory_space<hbm>>) dst(%arg7 : memref<128x128xf32, #tpu.memory_space<vmem>>)
      tpu.yield
    }) : () -> ()
    %mul3A = arith.constant 640 : i32
    %mul3A_0 = arith.muli %arg1, %mul3A : i32
    %add3A = arith.constant 0 : i32
    %add3A_1 = arith.addi %mul3A_0, %add3A : i32
    "tpu.region"() ({
      %run_scoped3A = tpu.sem_alloc : memref<!tpu.dma_semaphore, #tpu.memory_space<semaphore_mem>>
      %dma_start3A = arith.constant 0 : i32
      %dma_start3A_64 = tpu.memref_slice %arg8[%add3A_1, %dma_start3A] : memref<10240x128xf32, #tpu.memory_space<vmem_shared>> -> memref<128x128xf32, #tpu.memory_space<vmem_shared>>
      %dma_start3A_65 = arith.constant 0 : i32
      %dma_start3A_66 = tpu.memref_slice %arg8[%add3A_1, %dma_start3A_65] : memref<10240x128xf32, #tpu.memory_space<vmem_shared>> -> memref<128x128xf32, #tpu.memory_space<vmem_shared>>
      tpu.enqueue_dma source(%arg7 : memref<128x128xf32, #tpu.memory_space<vmem>>) target(%dma_start3A_66 : memref<128x128xf32, #tpu.memory_space<vmem_shared>>) target_semaphore(%run_scoped3A : memref<!tpu.dma_semaphore, #tpu.memory_space<semaphore_mem>>)
      %dma_wait3A = arith.constant 0 : i32
      %dma_wait3A_67 = tpu.memref_slice %arg8[%add3A_1, %dma_wait3A] : memref<10240x128xf32, #tpu.memory_space<vmem_shared>> -> memref<128x128xf32, #tpu.memory_space<vmem_shared>>
      %dma_wait3A_68 = arith.constant 0 : i32
      %dma_wait3A_69 = tpu.memref_slice %arg8[%add3A_1, %dma_wait3A_68] : memref<10240x128xf32, #tpu.memory_space<vmem_shared>> -> memref<128x128xf32, #tpu.memory_space<vmem_shared>>
      tpu.wait_dma2 semaphore(%run_scoped3A : memref<!tpu.dma_semaphore, #tpu.memory_space<semaphore_mem>>) src(%arg7 : memref<128x128xf32, #tpu.memory_space<vmem>>) dst(%dma_wait3A_69 : memref<128x128xf32, #tpu.memory_space<vmem_shared>>)
      tpu.yield
    }) : () -> ()
    %mul3A_2 = arith.constant 640 : i32
    %mul3A_3 = arith.muli %arg1, %mul3A_2 : i32
    %add3A_4 = arith.constant 128 : i32
    %add3A_5 = arith.addi %mul3A_3, %add3A_4 : i32
    "tpu.region"() ({
      %run_scoped3A = tpu.sem_alloc : memref<!tpu.dma_semaphore, #tpu.memory_space<semaphore_mem>>
      %dma_start3A = arith.constant 0 : i32
      %dma_start3A_64 = tpu.memref_slice %arg8[%add3A_5, %dma_start3A] : memref<10240x128xf32, #tpu.memory_space<vmem_shared>> -> memref<128x128xf32, #tpu.memory_space<vmem_shared>>
      %dma_start3A_65 = arith.constant 0 : i32
      %dma_start3A_66 = tpu.memref_slice %arg8[%add3A_5, %dma_start3A_65] : memref<10240x128xf32, #tpu.memory_space<vmem_shared>> -> memref<128x128xf32, #tpu.memory_space<vmem_shared>>
      tpu.enqueue_dma source(%arg7 : memref<128x128xf32, #tpu.memory_space<vmem>>) target(%dma_start3A_66 : memref<128x128xf32, #tpu.memory_space<vmem_shared>>) target_semaphore(%run_scoped3A : memref<!tpu.dma_semaphore, #tpu.memory_space<semaphore_mem>>)
      %dma_wait3A = arith.constant 0 : i32
      %dma_wait3A_67 = tpu.memref_slice %arg8[%add3A_5, %dma_wait3A] : memref<10240x128xf32, #tpu.memory_space<vmem_shared>> -> memref<128x128xf32, #tpu.memory_space<vmem_shared>>
      %dma_wait3A_68 = arith.constant 0 : i32
      %dma_wait3A_69 = tpu.memref_slice %arg8[%add3A_5, %dma_wait3A_68] : memref<10240x128xf32, #tpu.memory_space<vmem_shared>> -> memref<128x128xf32, #tpu.memory_space<vmem_shared>>
      tpu.wait_dma2 semaphore(%run_scoped3A : memref<!tpu.dma_semaphore, #tpu.memory_space<semaphore_mem>>) src(%arg7 : memref<128x128xf32, #tpu.memory_space<vmem>>) dst(%dma_wait3A_69 : memref<128x128xf32, #tpu.memory_space<vmem_shared>>)
      tpu.yield
    }) : () -> ()
    %mul3A_6 = arith.constant 640 : i32
    %mul3A_7 = arith.muli %arg1, %mul3A_6 : i32
    %add3A_8 = arith.constant 256 : i32
    %add3A_9 = arith.addi %mul3A_7, %add3A_8 : i32
    "tpu.region"() ({
      %run_scoped3A = tpu.sem_alloc : memref<!tpu.dma_semaphore, #tpu.memory_space<semaphore_mem>>
      %dma_start3A = arith.constant 0 : i32
      %dma_start3A_64 = tpu.memref_slice %arg8[%add3A_9, %dma_start3A] : memref<10240x128xf32, #tpu.memory_space<vmem_shared>> -> memref<128x128xf32, #tpu.memory_space<vmem_shared>>
      %dma_start3A_65 = arith.constant 0 : i32
      %dma_start3A_66 = tpu.memref_slice %arg8[%add3A_9, %dma_start3A_65] : memref<10240x128xf32, #tpu.memory_space<vmem_shared>> -> memref<128x128xf32, #tpu.memory_space<vmem_shared>>
      tpu.enqueue_dma source(%arg7 : memref<128x128xf32, #tpu.memory_space<vmem>>) target(%dma_start3A_66 : memref<128x128xf32, #tpu.memory_space<vmem_shared>>) target_semaphore(%run_scoped3A : memref<!tpu.dma_semaphore, #tpu.memory_space<semaphore_mem>>)
      %dma_wait3A = arith.constant 0 : i32
      %dma_wait3A_67 = tpu.memref_slice %arg8[%add3A_9, %dma_wait3A] : memref<10240x128xf32, #tpu.memory_space<vmem_shared>> -> memref<128x128xf32, #tpu.memory_space<vmem_shared>>
      %dma_wait3A_68 = arith.constant 0 : i32
      %dma_wait3A_69 = tpu.memref_slice %arg8[%add3A_9, %dma_wait3A_68] : memref<10240x128xf32, #tpu.memory_space<vmem_shared>> -> memref<128x128xf32, #tpu.memory_space<vmem_shared>>
      tpu.wait_dma2 semaphore(%run_scoped3A : memref<!tpu.dma_semaphore, #tpu.memory_space<semaphore_mem>>) src(%arg7 : memref<128x128xf32, #tpu.memory_space<vmem>>) dst(%dma_wait3A_69 : memref<128x128xf32, #tpu.memory_space<vmem_shared>>)
      tpu.yield
    }) : () -> ()
    %mul3A_10 = arith.constant 640 : i32
    %mul3A_11 = arith.muli %arg1, %mul3A_10 : i32
    %add3A_12 = arith.constant 384 : i32
    %add3A_13 = arith.addi %mul3A_11, %add3A_12 : i32
    "tpu.region"() ({
      %run_scoped3A = tpu.sem_alloc : memref<!tpu.dma_semaphore, #tpu.memory_space<semaphore_mem>>
      %dma_start3A = arith.constant 0 : i32
      %dma_start3A_64 = tpu.memref_slice %arg8[%add3A_13, %dma_start3A] : memref<10240x128xf32, #tpu.memory_space<vmem_shared>> -> memref<128x128xf32, #tpu.memory_space<vmem_shared>>
      %dma_start3A_65 = arith.constant 0 : i32
      %dma_start3A_66 = tpu.memref_slice %arg8[%add3A_13, %dma_start3A_65] : memref<10240x128xf32, #tpu.memory_space<vmem_shared>> -> memref<128x128xf32, #tpu.memory_space<vmem_shared>>
      tpu.enqueue_dma source(%arg7 : memref<128x128xf32, #tpu.memory_space<vmem>>) target(%dma_start3A_66 : memref<128x128xf32, #tpu.memory_space<vmem_shared>>) target_semaphore(%run_scoped3A : memref<!tpu.dma_semaphore, #tpu.memory_space<semaphore_mem>>)
      %dma_wait3A = arith.constant 0 : i32
      %dma_wait3A_67 = tpu.memref_slice %arg8[%add3A_13, %dma_wait3A] : memref<10240x128xf32, #tpu.memory_space<vmem_shared>> -> memref<128x128xf32, #tpu.memory_space<vmem_shared>>
      %dma_wait3A_68 = arith.constant 0 : i32
      %dma_wait3A_69 = tpu.memref_slice %arg8[%add3A_13, %dma_wait3A_68] : memref<10240x128xf32, #tpu.memory_space<vmem_shared>> -> memref<128x128xf32, #tpu.memory_space<vmem_shared>>
      tpu.wait_dma2 semaphore(%run_scoped3A : memref<!tpu.dma_semaphore, #tpu.memory_space<semaphore_mem>>) src(%arg7 : memref<128x128xf32, #tpu.memory_space<vmem>>) dst(%dma_wait3A_69 : memref<128x128xf32, #tpu.memory_space<vmem_shared>>)
      tpu.yield
    }) : () -> ()
    %mul3A_14 = arith.constant 640 : i32
    %mul3A_15 = arith.muli %arg1, %mul3A_14 : i32
    %add3A_16 = arith.constant 512 : i32
    %add3A_17 = arith.addi %mul3A_15, %add3A_16 : i32
    "tpu.region"() ({
      %run_scoped3A = tpu.sem_alloc : memref<!tpu.dma_semaphore, #tpu.memory_space<semaphore_mem>>
      %dma_start3A = arith.constant 0 : i32
      %dma_start3A_64 = tpu.memref_slice %arg8[%add3A_17, %dma_start3A] : memref<10240x128xf32, #tpu.memory_space<vmem_shared>> -> memref<128x128xf32, #tpu.memory_space<vmem_shared>>
      %dma_start3A_65 = arith.constant 0 : i32
      %dma_start3A_66 = tpu.memref_slice %arg8[%add3A_17, %dma_start3A_65] : memref<10240x128xf32, #tpu.memory_space<vmem_shared>> -> memref<128x128xf32, #tpu.memory_space<vmem_shared>>
      tpu.enqueue_dma source(%arg7 : memref<128x128xf32, #tpu.memory_space<vmem>>) target(%dma_start3A_66 : memref<128x128xf32, #tpu.memory_space<vmem_shared>>) target_semaphore(%run_scoped3A : memref<!tpu.dma_semaphore, #tpu.memory_space<semaphore_mem>>)
      %dma_wait3A = arith.constant 0 : i32
      %dma_wait3A_67 = tpu.memref_slice %arg8[%add3A_17, %dma_wait3A] : memref<10240x128xf32, #tpu.memory_space<vmem_shared>> -> memref<128x128xf32, #tpu.memory_space<vmem_shared>>
      %dma_wait3A_68 = arith.constant 0 : i32
      %dma_wait3A_69 = tpu.memref_slice %arg8[%add3A_17, %dma_wait3A_68] : memref<10240x128xf32, #tpu.memory_space<vmem_shared>> -> memref<128x128xf32, #tpu.memory_space<vmem_shared>>
      tpu.wait_dma2 semaphore(%run_scoped3A : memref<!tpu.dma_semaphore, #tpu.memory_space<semaphore_mem>>) src(%arg7 : memref<128x128xf32, #tpu.memory_space<vmem>>) dst(%dma_wait3A_69 : memref<128x128xf32, #tpu.memory_space<vmem_shared>>)
      tpu.yield
    }) : () -> ()
    "tpu.region"() ({
      %run_scoped3A = tpu.sem_alloc : memref<!tpu.dma_semaphore, #tpu.memory_space<semaphore_mem>>
      tpu.enqueue_dma source(%arg3 : memref<128x128xf32, #tpu.memory_space<hbm>>) target(%arg7 : memref<128x128xf32, #tpu.memory_space<vmem>>) target_semaphore(%run_scoped3A : memref<!tpu.dma_semaphore, #tpu.memory_space<semaphore_mem>>)
      tpu.wait_dma2 semaphore(%run_scoped3A : memref<!tpu.dma_semaphore, #tpu.memory_space<semaphore_mem>>) src(%arg3 : memref<128x128xf32, #tpu.memory_space<hbm>>) dst(%arg7 : memref<128x128xf32, #tpu.memory_space<vmem>>)
      tpu.yield
    }) : () -> ()
    %barrier3A = arith.constant 0 : index
    tpu.barrier barrier_id(%barrier3A)
    %mul3A_18 = arith.constant 163840 : i32
    %mul3A_19 = arith.muli %arg0, %mul3A_18 : i32
    %mul3A_20 = arith.constant 10240 : i32
    %mul3A_21 = arith.muli %arg1, %mul3A_20 : i32
    %add3A_22 = arith.addi %mul3A_19, %mul3A_21 : i32
    %scan3A = arith.constant 0 : i32
    %scan3A_23 = arith.constant 0 : i32
    %scan3A_24 = arith.constant 80 : i32
    %scan3A_25 = arith.addi %scan3A_23, %scan3A_24 : i32
    %scan3A_26 = arith.constant 1 : i32
    scf.for %scan3A_64 = %scan3A_23 to %scan3A_25 step %scan3A_26  : i32 {
      %mul3A_65 = arith.constant 128 : i32
      %mul3A_66 = arith.muli %scan3A_64, %mul3A_65 : i32
      %add3A_67 = arith.addi %add3A_22, %mul3A_66 : i32
      "tpu.region"() ({
        %run_scoped3A = tpu.sem_alloc : memref<!tpu.dma_semaphore, #tpu.memory_space<semaphore_mem>>
        %dma_start3A = tpu.memref_slice %arg2[%add3A_67] : memref<327680xi32, #tpu.memory_space<hbm>> -> memref<128xi32, #tpu.memory_space<hbm>>
        %dma_start3A_68 = tpu.memref_slice %arg2[%add3A_67] : memref<327680xi32, #tpu.memory_space<hbm>> -> memref<128xi32, #tpu.memory_space<hbm>>
        tpu.enqueue_dma source(%dma_start3A_68 : memref<128xi32, #tpu.memory_space<hbm>>) target(%arg6 : memref<128xi32, #tpu.memory_space<vmem>>) target_semaphore(%run_scoped3A : memref<!tpu.dma_semaphore, #tpu.memory_space<semaphore_mem>>)
        %dma_wait3A = tpu.memref_slice %arg2[%add3A_67] : memref<327680xi32, #tpu.memory_space<hbm>> -> memref<128xi32, #tpu.memory_space<hbm>>
        %dma_wait3A_69 = tpu.memref_slice %arg2[%add3A_67] : memref<327680xi32, #tpu.memory_space<hbm>> -> memref<128xi32, #tpu.memory_space<hbm>>
        tpu.wait_dma2 semaphore(%run_scoped3A : memref<!tpu.dma_semaphore, #tpu.memory_space<semaphore_mem>>) src(%dma_wait3A_69 : memref<128xi32, #tpu.memory_space<hbm>>) dst(%arg6 : memref<128xi32, #tpu.memory_space<vmem>>)
        tpu.yield
      }) : () -> ()
      "tpu.region"() ({
        %run_scoped3A = tpu.sem_alloc : memref<!tpu.dma_semaphore, #tpu.memory_space<semaphore_mem>>
        %dma_start3A = arith.constant 0 : i32
        %dma_start3A_68 = arith.constant 0 : i32
        %dma_start3A_69 = tpu.memref_slice %arg8[%dma_start3A, %dma_start3A_68] : memref<10240x128xf32, #tpu.memory_space<vmem_shared>> -> memref<10240x128xf32, #tpu.memory_space<vmem_shared>>
        tpu.enqueue_indirect_dma source(%arg7 : memref<128x128xf32, #tpu.memory_space<vmem>>) target(%dma_start3A_69 : memref<10240x128xf32, #tpu.memory_space<vmem_shared>>) offsets(%arg6 : memref<128xi32, #tpu.memory_space<vmem>>) semaphore(%run_scoped3A : memref<!tpu.dma_semaphore, #tpu.memory_space<semaphore_mem>>) {add = true}
        %dma_wait3A = arith.constant 0 : i32
        %dma_wait3A_70 = arith.constant 0 : i32
        %dma_wait3A_71 = tpu.memref_slice %arg8[%dma_wait3A, %dma_wait3A_70] : memref<10240x128xf32, #tpu.memory_space<vmem_shared>> -> memref<10240x128xf32, #tpu.memory_space<vmem_shared>>
        tpu.wait_indirect_dma semaphore(%run_scoped3A : memref<!tpu.dma_semaphore, #tpu.memory_space<semaphore_mem>>) src(%arg7 : memref<128x128xf32, #tpu.memory_space<vmem>>) dst(%dma_wait3A_71 : memref<10240x128xf32, #tpu.memory_space<vmem_shared>>)
        tpu.yield
      }) : () -> ()
    }
    %scan3A_27 = arith.constant 80 : i32
    %barrier3A_28 = arith.constant 0 : index
    tpu.barrier barrier_id(%barrier3A_28)
    %mul3A_29 = arith.constant 640 : i32
    %mul3A_30 = arith.muli %arg1, %mul3A_29 : i32
    %add3A_31 = arith.constant 0 : i32
    %add3A_32 = arith.addi %mul3A_30, %add3A_31 : i32
    "tpu.region"() ({
      %run_scoped3A = tpu.sem_alloc : memref<!tpu.dma_semaphore, #tpu.memory_space<semaphore_mem>>
      %dma_start3A = arith.constant 0 : i32
      %dma_start3A_64 = tpu.memref_slice %arg8[%add3A_32, %dma_start3A] : memref<10240x128xf32, #tpu.memory_space<vmem_shared>> -> memref<128x128xf32, #tpu.memory_space<vmem_shared>>
      %dma_start3A_65 = arith.constant 0 : i32
      %dma_start3A_66 = tpu.memref_slice %arg8[%add3A_32, %dma_start3A_65] : memref<10240x128xf32, #tpu.memory_space<vmem_shared>> -> memref<128x128xf32, #tpu.memory_space<vmem_shared>>
      tpu.enqueue_dma source(%dma_start3A_66 : memref<128x128xf32, #tpu.memory_space<vmem_shared>>) target(%arg7 : memref<128x128xf32, #tpu.memory_space<vmem>>) target_semaphore(%run_scoped3A : memref<!tpu.dma_semaphore, #tpu.memory_space<semaphore_mem>>)
      %dma_wait3A = arith.constant 0 : i32
      %dma_wait3A_67 = tpu.memref_slice %arg8[%add3A_32, %dma_wait3A] : memref<10240x128xf32, #tpu.memory_space<vmem_shared>> -> memref<128x128xf32, #tpu.memory_space<vmem_shared>>
      %dma_wait3A_68 = arith.constant 0 : i32
      %dma_wait3A_69 = tpu.memref_slice %arg8[%add3A_32, %dma_wait3A_68] : memref<10240x128xf32, #tpu.memory_space<vmem_shared>> -> memref<128x128xf32, #tpu.memory_space<vmem_shared>>
      tpu.wait_dma2 semaphore(%run_scoped3A : memref<!tpu.dma_semaphore, #tpu.memory_space<semaphore_mem>>) src(%dma_wait3A_69 : memref<128x128xf32, #tpu.memory_space<vmem_shared>>) dst(%arg7 : memref<128x128xf32, #tpu.memory_space<vmem>>)
      tpu.yield
    }) : () -> ()
    %mul3A_33 = arith.constant 10240 : i32
    %mul3A_34 = arith.muli %arg0, %mul3A_33 : i32
    %add3A_35 = arith.addi %mul3A_34, %add3A_32 : i32
    "tpu.region"() ({
      %run_scoped3A = tpu.sem_alloc : memref<!tpu.dma_semaphore, #tpu.memory_space<semaphore_mem>>
      %dma_start3A = arith.constant 0 : i32
      %dma_start3A_64 = tpu.memref_slice %arg5[%add3A_35, %dma_start3A] : memref<20480x128xf32, #tpu.memory_space<hbm>> -> memref<128x128xf32, #tpu.memory_space<hbm>>
      %dma_start3A_65 = arith.constant 0 : i32
      %dma_start3A_66 = tpu.memref_slice %arg5[%add3A_35, %dma_start3A_65] : memref<20480x128xf32, #tpu.memory_space<hbm>> -> memref<128x128xf32, #tpu.memory_space<hbm>>
      tpu.enqueue_dma source(%arg7 : memref<128x128xf32, #tpu.memory_space<vmem>>) target(%dma_start3A_66 : memref<128x128xf32, #tpu.memory_space<hbm>>) target_semaphore(%run_scoped3A : memref<!tpu.dma_semaphore, #tpu.memory_space<semaphore_mem>>)
      %dma_wait3A = arith.constant 0 : i32
      %dma_wait3A_67 = tpu.memref_slice %arg5[%add3A_35, %dma_wait3A] : memref<20480x128xf32, #tpu.memory_space<hbm>> -> memref<128x128xf32, #tpu.memory_space<hbm>>
      %dma_wait3A_68 = arith.constant 0 : i32
      %dma_wait3A_69 = tpu.memref_slice %arg5[%add3A_35, %dma_wait3A_68] : memref<20480x128xf32, #tpu.memory_space<hbm>> -> memref<128x128xf32, #tpu.memory_space<hbm>>
      tpu.wait_dma2 semaphore(%run_scoped3A : memref<!tpu.dma_semaphore, #tpu.memory_space<semaphore_mem>>) src(%arg7 : memref<128x128xf32, #tpu.memory_space<vmem>>) dst(%dma_wait3A_69 : memref<128x128xf32, #tpu.memory_space<hbm>>)
      tpu.yield
    }) : () -> ()
    %mul3A_36 = arith.constant 640 : i32
    %mul3A_37 = arith.muli %arg1, %mul3A_36 : i32
    %add3A_38 = arith.constant 128 : i32
    %add3A_39 = arith.addi %mul3A_37, %add3A_38 : i32
    "tpu.region"() ({
      %run_scoped3A = tpu.sem_alloc : memref<!tpu.dma_semaphore, #tpu.memory_space<semaphore_mem>>
      %dma_start3A = arith.constant 0 : i32
      %dma_start3A_64 = tpu.memref_slice %arg8[%add3A_39, %dma_start3A] : memref<10240x128xf32, #tpu.memory_space<vmem_shared>> -> memref<128x128xf32, #tpu.memory_space<vmem_shared>>
      %dma_start3A_65 = arith.constant 0 : i32
      %dma_start3A_66 = tpu.memref_slice %arg8[%add3A_39, %dma_start3A_65] : memref<10240x128xf32, #tpu.memory_space<vmem_shared>> -> memref<128x128xf32, #tpu.memory_space<vmem_shared>>
      tpu.enqueue_dma source(%dma_start3A_66 : memref<128x128xf32, #tpu.memory_space<vmem_shared>>) target(%arg7 : memref<128x128xf32, #tpu.memory_space<vmem>>) target_semaphore(%run_scoped3A : memref<!tpu.dma_semaphore, #tpu.memory_space<semaphore_mem>>)
      %dma_wait3A = arith.constant 0 : i32
      %dma_wait3A_67 = tpu.memref_slice %arg8[%add3A_39, %dma_wait3A] : memref<10240x128xf32, #tpu.memory_space<vmem_shared>> -> memref<128x128xf32, #tpu.memory_space<vmem_shared>>
      %dma_wait3A_68 = arith.constant 0 : i32
      %dma_wait3A_69 = tpu.memref_slice %arg8[%add3A_39, %dma_wait3A_68] : memref<10240x128xf32, #tpu.memory_space<vmem_shared>> -> memref<128x128xf32, #tpu.memory_space<vmem_shared>>
      tpu.wait_dma2 semaphore(%run_scoped3A : memref<!tpu.dma_semaphore, #tpu.memory_space<semaphore_mem>>) src(%dma_wait3A_69 : memref<128x128xf32, #tpu.memory_space<vmem_shared>>) dst(%arg7 : memref<128x128xf32, #tpu.memory_space<vmem>>)
      tpu.yield
    }) : () -> ()
    %mul3A_40 = arith.constant 10240 : i32
    %mul3A_41 = arith.muli %arg0, %mul3A_40 : i32
    %add3A_42 = arith.addi %mul3A_41, %add3A_39 : i32
    "tpu.region"() ({
      %run_scoped3A = tpu.sem_alloc : memref<!tpu.dma_semaphore, #tpu.memory_space<semaphore_mem>>
      %dma_start3A = arith.constant 0 : i32
      %dma_start3A_64 = tpu.memref_slice %arg5[%add3A_42, %dma_start3A] : memref<20480x128xf32, #tpu.memory_space<hbm>> -> memref<128x128xf32, #tpu.memory_space<hbm>>
      %dma_start3A_65 = arith.constant 0 : i32
      %dma_start3A_66 = tpu.memref_slice %arg5[%add3A_42, %dma_start3A_65] : memref<20480x128xf32, #tpu.memory_space<hbm>> -> memref<128x128xf32, #tpu.memory_space<hbm>>
      tpu.enqueue_dma source(%arg7 : memref<128x128xf32, #tpu.memory_space<vmem>>) target(%dma_start3A_66 : memref<128x128xf32, #tpu.memory_space<hbm>>) target_semaphore(%run_scoped3A : memref<!tpu.dma_semaphore, #tpu.memory_space<semaphore_mem>>)
      %dma_wait3A = arith.constant 0 : i32
      %dma_wait3A_67 = tpu.memref_slice %arg5[%add3A_42, %dma_wait3A] : memref<20480x128xf32, #tpu.memory_space<hbm>> -> memref<128x128xf32, #tpu.memory_space<hbm>>
      %dma_wait3A_68 = arith.constant 0 : i32
      %dma_wait3A_69 = tpu.memref_slice %arg5[%add3A_42, %dma_wait3A_68] : memref<20480x128xf32, #tpu.memory_space<hbm>> -> memref<128x128xf32, #tpu.memory_space<hbm>>
      tpu.wait_dma2 semaphore(%run_scoped3A : memref<!tpu.dma_semaphore, #tpu.memory_space<semaphore_mem>>) src(%arg7 : memref<128x128xf32, #tpu.memory_space<vmem>>) dst(%dma_wait3A_69 : memref<128x128xf32, #tpu.memory_space<hbm>>)
      tpu.yield
    }) : () -> ()
    %mul3A_43 = arith.constant 640 : i32
    %mul3A_44 = arith.muli %arg1, %mul3A_43 : i32
    %add3A_45 = arith.constant 256 : i32
    %add3A_46 = arith.addi %mul3A_44, %add3A_45 : i32
    "tpu.region"() ({
      %run_scoped3A = tpu.sem_alloc : memref<!tpu.dma_semaphore, #tpu.memory_space<semaphore_mem>>
      %dma_start3A = arith.constant 0 : i32
      %dma_start3A_64 = tpu.memref_slice %arg8[%add3A_46, %dma_start3A] : memref<10240x128xf32, #tpu.memory_space<vmem_shared>> -> memref<128x128xf32, #tpu.memory_space<vmem_shared>>
      %dma_start3A_65 = arith.constant 0 : i32
      %dma_start3A_66 = tpu.memref_slice %arg8[%add3A_46, %dma_start3A_65] : memref<10240x128xf32, #tpu.memory_space<vmem_shared>> -> memref<128x128xf32, #tpu.memory_space<vmem_shared>>
      tpu.enqueue_dma source(%dma_start3A_66 : memref<128x128xf32, #tpu.memory_space<vmem_shared>>) target(%arg7 : memref<128x128xf32, #tpu.memory_space<vmem>>) target_semaphore(%run_scoped3A : memref<!tpu.dma_semaphore, #tpu.memory_space<semaphore_mem>>)
      %dma_wait3A = arith.constant 0 : i32
      %dma_wait3A_67 = tpu.memref_slice %arg8[%add3A_46, %dma_wait3A] : memref<10240x128xf32, #tpu.memory_space<vmem_shared>> -> memref<128x128xf32, #tpu.memory_space<vmem_shared>>
      %dma_wait3A_68 = arith.constant 0 : i32
      %dma_wait3A_69 = tpu.memref_slice %arg8[%add3A_46, %dma_wait3A_68] : memref<10240x128xf32, #tpu.memory_space<vmem_shared>> -> memref<128x128xf32, #tpu.memory_space<vmem_shared>>
      tpu.wait_dma2 semaphore(%run_scoped3A : memref<!tpu.dma_semaphore, #tpu.memory_space<semaphore_mem>>) src(%dma_wait3A_69 : memref<128x128xf32, #tpu.memory_space<vmem_shared>>) dst(%arg7 : memref<128x128xf32, #tpu.memory_space<vmem>>)
      tpu.yield
    }) : () -> ()
    %mul3A_47 = arith.constant 10240 : i32
    %mul3A_48 = arith.muli %arg0, %mul3A_47 : i32
    %add3A_49 = arith.addi %mul3A_48, %add3A_46 : i32
    "tpu.region"() ({
      %run_scoped3A = tpu.sem_alloc : memref<!tpu.dma_semaphore, #tpu.memory_space<semaphore_mem>>
      %dma_start3A = arith.constant 0 : i32
      %dma_start3A_64 = tpu.memref_slice %arg5[%add3A_49, %dma_start3A] : memref<20480x128xf32, #tpu.memory_space<hbm>> -> memref<128x128xf32, #tpu.memory_space<hbm>>
      %dma_start3A_65 = arith.constant 0 : i32
      %dma_start3A_66 = tpu.memref_slice %arg5[%add3A_49, %dma_start3A_65] : memref<20480x128xf32, #tpu.memory_space<hbm>> -> memref<128x128xf32, #tpu.memory_space<hbm>>
      tpu.enqueue_dma source(%arg7 : memref<128x128xf32, #tpu.memory_space<vmem>>) target(%dma_start3A_66 : memref<128x128xf32, #tpu.memory_space<hbm>>) target_semaphore(%run_scoped3A : memref<!tpu.dma_semaphore, #tpu.memory_space<semaphore_mem>>)
      %dma_wait3A = arith.constant 0 : i32
      %dma_wait3A_67 = tpu.memref_slice %arg5[%add3A_49, %dma_wait3A] : memref<20480x128xf32, #tpu.memory_space<hbm>> -> memref<128x128xf32, #tpu.memory_space<hbm>>
      %dma_wait3A_68 = arith.constant 0 : i32
      %dma_wait3A_69 = tpu.memref_slice %arg5[%add3A_49, %dma_wait3A_68] : memref<20480x128xf32, #tpu.memory_space<hbm>> -> memref<128x128xf32, #tpu.memory_space<hbm>>
      tpu.wait_dma2 semaphore(%run_scoped3A : memref<!tpu.dma_semaphore, #tpu.memory_space<semaphore_mem>>) src(%arg7 : memref<128x128xf32, #tpu.memory_space<vmem>>) dst(%dma_wait3A_69 : memref<128x128xf32, #tpu.memory_space<hbm>>)
      tpu.yield
    }) : () -> ()
    %mul3A_50 = arith.constant 640 : i32
    %mul3A_51 = arith.muli %arg1, %mul3A_50 : i32
    %add3A_52 = arith.constant 384 : i32
    %add3A_53 = arith.addi %mul3A_51, %add3A_52 : i32
    "tpu.region"() ({
      %run_scoped3A = tpu.sem_alloc : memref<!tpu.dma_semaphore, #tpu.memory_space<semaphore_mem>>
      %dma_start3A = arith.constant 0 : i32
      %dma_start3A_64 = tpu.memref_slice %arg8[%add3A_53, %dma_start3A] : memref<10240x128xf32, #tpu.memory_space<vmem_shared>> -> memref<128x128xf32, #tpu.memory_space<vmem_shared>>
      %dma_start3A_65 = arith.constant 0 : i32
      %dma_start3A_66 = tpu.memref_slice %arg8[%add3A_53, %dma_start3A_65] : memref<10240x128xf32, #tpu.memory_space<vmem_shared>> -> memref<128x128xf32, #tpu.memory_space<vmem_shared>>
      tpu.enqueue_dma source(%dma_start3A_66 : memref<128x128xf32, #tpu.memory_space<vmem_shared>>) target(%arg7 : memref<128x128xf32, #tpu.memory_space<vmem>>) target_semaphore(%run_scoped3A : memref<!tpu.dma_semaphore, #tpu.memory_space<semaphore_mem>>)
      %dma_wait3A = arith.constant 0 : i32
      %dma_wait3A_67 = tpu.memref_slice %arg8[%add3A_53, %dma_wait3A] : memref<10240x128xf32, #tpu.memory_space<vmem_shared>> -> memref<128x128xf32, #tpu.memory_space<vmem_shared>>
      %dma_wait3A_68 = arith.constant 0 : i32
      %dma_wait3A_69 = tpu.memref_slice %arg8[%add3A_53, %dma_wait3A_68] : memref<10240x128xf32, #tpu.memory_space<vmem_shared>> -> memref<128x128xf32, #tpu.memory_space<vmem_shared>>
      tpu.wait_dma2 semaphore(%run_scoped3A : memref<!tpu.dma_semaphore, #tpu.memory_space<semaphore_mem>>) src(%dma_wait3A_69 : memref<128x128xf32, #tpu.memory_space<vmem_shared>>) dst(%arg7 : memref<128x128xf32, #tpu.memory_space<vmem>>)
      tpu.yield
    }) : () -> ()
    %mul3A_54 = arith.constant 10240 : i32
    %mul3A_55 = arith.muli %arg0, %mul3A_54 : i32
    %add3A_56 = arith.addi %mul3A_55, %add3A_53 : i32
    "tpu.region"() ({
      %run_scoped3A = tpu.sem_alloc : memref<!tpu.dma_semaphore, #tpu.memory_space<semaphore_mem>>
      %dma_start3A = arith.constant 0 : i32
      %dma_start3A_64 = tpu.memref_slice %arg5[%add3A_56, %dma_start3A] : memref<20480x128xf32, #tpu.memory_space<hbm>> -> memref<128x128xf32, #tpu.memory_space<hbm>>
      %dma_start3A_65 = arith.constant 0 : i32
      %dma_start3A_66 = tpu.memref_slice %arg5[%add3A_56, %dma_start3A_65] : memref<20480x128xf32, #tpu.memory_space<hbm>> -> memref<128x128xf32, #tpu.memory_space<hbm>>
      tpu.enqueue_dma source(%arg7 : memref<128x128xf32, #tpu.memory_space<vmem>>) target(%dma_start3A_66 : memref<128x128xf32, #tpu.memory_space<hbm>>) target_semaphore(%run_scoped3A : memref<!tpu.dma_semaphore, #tpu.memory_space<semaphore_mem>>)
      %dma_wait3A = arith.constant 0 : i32
      %dma_wait3A_67 = tpu.memref_slice %arg5[%add3A_56, %dma_wait3A] : memref<20480x128xf32, #tpu.memory_space<hbm>> -> memref<128x128xf32, #tpu.memory_space<hbm>>
      %dma_wait3A_68 = arith.constant 0 : i32
      %dma_wait3A_69 = tpu.memref_slice %arg5[%add3A_56, %dma_wait3A_68] : memref<20480x128xf32, #tpu.memory_space<hbm>> -> memref<128x128xf32, #tpu.memory_space<hbm>>
      tpu.wait_dma2 semaphore(%run_scoped3A : memref<!tpu.dma_semaphore, #tpu.memory_space<semaphore_mem>>) src(%arg7 : memref<128x128xf32, #tpu.memory_space<vmem>>) dst(%dma_wait3A_69 : memref<128x128xf32, #tpu.memory_space<hbm>>)
      tpu.yield
    }) : () -> ()
    %mul3A_57 = arith.constant 640 : i32
    %mul3A_58 = arith.muli %arg1, %mul3A_57 : i32
    %add3A_59 = arith.constant 512 : i32
    %add3A_60 = arith.addi %mul3A_58, %add3A_59 : i32
    "tpu.region"() ({
      %run_scoped3A = tpu.sem_alloc : memref<!tpu.dma_semaphore, #tpu.memory_space<semaphore_mem>>
      %dma_start3A = arith.constant 0 : i32
      %dma_start3A_64 = tpu.memref_slice %arg8[%add3A_60, %dma_start3A] : memref<10240x128xf32, #tpu.memory_space<vmem_shared>> -> memref<128x128xf32, #tpu.memory_space<vmem_shared>>
      %dma_start3A_65 = arith.constant 0 : i32
      %dma_start3A_66 = tpu.memref_slice %arg8[%add3A_60, %dma_start3A_65] : memref<10240x128xf32, #tpu.memory_space<vmem_shared>> -> memref<128x128xf32, #tpu.memory_space<vmem_shared>>
      tpu.enqueue_dma source(%dma_start3A_66 : memref<128x128xf32, #tpu.memory_space<vmem_shared>>) target(%arg7 : memref<128x128xf32, #tpu.memory_space<vmem>>) target_semaphore(%run_scoped3A : memref<!tpu.dma_semaphore, #tpu.memory_space<semaphore_mem>>)
      %dma_wait3A = arith.constant 0 : i32
      %dma_wait3A_67 = tpu.memref_slice %arg8[%add3A_60, %dma_wait3A] : memref<10240x128xf32, #tpu.memory_space<vmem_shared>> -> memref<128x128xf32, #tpu.memory_space<vmem_shared>>
      %dma_wait3A_68 = arith.constant 0 : i32
      %dma_wait3A_69 = tpu.memref_slice %arg8[%add3A_60, %dma_wait3A_68] : memref<10240x128xf32, #tpu.memory_space<vmem_shared>> -> memref<128x128xf32, #tpu.memory_space<vmem_shared>>
      tpu.wait_dma2 semaphore(%run_scoped3A : memref<!tpu.dma_semaphore, #tpu.memory_space<semaphore_mem>>) src(%dma_wait3A_69 : memref<128x128xf32, #tpu.memory_space<vmem_shared>>) dst(%arg7 : memref<128x128xf32, #tpu.memory_space<vmem>>)
      tpu.yield
    }) : () -> ()
    %mul3A_61 = arith.constant 10240 : i32
    %mul3A_62 = arith.muli %arg0, %mul3A_61 : i32
    %add3A_63 = arith.addi %mul3A_62, %add3A_60 : i32
    "tpu.region"() ({
      %run_scoped3A = tpu.sem_alloc : memref<!tpu.dma_semaphore, #tpu.memory_space<semaphore_mem>>
      %dma_start3A = arith.constant 0 : i32
      %dma_start3A_64 = tpu.memref_slice %arg5[%add3A_63, %dma_start3A] : memref<20480x128xf32, #tpu.memory_space<hbm>> -> memref<128x128xf32, #tpu.memory_space<hbm>>
      %dma_start3A_65 = arith.constant 0 : i32
      %dma_start3A_66 = tpu.memref_slice %arg5[%add3A_63, %dma_start3A_65] : memref<20480x128xf32, #tpu.memory_space<hbm>> -> memref<128x128xf32, #tpu.memory_space<hbm>>
      tpu.enqueue_dma source(%arg7 : memref<128x128xf32, #tpu.memory_space<vmem>>) target(%dma_start3A_66 : memref<128x128xf32, #tpu.memory_space<hbm>>) target_semaphore(%run_scoped3A : memref<!tpu.dma_semaphore, #tpu.memory_space<semaphore_mem>>)
      %dma_wait3A = arith.constant 0 : i32
      %dma_wait3A_67 = tpu.memref_slice %arg5[%add3A_63, %dma_wait3A] : memref<20480x128xf32, #tpu.memory_space<hbm>> -> memref<128x128xf32, #tpu.memory_space<hbm>>
      %dma_wait3A_68 = arith.constant 0 : i32
      %dma_wait3A_69 = tpu.memref_slice %arg5[%add3A_63, %dma_wait3A_68] : memref<20480x128xf32, #tpu.memory_space<hbm>> -> memref<128x128xf32, #tpu.memory_space<hbm>>
      tpu.wait_dma2 semaphore(%run_scoped3A : memref<!tpu.dma_semaphore, #tpu.memory_space<semaphore_mem>>) src(%arg7 : memref<128x128xf32, #tpu.memory_space<vmem>>) dst(%dma_wait3A_69 : memref<128x128xf32, #tpu.memory_space<hbm>>)
      tpu.yield
    }) : () -> ()
    return
  }
}

#map = affine_map<(d0, d1) -> (0, 0)>
module attributes {stable_mosaic.version = 14 : i64} {
  func.func @_agg_body(%arg0: i32, %arg1: i32, %arg2: memref<10000x128xf32, #tpu.memory_space<hbm>>, %arg3: memref<5122x128xi32, #tpu.memory_space<hbm>>, %arg4: memref<128x128xf32, #tpu.memory_space<hbm>>, %arg5: memref<20480x128xf32, #tpu.memory_space<hbm>>, %arg6: memref<2x128xi32, #tpu.memory_space<vmem>>, %arg7: memref<2x128xi32, #tpu.memory_space<vmem>>, %arg8: memref<128x128xf32, #tpu.memory_space<vmem>>, %arg9: memref<128x128xf32, #tpu.memory_space<vmem>>, %arg10: memref<10240x128xf32, #tpu.memory_space<vmem_shared>>, %arg11: memref<!tpu.dma_semaphore, #tpu.memory_space<semaphore_mem>>, %arg12: memref<!tpu.dma_semaphore, #tpu.memory_space<semaphore_mem>>) attributes {dimension_semantics = [#tpu.dimension_semantics<core_parallel>, #tpu.dimension_semantics<subcore_parallel>], iteration_bounds = array<i64: 2, 16>, scalar_prefetch = 0 : i64, scratch_operands = 7 : i64, tpu.core_type = #tpu.core_type<sc_vector_subcore>, window_params = [{transform_indices = #map}, {transform_indices = #map}, {transform_indices = #map}, {transform_indices = #map}]} {
    "tpu.region"() ({
      %run_scoped3A = tpu.sem_alloc : memref<!tpu.dma_semaphore, #tpu.memory_space<semaphore_mem>>
      tpu.enqueue_dma source(%arg4 : memref<128x128xf32, #tpu.memory_space<hbm>>) target(%arg8 : memref<128x128xf32, #tpu.memory_space<vmem>>) target_semaphore(%run_scoped3A : memref<!tpu.dma_semaphore, #tpu.memory_space<semaphore_mem>>)
      tpu.wait_dma2 semaphore(%run_scoped3A : memref<!tpu.dma_semaphore, #tpu.memory_space<semaphore_mem>>) src(%arg4 : memref<128x128xf32, #tpu.memory_space<hbm>>) dst(%arg8 : memref<128x128xf32, #tpu.memory_space<vmem>>)
      tpu.yield
    }) : () -> ()
    %mul3A = arith.constant 640 : i32
    %mul3A_0 = arith.muli %arg1, %mul3A : i32
    %add3A = arith.constant 0 : i32
    %add3A_1 = arith.addi %mul3A_0, %add3A : i32
    "tpu.region"() ({
      %run_scoped3A = tpu.sem_alloc : memref<!tpu.dma_semaphore, #tpu.memory_space<semaphore_mem>>
      %dma_start3A_90 = arith.constant 0 : i32
      %dma_start3A_91 = tpu.memref_slice %arg10[%add3A_1, %dma_start3A_90] : memref<10240x128xf32, #tpu.memory_space<vmem_shared>> -> memref<128x128xf32, #tpu.memory_space<vmem_shared>>
      %dma_start3A_92 = arith.constant 0 : i32
      %dma_start3A_93 = tpu.memref_slice %arg10[%add3A_1, %dma_start3A_92] : memref<10240x128xf32, #tpu.memory_space<vmem_shared>> -> memref<128x128xf32, #tpu.memory_space<vmem_shared>>
      tpu.enqueue_dma source(%arg8 : memref<128x128xf32, #tpu.memory_space<vmem>>) target(%dma_start3A_93 : memref<128x128xf32, #tpu.memory_space<vmem_shared>>) target_semaphore(%run_scoped3A : memref<!tpu.dma_semaphore, #tpu.memory_space<semaphore_mem>>)
      %dma_wait3A_94 = arith.constant 0 : i32
      %dma_wait3A_95 = tpu.memref_slice %arg10[%add3A_1, %dma_wait3A_94] : memref<10240x128xf32, #tpu.memory_space<vmem_shared>> -> memref<128x128xf32, #tpu.memory_space<vmem_shared>>
      %dma_wait3A_96 = arith.constant 0 : i32
      %dma_wait3A_97 = tpu.memref_slice %arg10[%add3A_1, %dma_wait3A_96] : memref<10240x128xf32, #tpu.memory_space<vmem_shared>> -> memref<128x128xf32, #tpu.memory_space<vmem_shared>>
      tpu.wait_dma2 semaphore(%run_scoped3A : memref<!tpu.dma_semaphore, #tpu.memory_space<semaphore_mem>>) src(%arg8 : memref<128x128xf32, #tpu.memory_space<vmem>>) dst(%dma_wait3A_97 : memref<128x128xf32, #tpu.memory_space<vmem_shared>>)
      tpu.yield
    }) : () -> ()
    %mul3A_2 = arith.constant 640 : i32
    %mul3A_3 = arith.muli %arg1, %mul3A_2 : i32
    %add3A_4 = arith.constant 128 : i32
    %add3A_5 = arith.addi %mul3A_3, %add3A_4 : i32
    "tpu.region"() ({
      %run_scoped3A = tpu.sem_alloc : memref<!tpu.dma_semaphore, #tpu.memory_space<semaphore_mem>>
      %dma_start3A_90 = arith.constant 0 : i32
      %dma_start3A_91 = tpu.memref_slice %arg10[%add3A_5, %dma_start3A_90] : memref<10240x128xf32, #tpu.memory_space<vmem_shared>> -> memref<128x128xf32, #tpu.memory_space<vmem_shared>>
      %dma_start3A_92 = arith.constant 0 : i32
      %dma_start3A_93 = tpu.memref_slice %arg10[%add3A_5, %dma_start3A_92] : memref<10240x128xf32, #tpu.memory_space<vmem_shared>> -> memref<128x128xf32, #tpu.memory_space<vmem_shared>>
      tpu.enqueue_dma source(%arg8 : memref<128x128xf32, #tpu.memory_space<vmem>>) target(%dma_start3A_93 : memref<128x128xf32, #tpu.memory_space<vmem_shared>>) target_semaphore(%run_scoped3A : memref<!tpu.dma_semaphore, #tpu.memory_space<semaphore_mem>>)
      %dma_wait3A_94 = arith.constant 0 : i32
      %dma_wait3A_95 = tpu.memref_slice %arg10[%add3A_5, %dma_wait3A_94] : memref<10240x128xf32, #tpu.memory_space<vmem_shared>> -> memref<128x128xf32, #tpu.memory_space<vmem_shared>>
      %dma_wait3A_96 = arith.constant 0 : i32
      %dma_wait3A_97 = tpu.memref_slice %arg10[%add3A_5, %dma_wait3A_96] : memref<10240x128xf32, #tpu.memory_space<vmem_shared>> -> memref<128x128xf32, #tpu.memory_space<vmem_shared>>
      tpu.wait_dma2 semaphore(%run_scoped3A : memref<!tpu.dma_semaphore, #tpu.memory_space<semaphore_mem>>) src(%arg8 : memref<128x128xf32, #tpu.memory_space<vmem>>) dst(%dma_wait3A_97 : memref<128x128xf32, #tpu.memory_space<vmem_shared>>)
      tpu.yield
    }) : () -> ()
    %mul3A_6 = arith.constant 640 : i32
    %mul3A_7 = arith.muli %arg1, %mul3A_6 : i32
    %add3A_8 = arith.constant 256 : i32
    %add3A_9 = arith.addi %mul3A_7, %add3A_8 : i32
    "tpu.region"() ({
      %run_scoped3A = tpu.sem_alloc : memref<!tpu.dma_semaphore, #tpu.memory_space<semaphore_mem>>
      %dma_start3A_90 = arith.constant 0 : i32
      %dma_start3A_91 = tpu.memref_slice %arg10[%add3A_9, %dma_start3A_90] : memref<10240x128xf32, #tpu.memory_space<vmem_shared>> -> memref<128x128xf32, #tpu.memory_space<vmem_shared>>
      %dma_start3A_92 = arith.constant 0 : i32
      %dma_start3A_93 = tpu.memref_slice %arg10[%add3A_9, %dma_start3A_92] : memref<10240x128xf32, #tpu.memory_space<vmem_shared>> -> memref<128x128xf32, #tpu.memory_space<vmem_shared>>
      tpu.enqueue_dma source(%arg8 : memref<128x128xf32, #tpu.memory_space<vmem>>) target(%dma_start3A_93 : memref<128x128xf32, #tpu.memory_space<vmem_shared>>) target_semaphore(%run_scoped3A : memref<!tpu.dma_semaphore, #tpu.memory_space<semaphore_mem>>)
      %dma_wait3A_94 = arith.constant 0 : i32
      %dma_wait3A_95 = tpu.memref_slice %arg10[%add3A_9, %dma_wait3A_94] : memref<10240x128xf32, #tpu.memory_space<vmem_shared>> -> memref<128x128xf32, #tpu.memory_space<vmem_shared>>
      %dma_wait3A_96 = arith.constant 0 : i32
      %dma_wait3A_97 = tpu.memref_slice %arg10[%add3A_9, %dma_wait3A_96] : memref<10240x128xf32, #tpu.memory_space<vmem_shared>> -> memref<128x128xf32, #tpu.memory_space<vmem_shared>>
      tpu.wait_dma2 semaphore(%run_scoped3A : memref<!tpu.dma_semaphore, #tpu.memory_space<semaphore_mem>>) src(%arg8 : memref<128x128xf32, #tpu.memory_space<vmem>>) dst(%dma_wait3A_97 : memref<128x128xf32, #tpu.memory_space<vmem_shared>>)
      tpu.yield
    }) : () -> ()
    %mul3A_10 = arith.constant 640 : i32
    %mul3A_11 = arith.muli %arg1, %mul3A_10 : i32
    %add3A_12 = arith.constant 384 : i32
    %add3A_13 = arith.addi %mul3A_11, %add3A_12 : i32
    "tpu.region"() ({
      %run_scoped3A = tpu.sem_alloc : memref<!tpu.dma_semaphore, #tpu.memory_space<semaphore_mem>>
      %dma_start3A_90 = arith.constant 0 : i32
      %dma_start3A_91 = tpu.memref_slice %arg10[%add3A_13, %dma_start3A_90] : memref<10240x128xf32, #tpu.memory_space<vmem_shared>> -> memref<128x128xf32, #tpu.memory_space<vmem_shared>>
      %dma_start3A_92 = arith.constant 0 : i32
      %dma_start3A_93 = tpu.memref_slice %arg10[%add3A_13, %dma_start3A_92] : memref<10240x128xf32, #tpu.memory_space<vmem_shared>> -> memref<128x128xf32, #tpu.memory_space<vmem_shared>>
      tpu.enqueue_dma source(%arg8 : memref<128x128xf32, #tpu.memory_space<vmem>>) target(%dma_start3A_93 : memref<128x128xf32, #tpu.memory_space<vmem_shared>>) target_semaphore(%run_scoped3A : memref<!tpu.dma_semaphore, #tpu.memory_space<semaphore_mem>>)
      %dma_wait3A_94 = arith.constant 0 : i32
      %dma_wait3A_95 = tpu.memref_slice %arg10[%add3A_13, %dma_wait3A_94] : memref<10240x128xf32, #tpu.memory_space<vmem_shared>> -> memref<128x128xf32, #tpu.memory_space<vmem_shared>>
      %dma_wait3A_96 = arith.constant 0 : i32
      %dma_wait3A_97 = tpu.memref_slice %arg10[%add3A_13, %dma_wait3A_96] : memref<10240x128xf32, #tpu.memory_space<vmem_shared>> -> memref<128x128xf32, #tpu.memory_space<vmem_shared>>
      tpu.wait_dma2 semaphore(%run_scoped3A : memref<!tpu.dma_semaphore, #tpu.memory_space<semaphore_mem>>) src(%arg8 : memref<128x128xf32, #tpu.memory_space<vmem>>) dst(%dma_wait3A_97 : memref<128x128xf32, #tpu.memory_space<vmem_shared>>)
      tpu.yield
    }) : () -> ()
    %mul3A_14 = arith.constant 640 : i32
    %mul3A_15 = arith.muli %arg1, %mul3A_14 : i32
    %add3A_16 = arith.constant 512 : i32
    %add3A_17 = arith.addi %mul3A_15, %add3A_16 : i32
    "tpu.region"() ({
      %run_scoped3A = tpu.sem_alloc : memref<!tpu.dma_semaphore, #tpu.memory_space<semaphore_mem>>
      %dma_start3A_90 = arith.constant 0 : i32
      %dma_start3A_91 = tpu.memref_slice %arg10[%add3A_17, %dma_start3A_90] : memref<10240x128xf32, #tpu.memory_space<vmem_shared>> -> memref<128x128xf32, #tpu.memory_space<vmem_shared>>
      %dma_start3A_92 = arith.constant 0 : i32
      %dma_start3A_93 = tpu.memref_slice %arg10[%add3A_17, %dma_start3A_92] : memref<10240x128xf32, #tpu.memory_space<vmem_shared>> -> memref<128x128xf32, #tpu.memory_space<vmem_shared>>
      tpu.enqueue_dma source(%arg8 : memref<128x128xf32, #tpu.memory_space<vmem>>) target(%dma_start3A_93 : memref<128x128xf32, #tpu.memory_space<vmem_shared>>) target_semaphore(%run_scoped3A : memref<!tpu.dma_semaphore, #tpu.memory_space<semaphore_mem>>)
      %dma_wait3A_94 = arith.constant 0 : i32
      %dma_wait3A_95 = tpu.memref_slice %arg10[%add3A_17, %dma_wait3A_94] : memref<10240x128xf32, #tpu.memory_space<vmem_shared>> -> memref<128x128xf32, #tpu.memory_space<vmem_shared>>
      %dma_wait3A_96 = arith.constant 0 : i32
      %dma_wait3A_97 = tpu.memref_slice %arg10[%add3A_17, %dma_wait3A_96] : memref<10240x128xf32, #tpu.memory_space<vmem_shared>> -> memref<128x128xf32, #tpu.memory_space<vmem_shared>>
      tpu.wait_dma2 semaphore(%run_scoped3A : memref<!tpu.dma_semaphore, #tpu.memory_space<semaphore_mem>>) src(%arg8 : memref<128x128xf32, #tpu.memory_space<vmem>>) dst(%dma_wait3A_97 : memref<128x128xf32, #tpu.memory_space<vmem_shared>>)
      tpu.yield
    }) : () -> ()
    %barrier3A = arith.constant 0 : index
    tpu.barrier barrier_id(%barrier3A)
    %eq3A = arith.constant 0 : i32
    %eq3A_18 = arith.cmpi eq, %arg0, %eq3A : i32
    %mul3A_19 = arith.constant 136 : i32
    %mul3A_20 = arith.muli %arg1, %mul3A_19 : i32
    %mul3A_21 = arith.constant 24 : i32
    %mul3A_22 = arith.muli %arg1, %mul3A_21 : i32
    %add3A_23 = arith.constant 2176 : i32
    %add3A_24 = arith.addi %add3A_23, %mul3A_22 : i32
    %select_n3A = arith.select %eq3A_18, %mul3A_20, %add3A_24 : i32
    %eq3A_25 = arith.constant 0 : i32
    %eq3A_26 = arith.cmpi eq, %arg0, %eq3A_25 : i32
    %jit3A = arith.constant 68 : i32
    %jit3A_27 = arith.constant 12 : i32
    %select_n3A_28 = arith.select %eq3A_26, %jit3A, %jit3A_27 : i32
    %add3A_29 = arith.constant 0 : i32
    %add3A_30 = arith.addi %select_n3A, %add3A_29 : i32
    %mul3A_31 = arith.constant 2 : i32
    %mul3A_32 = arith.muli %mul3A_31, %add3A_30 : i32
    "tpu.region"() ({
      %run_scoped3A = tpu.sem_alloc : memref<!tpu.dma_semaphore, #tpu.memory_space<semaphore_mem>>
      %dma_start3A_90 = arith.constant 0 : i32
      %dma_start3A_91 = tpu.memref_slice %arg3[%mul3A_32, %dma_start3A_90] : memref<5122x128xi32, #tpu.memory_space<hbm>> -> memref<2x128xi32, #tpu.memory_space<hbm>>
      %dma_start3A_92 = arith.constant 0 : i32
      %dma_start3A_93 = tpu.memref_slice %arg3[%mul3A_32, %dma_start3A_92] : memref<5122x128xi32, #tpu.memory_space<hbm>> -> memref<2x128xi32, #tpu.memory_space<hbm>>
      tpu.enqueue_dma source(%dma_start3A_93 : memref<2x128xi32, #tpu.memory_space<hbm>>) target(%arg6 : memref<2x128xi32, #tpu.memory_space<vmem>>) target_semaphore(%run_scoped3A : memref<!tpu.dma_semaphore, #tpu.memory_space<semaphore_mem>>)
      %dma_wait3A_94 = arith.constant 0 : i32
      %dma_wait3A_95 = tpu.memref_slice %arg3[%mul3A_32, %dma_wait3A_94] : memref<5122x128xi32, #tpu.memory_space<hbm>> -> memref<2x128xi32, #tpu.memory_space<hbm>>
      %dma_wait3A_96 = arith.constant 0 : i32
      %dma_wait3A_97 = tpu.memref_slice %arg3[%mul3A_32, %dma_wait3A_96] : memref<5122x128xi32, #tpu.memory_space<hbm>> -> memref<2x128xi32, #tpu.memory_space<hbm>>
      tpu.wait_dma2 semaphore(%run_scoped3A : memref<!tpu.dma_semaphore, #tpu.memory_space<semaphore_mem>>) src(%dma_wait3A_97 : memref<2x128xi32, #tpu.memory_space<hbm>>) dst(%arg6 : memref<2x128xi32, #tpu.memory_space<vmem>>)
      tpu.yield
    }) : () -> ()
    %dma_start3A = arith.constant 0 : i32
    %dma_start3A_33 = arith.constant 0 : i32
    %dma_start3A_34 = tpu.memref_slice %arg6[%dma_start3A, %dma_start3A_33] : memref<2x128xi32, #tpu.memory_space<vmem>> -> memref<1x128xi32, #tpu.memory_space<vmem>>
    %dma_start3A_35 = tpu.memref_squeeze %dma_start3A_34 : memref<1x128xi32, #tpu.memory_space<vmem>> -> memref<128xi32, #tpu.memory_space<vmem>>
    %dma_start3A_36 = arith.constant 0 : i32
    %dma_start3A_37 = arith.constant 0 : i32
    %dma_start3A_38 = tpu.memref_slice %arg2[%dma_start3A_36, %dma_start3A_37] : memref<10000x128xf32, #tpu.memory_space<hbm>> -> memref<10000x128xf32, #tpu.memory_space<hbm>>
    tpu.enqueue_indirect_dma source(%dma_start3A_38 : memref<10000x128xf32, #tpu.memory_space<hbm>>) target(%arg8 : memref<128x128xf32, #tpu.memory_space<vmem>>) offsets(%dma_start3A_35 : memref<128xi32, #tpu.memory_space<vmem>>) semaphore(%arg11 : memref<!tpu.dma_semaphore, #tpu.memory_space<semaphore_mem>>)
    %while3A = arith.constant 0 : i32
    %while3A_39 = arith.constant 0 : i32
    %while3A_40 = arith.subi %select_n3A_28, %while3A_39 : i32
    %while3A_41 = arith.addi %while3A_39, %while3A_40 : i32
    %while3A_42 = arith.constant 1 : i32
    %while3A_43 = arith.divsi %while3A_40, %while3A_42 : i32
    %while3A_44 = arith.muli %while3A_43, %while3A_42 : i32
    %while3A_45 = arith.addi %while3A_39, %while3A_44 : i32
    %while3A_46 = arith.constant 1 : i32
    scf.for %while3A_90 = %while3A_39 to %while3A_45 step %while3A_46  : i32 {
      %mul3A_91 = arith.constant 2 : i32
      %mul3A_92 = arith.muli %mul3A_91, %while3A_90 : i32
      %add3A_93 = arith.addi %select_n3A, %mul3A_92 : i32
      %add3A_94 = arith.constant 0 : i32
      %add3A_95 = arith.addi %add3A_93, %add3A_94 : i32
      %add3A_96 = arith.constant 2 : i32
      %add3A_97 = arith.addi %add3A_95, %add3A_96 : i32
      %sub3A = arith.constant 1 : i32
      %sub3A_98 = arith.subi %add3A_97, %sub3A : i32
      %mul3A_99 = arith.constant 2 : i32
      %mul3A_100 = arith.muli %mul3A_99, %sub3A_98 : i32
      "tpu.region"() ({
        %run_scoped3A_138 = tpu.sem_alloc : memref<!tpu.dma_semaphore, #tpu.memory_space<semaphore_mem>>
        %dma_start3A_139 = arith.constant 0 : i32
        %dma_start3A_140 = tpu.memref_slice %arg3[%mul3A_100, %dma_start3A_139] : memref<5122x128xi32, #tpu.memory_space<hbm>> -> memref<2x128xi32, #tpu.memory_space<hbm>>
        %dma_start3A_141 = arith.constant 0 : i32
        %dma_start3A_142 = tpu.memref_slice %arg3[%mul3A_100, %dma_start3A_141] : memref<5122x128xi32, #tpu.memory_space<hbm>> -> memref<2x128xi32, #tpu.memory_space<hbm>>
        tpu.enqueue_dma source(%dma_start3A_142 : memref<2x128xi32, #tpu.memory_space<hbm>>) target(%arg7 : memref<2x128xi32, #tpu.memory_space<vmem>>) target_semaphore(%run_scoped3A_138 : memref<!tpu.dma_semaphore, #tpu.memory_space<semaphore_mem>>)
        %dma_wait3A_143 = arith.constant 0 : i32
        %dma_wait3A_144 = tpu.memref_slice %arg3[%mul3A_100, %dma_wait3A_143] : memref<5122x128xi32, #tpu.memory_space<hbm>> -> memref<2x128xi32, #tpu.memory_space<hbm>>
        %dma_wait3A_145 = arith.constant 0 : i32
        %dma_wait3A_146 = tpu.memref_slice %arg3[%mul3A_100, %dma_wait3A_145] : memref<5122x128xi32, #tpu.memory_space<hbm>> -> memref<2x128xi32, #tpu.memory_space<hbm>>
        tpu.wait_dma2 semaphore(%run_scoped3A_138 : memref<!tpu.dma_semaphore, #tpu.memory_space<semaphore_mem>>) src(%dma_wait3A_146 : memref<2x128xi32, #tpu.memory_space<hbm>>) dst(%arg7 : memref<2x128xi32, #tpu.memory_space<vmem>>)
        tpu.yield
      }) : () -> ()
      %dma_start3A_101 = arith.constant 0 : i32
      %dma_start3A_102 = arith.constant 0 : i32
      %dma_start3A_103 = tpu.memref_slice %arg7[%dma_start3A_101, %dma_start3A_102] : memref<2x128xi32, #tpu.memory_space<vmem>> -> memref<1x128xi32, #tpu.memory_space<vmem>>
      %dma_start3A_104 = tpu.memref_squeeze %dma_start3A_103 : memref<1x128xi32, #tpu.memory_space<vmem>> -> memref<128xi32, #tpu.memory_space<vmem>>
      %dma_start3A_105 = arith.constant 0 : i32
      %dma_start3A_106 = arith.constant 0 : i32
      %dma_start3A_107 = tpu.memref_slice %arg2[%dma_start3A_105, %dma_start3A_106] : memref<10000x128xf32, #tpu.memory_space<hbm>> -> memref<10000x128xf32, #tpu.memory_space<hbm>>
      tpu.enqueue_indirect_dma source(%dma_start3A_107 : memref<10000x128xf32, #tpu.memory_space<hbm>>) target(%arg9 : memref<128x128xf32, #tpu.memory_space<vmem>>) offsets(%dma_start3A_104 : memref<128xi32, #tpu.memory_space<vmem>>) semaphore(%arg12 : memref<!tpu.dma_semaphore, #tpu.memory_space<semaphore_mem>>)
      %dma_wait3A_108 = arith.constant 0 : i32
      %dma_wait3A_109 = arith.constant 0 : i32
      %dma_wait3A_110 = tpu.memref_slice %arg6[%dma_wait3A_108, %dma_wait3A_109] : memref<2x128xi32, #tpu.memory_space<vmem>> -> memref<1x128xi32, #tpu.memory_space<vmem>>
      %dma_wait3A_111 = tpu.memref_squeeze %dma_wait3A_110 : memref<1x128xi32, #tpu.memory_space<vmem>> -> memref<128xi32, #tpu.memory_space<vmem>>
      %dma_wait3A_112 = arith.constant 0 : i32
      %dma_wait3A_113 = arith.constant 0 : i32
      %dma_wait3A_114 = tpu.memref_slice %arg2[%dma_wait3A_112, %dma_wait3A_113] : memref<10000x128xf32, #tpu.memory_space<hbm>> -> memref<10000x128xf32, #tpu.memory_space<hbm>>
      tpu.wait_indirect_dma semaphore(%arg11 : memref<!tpu.dma_semaphore, #tpu.memory_space<semaphore_mem>>) src(%dma_wait3A_114 : memref<10000x128xf32, #tpu.memory_space<hbm>>) dst(%arg8 : memref<128x128xf32, #tpu.memory_space<vmem>>)
      %run_scoped3A = arith.constant 1 : i32
      "tpu.region"() ({
        %run_scoped3A_138 = tpu.sem_alloc : memref<!tpu.dma_semaphore, #tpu.memory_space<semaphore_mem>>
        %dma_start3A_139 = arith.constant 0 : i32
        %dma_start3A_140 = tpu.memref_slice %arg6[%run_scoped3A, %dma_start3A_139] : memref<2x128xi32, #tpu.memory_space<vmem>> -> memref<1x128xi32, #tpu.memory_space<vmem>>
        %dma_start3A_141 = tpu.memref_squeeze %dma_start3A_140 : memref<1x128xi32, #tpu.memory_space<vmem>> -> memref<128xi32, #tpu.memory_space<vmem>>
        %dma_start3A_142 = arith.constant 0 : i32
        %dma_start3A_143 = arith.constant 0 : i32
        %dma_start3A_144 = tpu.memref_slice %arg10[%dma_start3A_142, %dma_start3A_143] : memref<10240x128xf32, #tpu.memory_space<vmem_shared>> -> memref<10240x128xf32, #tpu.memory_space<vmem_shared>>
        tpu.enqueue_indirect_dma source(%arg8 : memref<128x128xf32, #tpu.memory_space<vmem>>) target(%dma_start3A_144 : memref<10240x128xf32, #tpu.memory_space<vmem_shared>>) offsets(%dma_start3A_141 : memref<128xi32, #tpu.memory_space<vmem>>) semaphore(%run_scoped3A_138 : memref<!tpu.dma_semaphore, #tpu.memory_space<semaphore_mem>>) {add = true}
        %dma_wait3A_145 = arith.constant 0 : i32
        %dma_wait3A_146 = tpu.memref_slice %arg6[%run_scoped3A, %dma_wait3A_145] : memref<2x128xi32, #tpu.memory_space<vmem>> -> memref<1x128xi32, #tpu.memory_space<vmem>>
        %dma_wait3A_147 = tpu.memref_squeeze %dma_wait3A_146 : memref<1x128xi32, #tpu.memory_space<vmem>> -> memref<128xi32, #tpu.memory_space<vmem>>
        %dma_wait3A_148 = arith.constant 0 : i32
        %dma_wait3A_149 = arith.constant 0 : i32
        %dma_wait3A_150 = tpu.memref_slice %arg10[%dma_wait3A_148, %dma_wait3A_149] : memref<10240x128xf32, #tpu.memory_space<vmem_shared>> -> memref<10240x128xf32, #tpu.memory_space<vmem_shared>>
        tpu.wait_indirect_dma semaphore(%run_scoped3A_138 : memref<!tpu.dma_semaphore, #tpu.memory_space<semaphore_mem>>) src(%arg8 : memref<128x128xf32, #tpu.memory_space<vmem>>) dst(%dma_wait3A_150 : memref<10240x128xf32, #tpu.memory_space<vmem_shared>>)
        tpu.yield
      }) : () -> ()
      %add3A_115 = arith.constant 1 : i32
      %add3A_116 = arith.addi %add3A_93, %add3A_115 : i32
      %add3A_117 = arith.constant 2 : i32
      %add3A_118 = arith.addi %add3A_116, %add3A_117 : i32
      %sub3A_119 = arith.constant 1 : i32
      %sub3A_120 = arith.subi %add3A_118, %sub3A_119 : i32
      %mul3A_121 = arith.constant 2 : i32
      %mul3A_122 = arith.muli %mul3A_121, %sub3A_120 : i32
      "tpu.region"() ({
        %run_scoped3A_138 = tpu.sem_alloc : memref<!tpu.dma_semaphore, #tpu.memory_space<semaphore_mem>>
        %dma_start3A_139 = arith.constant 0 : i32
        %dma_start3A_140 = tpu.memref_slice %arg3[%mul3A_122, %dma_start3A_139] : memref<5122x128xi32, #tpu.memory_space<hbm>> -> memref<2x128xi32, #tpu.memory_space<hbm>>
        %dma_start3A_141 = arith.constant 0 : i32
        %dma_start3A_142 = tpu.memref_slice %arg3[%mul3A_122, %dma_start3A_141] : memref<5122x128xi32, #tpu.memory_space<hbm>> -> memref<2x128xi32, #tpu.memory_space<hbm>>
        tpu.enqueue_dma source(%dma_start3A_142 : memref<2x128xi32, #tpu.memory_space<hbm>>) target(%arg6 : memref<2x128xi32, #tpu.memory_space<vmem>>) target_semaphore(%run_scoped3A_138 : memref<!tpu.dma_semaphore, #tpu.memory_space<semaphore_mem>>)
        %dma_wait3A_143 = arith.constant 0 : i32
        %dma_wait3A_144 = tpu.memref_slice %arg3[%mul3A_122, %dma_wait3A_143] : memref<5122x128xi32, #tpu.memory_space<hbm>> -> memref<2x128xi32, #tpu.memory_space<hbm>>
        %dma_wait3A_145 = arith.constant 0 : i32
        %dma_wait3A_146 = tpu.memref_slice %arg3[%mul3A_122, %dma_wait3A_145] : memref<5122x128xi32, #tpu.memory_space<hbm>> -> memref<2x128xi32, #tpu.memory_space<hbm>>
        tpu.wait_dma2 semaphore(%run_scoped3A_138 : memref<!tpu.dma_semaphore, #tpu.memory_space<semaphore_mem>>) src(%dma_wait3A_146 : memref<2x128xi32, #tpu.memory_space<hbm>>) dst(%arg6 : memref<2x128xi32, #tpu.memory_space<vmem>>)
        tpu.yield
      }) : () -> ()
      %dma_start3A_123 = arith.constant 0 : i32
      %dma_start3A_124 = arith.constant 0 : i32
      %dma_start3A_125 = tpu.memref_slice %arg6[%dma_start3A_123, %dma_start3A_124] : memref<2x128xi32, #tpu.memory_space<vmem>> -> memref<1x128xi32, #tpu.memory_space<vmem>>
      %dma_start3A_126 = tpu.memref_squeeze %dma_start3A_125 : memref<1x128xi32, #tpu.memory_space<vmem>> -> memref<128xi32, #tpu.memory_space<vmem>>
      %dma_start3A_127 = arith.constant 0 : i32
      %dma_start3A_128 = arith.constant 0 : i32
      %dma_start3A_129 = tpu.memref_slice %arg2[%dma_start3A_127, %dma_start3A_128] : memref<10000x128xf32, #tpu.memory_space<hbm>> -> memref<10000x128xf32, #tpu.memory_space<hbm>>
      tpu.enqueue_indirect_dma source(%dma_start3A_129 : memref<10000x128xf32, #tpu.memory_space<hbm>>) target(%arg8 : memref<128x128xf32, #tpu.memory_space<vmem>>) offsets(%dma_start3A_126 : memref<128xi32, #tpu.memory_space<vmem>>) semaphore(%arg11 : memref<!tpu.dma_semaphore, #tpu.memory_space<semaphore_mem>>)
      %dma_wait3A_130 = arith.constant 0 : i32
      %dma_wait3A_131 = arith.constant 0 : i32
      %dma_wait3A_132 = tpu.memref_slice %arg7[%dma_wait3A_130, %dma_wait3A_131] : memref<2x128xi32, #tpu.memory_space<vmem>> -> memref<1x128xi32, #tpu.memory_space<vmem>>
      %dma_wait3A_133 = tpu.memref_squeeze %dma_wait3A_132 : memref<1x128xi32, #tpu.memory_space<vmem>> -> memref<128xi32, #tpu.memory_space<vmem>>
      %dma_wait3A_134 = arith.constant 0 : i32
      %dma_wait3A_135 = arith.constant 0 : i32
      %dma_wait3A_136 = tpu.memref_slice %arg2[%dma_wait3A_134, %dma_wait3A_135] : memref<10000x128xf32, #tpu.memory_space<hbm>> -> memref<10000x128xf32, #tpu.memory_space<hbm>>
      tpu.wait_indirect_dma semaphore(%arg12 : memref<!tpu.dma_semaphore, #tpu.memory_space<semaphore_mem>>) src(%dma_wait3A_136 : memref<10000x128xf32, #tpu.memory_space<hbm>>) dst(%arg9 : memref<128x128xf32, #tpu.memory_space<vmem>>)
      %run_scoped3A_137 = arith.constant 1 : i32
      "tpu.region"() ({
        %run_scoped3A_138 = tpu.sem_alloc : memref<!tpu.dma_semaphore, #tpu.memory_space<semaphore_mem>>
        %dma_start3A_139 = arith.constant 0 : i32
        %dma_start3A_140 = tpu.memref_slice %arg7[%run_scoped3A_137, %dma_start3A_139] : memref<2x128xi32, #tpu.memory_space<vmem>> -> memref<1x128xi32, #tpu.memory_space<vmem>>
        %dma_start3A_141 = tpu.memref_squeeze %dma_start3A_140 : memref<1x128xi32, #tpu.memory_space<vmem>> -> memref<128xi32, #tpu.memory_space<vmem>>
        %dma_start3A_142 = arith.constant 0 : i32
        %dma_start3A_143 = arith.constant 0 : i32
        %dma_start3A_144 = tpu.memref_slice %arg10[%dma_start3A_142, %dma_start3A_143] : memref<10240x128xf32, #tpu.memory_space<vmem_shared>> -> memref<10240x128xf32, #tpu.memory_space<vmem_shared>>
        tpu.enqueue_indirect_dma source(%arg9 : memref<128x128xf32, #tpu.memory_space<vmem>>) target(%dma_start3A_144 : memref<10240x128xf32, #tpu.memory_space<vmem_shared>>) offsets(%dma_start3A_141 : memref<128xi32, #tpu.memory_space<vmem>>) semaphore(%run_scoped3A_138 : memref<!tpu.dma_semaphore, #tpu.memory_space<semaphore_mem>>) {add = true}
        %dma_wait3A_145 = arith.constant 0 : i32
        %dma_wait3A_146 = tpu.memref_slice %arg7[%run_scoped3A_137, %dma_wait3A_145] : memref<2x128xi32, #tpu.memory_space<vmem>> -> memref<1x128xi32, #tpu.memory_space<vmem>>
        %dma_wait3A_147 = tpu.memref_squeeze %dma_wait3A_146 : memref<1x128xi32, #tpu.memory_space<vmem>> -> memref<128xi32, #tpu.memory_space<vmem>>
        %dma_wait3A_148 = arith.constant 0 : i32
        %dma_wait3A_149 = arith.constant 0 : i32
        %dma_wait3A_150 = tpu.memref_slice %arg10[%dma_wait3A_148, %dma_wait3A_149] : memref<10240x128xf32, #tpu.memory_space<vmem_shared>> -> memref<10240x128xf32, #tpu.memory_space<vmem_shared>>
        tpu.wait_indirect_dma semaphore(%run_scoped3A_138 : memref<!tpu.dma_semaphore, #tpu.memory_space<semaphore_mem>>) src(%arg9 : memref<128x128xf32, #tpu.memory_space<vmem>>) dst(%dma_wait3A_150 : memref<10240x128xf32, #tpu.memory_space<vmem_shared>>)
        tpu.yield
      }) : () -> ()
    }
    %while3A_47 = arith.constant 1 : i32
    scf.for %while3A_90 = %while3A_45 to %while3A_41 step %while3A_47  : i32 {
      %mul3A_91 = arith.constant 2 : i32
      %mul3A_92 = arith.muli %mul3A_91, %while3A_90 : i32
      %add3A_93 = arith.addi %select_n3A, %mul3A_92 : i32
      %add3A_94 = arith.constant 0 : i32
      %add3A_95 = arith.addi %add3A_93, %add3A_94 : i32
      %add3A_96 = arith.constant 2 : i32
      %add3A_97 = arith.addi %add3A_95, %add3A_96 : i32
      %sub3A = arith.constant 1 : i32
      %sub3A_98 = arith.subi %add3A_97, %sub3A : i32
      %mul3A_99 = arith.constant 2 : i32
      %mul3A_100 = arith.muli %mul3A_99, %sub3A_98 : i32
      "tpu.region"() ({
        %run_scoped3A_138 = tpu.sem_alloc : memref<!tpu.dma_semaphore, #tpu.memory_space<semaphore_mem>>
        %dma_start3A_139 = arith.constant 0 : i32
        %dma_start3A_140 = tpu.memref_slice %arg3[%mul3A_100, %dma_start3A_139] : memref<5122x128xi32, #tpu.memory_space<hbm>> -> memref<2x128xi32, #tpu.memory_space<hbm>>
        %dma_start3A_141 = arith.constant 0 : i32
        %dma_start3A_142 = tpu.memref_slice %arg3[%mul3A_100, %dma_start3A_141] : memref<5122x128xi32, #tpu.memory_space<hbm>> -> memref<2x128xi32, #tpu.memory_space<hbm>>
        tpu.enqueue_dma source(%dma_start3A_142 : memref<2x128xi32, #tpu.memory_space<hbm>>) target(%arg7 : memref<2x128xi32, #tpu.memory_space<vmem>>) target_semaphore(%run_scoped3A_138 : memref<!tpu.dma_semaphore, #tpu.memory_space<semaphore_mem>>)
        %dma_wait3A_143 = arith.constant 0 : i32
        %dma_wait3A_144 = tpu.memref_slice %arg3[%mul3A_100, %dma_wait3A_143] : memref<5122x128xi32, #tpu.memory_space<hbm>> -> memref<2x128xi32, #tpu.memory_space<hbm>>
        %dma_wait3A_145 = arith.constant 0 : i32
        %dma_wait3A_146 = tpu.memref_slice %arg3[%mul3A_100, %dma_wait3A_145] : memref<5122x128xi32, #tpu.memory_space<hbm>> -> memref<2x128xi32, #tpu.memory_space<hbm>>
        tpu.wait_dma2 semaphore(%run_scoped3A_138 : memref<!tpu.dma_semaphore, #tpu.memory_space<semaphore_mem>>) src(%dma_wait3A_146 : memref<2x128xi32, #tpu.memory_space<hbm>>) dst(%arg7 : memref<2x128xi32, #tpu.memory_space<vmem>>)
        tpu.yield
      }) : () -> ()
      %dma_start3A_101 = arith.constant 0 : i32
      %dma_start3A_102 = arith.constant 0 : i32
      %dma_start3A_103 = tpu.memref_slice %arg7[%dma_start3A_101, %dma_start3A_102] : memref<2x128xi32, #tpu.memory_space<vmem>> -> memref<1x128xi32, #tpu.memory_space<vmem>>
      %dma_start3A_104 = tpu.memref_squeeze %dma_start3A_103 : memref<1x128xi32, #tpu.memory_space<vmem>> -> memref<128xi32, #tpu.memory_space<vmem>>
      %dma_start3A_105 = arith.constant 0 : i32
      %dma_start3A_106 = arith.constant 0 : i32
      %dma_start3A_107 = tpu.memref_slice %arg2[%dma_start3A_105, %dma_start3A_106] : memref<10000x128xf32, #tpu.memory_space<hbm>> -> memref<10000x128xf32, #tpu.memory_space<hbm>>
      tpu.enqueue_indirect_dma source(%dma_start3A_107 : memref<10000x128xf32, #tpu.memory_space<hbm>>) target(%arg9 : memref<128x128xf32, #tpu.memory_space<vmem>>) offsets(%dma_start3A_104 : memref<128xi32, #tpu.memory_space<vmem>>) semaphore(%arg12 : memref<!tpu.dma_semaphore, #tpu.memory_space<semaphore_mem>>)
      %dma_wait3A_108 = arith.constant 0 : i32
      %dma_wait3A_109 = arith.constant 0 : i32
      %dma_wait3A_110 = tpu.memref_slice %arg6[%dma_wait3A_108, %dma_wait3A_109] : memref<2x128xi32, #tpu.memory_space<vmem>> -> memref<1x128xi32, #tpu.memory_space<vmem>>
      %dma_wait3A_111 = tpu.memref_squeeze %dma_wait3A_110 : memref<1x128xi32, #tpu.memory_space<vmem>> -> memref<128xi32, #tpu.memory_space<vmem>>
      %dma_wait3A_112 = arith.constant 0 : i32
      %dma_wait3A_113 = arith.constant 0 : i32
      %dma_wait3A_114 = tpu.memref_slice %arg2[%dma_wait3A_112, %dma_wait3A_113] : memref<10000x128xf32, #tpu.memory_space<hbm>> -> memref<10000x128xf32, #tpu.memory_space<hbm>>
      tpu.wait_indirect_dma semaphore(%arg11 : memref<!tpu.dma_semaphore, #tpu.memory_space<semaphore_mem>>) src(%dma_wait3A_114 : memref<10000x128xf32, #tpu.memory_space<hbm>>) dst(%arg8 : memref<128x128xf32, #tpu.memory_space<vmem>>)
      %run_scoped3A = arith.constant 1 : i32
      "tpu.region"() ({
        %run_scoped3A_138 = tpu.sem_alloc : memref<!tpu.dma_semaphore, #tpu.memory_space<semaphore_mem>>
        %dma_start3A_139 = arith.constant 0 : i32
        %dma_start3A_140 = tpu.memref_slice %arg6[%run_scoped3A, %dma_start3A_139] : memref<2x128xi32, #tpu.memory_space<vmem>> -> memref<1x128xi32, #tpu.memory_space<vmem>>
        %dma_start3A_141 = tpu.memref_squeeze %dma_start3A_140 : memref<1x128xi32, #tpu.memory_space<vmem>> -> memref<128xi32, #tpu.memory_space<vmem>>
        %dma_start3A_142 = arith.constant 0 : i32
        %dma_start3A_143 = arith.constant 0 : i32
        %dma_start3A_144 = tpu.memref_slice %arg10[%dma_start3A_142, %dma_start3A_143] : memref<10240x128xf32, #tpu.memory_space<vmem_shared>> -> memref<10240x128xf32, #tpu.memory_space<vmem_shared>>
        tpu.enqueue_indirect_dma source(%arg8 : memref<128x128xf32, #tpu.memory_space<vmem>>) target(%dma_start3A_144 : memref<10240x128xf32, #tpu.memory_space<vmem_shared>>) offsets(%dma_start3A_141 : memref<128xi32, #tpu.memory_space<vmem>>) semaphore(%run_scoped3A_138 : memref<!tpu.dma_semaphore, #tpu.memory_space<semaphore_mem>>) {add = true}
        %dma_wait3A_145 = arith.constant 0 : i32
        %dma_wait3A_146 = tpu.memref_slice %arg6[%run_scoped3A, %dma_wait3A_145] : memref<2x128xi32, #tpu.memory_space<vmem>> -> memref<1x128xi32, #tpu.memory_space<vmem>>
        %dma_wait3A_147 = tpu.memref_squeeze %dma_wait3A_146 : memref<1x128xi32, #tpu.memory_space<vmem>> -> memref<128xi32, #tpu.memory_space<vmem>>
        %dma_wait3A_148 = arith.constant 0 : i32
        %dma_wait3A_149 = arith.constant 0 : i32
        %dma_wait3A_150 = tpu.memref_slice %arg10[%dma_wait3A_148, %dma_wait3A_149] : memref<10240x128xf32, #tpu.memory_space<vmem_shared>> -> memref<10240x128xf32, #tpu.memory_space<vmem_shared>>
        tpu.wait_indirect_dma semaphore(%run_scoped3A_138 : memref<!tpu.dma_semaphore, #tpu.memory_space<semaphore_mem>>) src(%arg8 : memref<128x128xf32, #tpu.memory_space<vmem>>) dst(%dma_wait3A_150 : memref<10240x128xf32, #tpu.memory_space<vmem_shared>>)
        tpu.yield
      }) : () -> ()
      %add3A_115 = arith.constant 1 : i32
      %add3A_116 = arith.addi %add3A_93, %add3A_115 : i32
      %add3A_117 = arith.constant 2 : i32
      %add3A_118 = arith.addi %add3A_116, %add3A_117 : i32
      %sub3A_119 = arith.constant 1 : i32
      %sub3A_120 = arith.subi %add3A_118, %sub3A_119 : i32
      %mul3A_121 = arith.constant 2 : i32
      %mul3A_122 = arith.muli %mul3A_121, %sub3A_120 : i32
      "tpu.region"() ({
        %run_scoped3A_138 = tpu.sem_alloc : memref<!tpu.dma_semaphore, #tpu.memory_space<semaphore_mem>>
        %dma_start3A_139 = arith.constant 0 : i32
        %dma_start3A_140 = tpu.memref_slice %arg3[%mul3A_122, %dma_start3A_139] : memref<5122x128xi32, #tpu.memory_space<hbm>> -> memref<2x128xi32, #tpu.memory_space<hbm>>
        %dma_start3A_141 = arith.constant 0 : i32
        %dma_start3A_142 = tpu.memref_slice %arg3[%mul3A_122, %dma_start3A_141] : memref<5122x128xi32, #tpu.memory_space<hbm>> -> memref<2x128xi32, #tpu.memory_space<hbm>>
        tpu.enqueue_dma source(%dma_start3A_142 : memref<2x128xi32, #tpu.memory_space<hbm>>) target(%arg6 : memref<2x128xi32, #tpu.memory_space<vmem>>) target_semaphore(%run_scoped3A_138 : memref<!tpu.dma_semaphore, #tpu.memory_space<semaphore_mem>>)
        %dma_wait3A_143 = arith.constant 0 : i32
        %dma_wait3A_144 = tpu.memref_slice %arg3[%mul3A_122, %dma_wait3A_143] : memref<5122x128xi32, #tpu.memory_space<hbm>> -> memref<2x128xi32, #tpu.memory_space<hbm>>
        %dma_wait3A_145 = arith.constant 0 : i32
        %dma_wait3A_146 = tpu.memref_slice %arg3[%mul3A_122, %dma_wait3A_145] : memref<5122x128xi32, #tpu.memory_space<hbm>> -> memref<2x128xi32, #tpu.memory_space<hbm>>
        tpu.wait_dma2 semaphore(%run_scoped3A_138 : memref<!tpu.dma_semaphore, #tpu.memory_space<semaphore_mem>>) src(%dma_wait3A_146 : memref<2x128xi32, #tpu.memory_space<hbm>>) dst(%arg6 : memref<2x128xi32, #tpu.memory_space<vmem>>)
        tpu.yield
      }) : () -> ()
      %dma_start3A_123 = arith.constant 0 : i32
      %dma_start3A_124 = arith.constant 0 : i32
      %dma_start3A_125 = tpu.memref_slice %arg6[%dma_start3A_123, %dma_start3A_124] : memref<2x128xi32, #tpu.memory_space<vmem>> -> memref<1x128xi32, #tpu.memory_space<vmem>>
      %dma_start3A_126 = tpu.memref_squeeze %dma_start3A_125 : memref<1x128xi32, #tpu.memory_space<vmem>> -> memref<128xi32, #tpu.memory_space<vmem>>
      %dma_start3A_127 = arith.constant 0 : i32
      %dma_start3A_128 = arith.constant 0 : i32
      %dma_start3A_129 = tpu.memref_slice %arg2[%dma_start3A_127, %dma_start3A_128] : memref<10000x128xf32, #tpu.memory_space<hbm>> -> memref<10000x128xf32, #tpu.memory_space<hbm>>
      tpu.enqueue_indirect_dma source(%dma_start3A_129 : memref<10000x128xf32, #tpu.memory_space<hbm>>) target(%arg8 : memref<128x128xf32, #tpu.memory_space<vmem>>) offsets(%dma_start3A_126 : memref<128xi32, #tpu.memory_space<vmem>>) semaphore(%arg11 : memref<!tpu.dma_semaphore, #tpu.memory_space<semaphore_mem>>)
      %dma_wait3A_130 = arith.constant 0 : i32
      %dma_wait3A_131 = arith.constant 0 : i32
      %dma_wait3A_132 = tpu.memref_slice %arg7[%dma_wait3A_130, %dma_wait3A_131] : memref<2x128xi32, #tpu.memory_space<vmem>> -> memref<1x128xi32, #tpu.memory_space<vmem>>
      %dma_wait3A_133 = tpu.memref_squeeze %dma_wait3A_132 : memref<1x128xi32, #tpu.memory_space<vmem>> -> memref<128xi32, #tpu.memory_space<vmem>>
      %dma_wait3A_134 = arith.constant 0 : i32
      %dma_wait3A_135 = arith.constant 0 : i32
      %dma_wait3A_136 = tpu.memref_slice %arg2[%dma_wait3A_134, %dma_wait3A_135] : memref<10000x128xf32, #tpu.memory_space<hbm>> -> memref<10000x128xf32, #tpu.memory_space<hbm>>
      tpu.wait_indirect_dma semaphore(%arg12 : memref<!tpu.dma_semaphore, #tpu.memory_space<semaphore_mem>>) src(%dma_wait3A_136 : memref<10000x128xf32, #tpu.memory_space<hbm>>) dst(%arg9 : memref<128x128xf32, #tpu.memory_space<vmem>>)
      %run_scoped3A_137 = arith.constant 1 : i32
      "tpu.region"() ({
        %run_scoped3A_138 = tpu.sem_alloc : memref<!tpu.dma_semaphore, #tpu.memory_space<semaphore_mem>>
        %dma_start3A_139 = arith.constant 0 : i32
        %dma_start3A_140 = tpu.memref_slice %arg7[%run_scoped3A_137, %dma_start3A_139] : memref<2x128xi32, #tpu.memory_space<vmem>> -> memref<1x128xi32, #tpu.memory_space<vmem>>
        %dma_start3A_141 = tpu.memref_squeeze %dma_start3A_140 : memref<1x128xi32, #tpu.memory_space<vmem>> -> memref<128xi32, #tpu.memory_space<vmem>>
        %dma_start3A_142 = arith.constant 0 : i32
        %dma_start3A_143 = arith.constant 0 : i32
        %dma_start3A_144 = tpu.memref_slice %arg10[%dma_start3A_142, %dma_start3A_143] : memref<10240x128xf32, #tpu.memory_space<vmem_shared>> -> memref<10240x128xf32, #tpu.memory_space<vmem_shared>>
        tpu.enqueue_indirect_dma source(%arg9 : memref<128x128xf32, #tpu.memory_space<vmem>>) target(%dma_start3A_144 : memref<10240x128xf32, #tpu.memory_space<vmem_shared>>) offsets(%dma_start3A_141 : memref<128xi32, #tpu.memory_space<vmem>>) semaphore(%run_scoped3A_138 : memref<!tpu.dma_semaphore, #tpu.memory_space<semaphore_mem>>) {add = true}
        %dma_wait3A_145 = arith.constant 0 : i32
        %dma_wait3A_146 = tpu.memref_slice %arg7[%run_scoped3A_137, %dma_wait3A_145] : memref<2x128xi32, #tpu.memory_space<vmem>> -> memref<1x128xi32, #tpu.memory_space<vmem>>
        %dma_wait3A_147 = tpu.memref_squeeze %dma_wait3A_146 : memref<1x128xi32, #tpu.memory_space<vmem>> -> memref<128xi32, #tpu.memory_space<vmem>>
        %dma_wait3A_148 = arith.constant 0 : i32
        %dma_wait3A_149 = arith.constant 0 : i32
        %dma_wait3A_150 = tpu.memref_slice %arg10[%dma_wait3A_148, %dma_wait3A_149] : memref<10240x128xf32, #tpu.memory_space<vmem_shared>> -> memref<10240x128xf32, #tpu.memory_space<vmem_shared>>
        tpu.wait_indirect_dma semaphore(%run_scoped3A_138 : memref<!tpu.dma_semaphore, #tpu.memory_space<semaphore_mem>>) src(%arg9 : memref<128x128xf32, #tpu.memory_space<vmem>>) dst(%dma_wait3A_150 : memref<10240x128xf32, #tpu.memory_space<vmem_shared>>)
        tpu.yield
      }) : () -> ()
    }
    %dma_wait3A = arith.constant 0 : i32
    %dma_wait3A_48 = arith.constant 0 : i32
    %dma_wait3A_49 = tpu.memref_slice %arg6[%dma_wait3A, %dma_wait3A_48] : memref<2x128xi32, #tpu.memory_space<vmem>> -> memref<1x128xi32, #tpu.memory_space<vmem>>
    %dma_wait3A_50 = tpu.memref_squeeze %dma_wait3A_49 : memref<1x128xi32, #tpu.memory_space<vmem>> -> memref<128xi32, #tpu.memory_space<vmem>>
    %dma_wait3A_51 = arith.constant 0 : i32
    %dma_wait3A_52 = arith.constant 0 : i32
    %dma_wait3A_53 = tpu.memref_slice %arg2[%dma_wait3A_51, %dma_wait3A_52] : memref<10000x128xf32, #tpu.memory_space<hbm>> -> memref<10000x128xf32, #tpu.memory_space<hbm>>
    tpu.wait_indirect_dma semaphore(%arg11 : memref<!tpu.dma_semaphore, #tpu.memory_space<semaphore_mem>>) src(%dma_wait3A_53 : memref<10000x128xf32, #tpu.memory_space<hbm>>) dst(%arg8 : memref<128x128xf32, #tpu.memory_space<vmem>>)
    %barrier3A_54 = arith.constant 0 : index
    tpu.barrier barrier_id(%barrier3A_54)
    %mul3A_55 = arith.constant 640 : i32
    %mul3A_56 = arith.muli %arg1, %mul3A_55 : i32
    %add3A_57 = arith.constant 0 : i32
    %add3A_58 = arith.addi %mul3A_56, %add3A_57 : i32
    "tpu.region"() ({
      %run_scoped3A = tpu.sem_alloc : memref<!tpu.dma_semaphore, #tpu.memory_space<semaphore_mem>>
      %dma_start3A_90 = arith.constant 0 : i32
      %dma_start3A_91 = tpu.memref_slice %arg10[%add3A_58, %dma_start3A_90] : memref<10240x128xf32, #tpu.memory_space<vmem_shared>> -> memref<128x128xf32, #tpu.memory_space<vmem_shared>>
      %dma_start3A_92 = arith.constant 0 : i32
      %dma_start3A_93 = tpu.memref_slice %arg10[%add3A_58, %dma_start3A_92] : memref<10240x128xf32, #tpu.memory_space<vmem_shared>> -> memref<128x128xf32, #tpu.memory_space<vmem_shared>>
      tpu.enqueue_dma source(%dma_start3A_93 : memref<128x128xf32, #tpu.memory_space<vmem_shared>>) target(%arg8 : memref<128x128xf32, #tpu.memory_space<vmem>>) target_semaphore(%run_scoped3A : memref<!tpu.dma_semaphore, #tpu.memory_space<semaphore_mem>>)
      %dma_wait3A_94 = arith.constant 0 : i32
      %dma_wait3A_95 = tpu.memref_slice %arg10[%add3A_58, %dma_wait3A_94] : memref<10240x128xf32, #tpu.memory_space<vmem_shared>> -> memref<128x128xf32, #tpu.memory_space<vmem_shared>>
      %dma_wait3A_96 = arith.constant 0 : i32
      %dma_wait3A_97 = tpu.memref_slice %arg10[%add3A_58, %dma_wait3A_96] : memref<10240x128xf32, #tpu.memory_space<vmem_shared>> -> memref<128x128xf32, #tpu.memory_space<vmem_shared>>
      tpu.wait_dma2 semaphore(%run_scoped3A : memref<!tpu.dma_semaphore, #tpu.memory_space<semaphore_mem>>) src(%dma_wait3A_97 : memref<128x128xf32, #tpu.memory_space<vmem_shared>>) dst(%arg8 : memref<128x128xf32, #tpu.memory_space<vmem>>)
      tpu.yield
    }) : () -> ()
    %mul3A_59 = arith.constant 10240 : i32
    %mul3A_60 = arith.muli %arg0, %mul3A_59 : i32
    %add3A_61 = arith.addi %mul3A_60, %add3A_58 : i32
    "tpu.region"() ({
      %run_scoped3A = tpu.sem_alloc : memref<!tpu.dma_semaphore, #tpu.memory_space<semaphore_mem>>
      %dma_start3A_90 = arith.constant 0 : i32
      %dma_start3A_91 = tpu.memref_slice %arg5[%add3A_61, %dma_start3A_90] : memref<20480x128xf32, #tpu.memory_space<hbm>> -> memref<128x128xf32, #tpu.memory_space<hbm>>
      %dma_start3A_92 = arith.constant 0 : i32
      %dma_start3A_93 = tpu.memref_slice %arg5[%add3A_61, %dma_start3A_92] : memref<20480x128xf32, #tpu.memory_space<hbm>> -> memref<128x128xf32, #tpu.memory_space<hbm>>
      tpu.enqueue_dma source(%arg8 : memref<128x128xf32, #tpu.memory_space<vmem>>) target(%dma_start3A_93 : memref<128x128xf32, #tpu.memory_space<hbm>>) target_semaphore(%run_scoped3A : memref<!tpu.dma_semaphore, #tpu.memory_space<semaphore_mem>>)
      %dma_wait3A_94 = arith.constant 0 : i32
      %dma_wait3A_95 = tpu.memref_slice %arg5[%add3A_61, %dma_wait3A_94] : memref<20480x128xf32, #tpu.memory_space<hbm>> -> memref<128x128xf32, #tpu.memory_space<hbm>>
      %dma_wait3A_96 = arith.constant 0 : i32
      %dma_wait3A_97 = tpu.memref_slice %arg5[%add3A_61, %dma_wait3A_96] : memref<20480x128xf32, #tpu.memory_space<hbm>> -> memref<128x128xf32, #tpu.memory_space<hbm>>
      tpu.wait_dma2 semaphore(%run_scoped3A : memref<!tpu.dma_semaphore, #tpu.memory_space<semaphore_mem>>) src(%arg8 : memref<128x128xf32, #tpu.memory_space<vmem>>) dst(%dma_wait3A_97 : memref<128x128xf32, #tpu.memory_space<hbm>>)
      tpu.yield
    }) : () -> ()
    %mul3A_62 = arith.constant 640 : i32
    %mul3A_63 = arith.muli %arg1, %mul3A_62 : i32
    %add3A_64 = arith.constant 128 : i32
    %add3A_65 = arith.addi %mul3A_63, %add3A_64 : i32
    "tpu.region"() ({
      %run_scoped3A = tpu.sem_alloc : memref<!tpu.dma_semaphore, #tpu.memory_space<semaphore_mem>>
      %dma_start3A_90 = arith.constant 0 : i32
      %dma_start3A_91 = tpu.memref_slice %arg10[%add3A_65, %dma_start3A_90] : memref<10240x128xf32, #tpu.memory_space<vmem_shared>> -> memref<128x128xf32, #tpu.memory_space<vmem_shared>>
      %dma_start3A_92 = arith.constant 0 : i32
      %dma_start3A_93 = tpu.memref_slice %arg10[%add3A_65, %dma_start3A_92] : memref<10240x128xf32, #tpu.memory_space<vmem_shared>> -> memref<128x128xf32, #tpu.memory_space<vmem_shared>>
      tpu.enqueue_dma source(%dma_start3A_93 : memref<128x128xf32, #tpu.memory_space<vmem_shared>>) target(%arg8 : memref<128x128xf32, #tpu.memory_space<vmem>>) target_semaphore(%run_scoped3A : memref<!tpu.dma_semaphore, #tpu.memory_space<semaphore_mem>>)
      %dma_wait3A_94 = arith.constant 0 : i32
      %dma_wait3A_95 = tpu.memref_slice %arg10[%add3A_65, %dma_wait3A_94] : memref<10240x128xf32, #tpu.memory_space<vmem_shared>> -> memref<128x128xf32, #tpu.memory_space<vmem_shared>>
      %dma_wait3A_96 = arith.constant 0 : i32
      %dma_wait3A_97 = tpu.memref_slice %arg10[%add3A_65, %dma_wait3A_96] : memref<10240x128xf32, #tpu.memory_space<vmem_shared>> -> memref<128x128xf32, #tpu.memory_space<vmem_shared>>
      tpu.wait_dma2 semaphore(%run_scoped3A : memref<!tpu.dma_semaphore, #tpu.memory_space<semaphore_mem>>) src(%dma_wait3A_97 : memref<128x128xf32, #tpu.memory_space<vmem_shared>>) dst(%arg8 : memref<128x128xf32, #tpu.memory_space<vmem>>)
      tpu.yield
    }) : () -> ()
    %mul3A_66 = arith.constant 10240 : i32
    %mul3A_67 = arith.muli %arg0, %mul3A_66 : i32
    %add3A_68 = arith.addi %mul3A_67, %add3A_65 : i32
    "tpu.region"() ({
      %run_scoped3A = tpu.sem_alloc : memref<!tpu.dma_semaphore, #tpu.memory_space<semaphore_mem>>
      %dma_start3A_90 = arith.constant 0 : i32
      %dma_start3A_91 = tpu.memref_slice %arg5[%add3A_68, %dma_start3A_90] : memref<20480x128xf32, #tpu.memory_space<hbm>> -> memref<128x128xf32, #tpu.memory_space<hbm>>
      %dma_start3A_92 = arith.constant 0 : i32
      %dma_start3A_93 = tpu.memref_slice %arg5[%add3A_68, %dma_start3A_92] : memref<20480x128xf32, #tpu.memory_space<hbm>> -> memref<128x128xf32, #tpu.memory_space<hbm>>
      tpu.enqueue_dma source(%arg8 : memref<128x128xf32, #tpu.memory_space<vmem>>) target(%dma_start3A_93 : memref<128x128xf32, #tpu.memory_space<hbm>>) target_semaphore(%run_scoped3A : memref<!tpu.dma_semaphore, #tpu.memory_space<semaphore_mem>>)
      %dma_wait3A_94 = arith.constant 0 : i32
      %dma_wait3A_95 = tpu.memref_slice %arg5[%add3A_68, %dma_wait3A_94] : memref<20480x128xf32, #tpu.memory_space<hbm>> -> memref<128x128xf32, #tpu.memory_space<hbm>>
      %dma_wait3A_96 = arith.constant 0 : i32
      %dma_wait3A_97 = tpu.memref_slice %arg5[%add3A_68, %dma_wait3A_96] : memref<20480x128xf32, #tpu.memory_space<hbm>> -> memref<128x128xf32, #tpu.memory_space<hbm>>
      tpu.wait_dma2 semaphore(%run_scoped3A : memref<!tpu.dma_semaphore, #tpu.memory_space<semaphore_mem>>) src(%arg8 : memref<128x128xf32, #tpu.memory_space<vmem>>) dst(%dma_wait3A_97 : memref<128x128xf32, #tpu.memory_space<hbm>>)
      tpu.yield
    }) : () -> ()
    %mul3A_69 = arith.constant 640 : i32
    %mul3A_70 = arith.muli %arg1, %mul3A_69 : i32
    %add3A_71 = arith.constant 256 : i32
    %add3A_72 = arith.addi %mul3A_70, %add3A_71 : i32
    "tpu.region"() ({
      %run_scoped3A = tpu.sem_alloc : memref<!tpu.dma_semaphore, #tpu.memory_space<semaphore_mem>>
      %dma_start3A_90 = arith.constant 0 : i32
      %dma_start3A_91 = tpu.memref_slice %arg10[%add3A_72, %dma_start3A_90] : memref<10240x128xf32, #tpu.memory_space<vmem_shared>> -> memref<128x128xf32, #tpu.memory_space<vmem_shared>>
      %dma_start3A_92 = arith.constant 0 : i32
      %dma_start3A_93 = tpu.memref_slice %arg10[%add3A_72, %dma_start3A_92] : memref<10240x128xf32, #tpu.memory_space<vmem_shared>> -> memref<128x128xf32, #tpu.memory_space<vmem_shared>>
      tpu.enqueue_dma source(%dma_start3A_93 : memref<128x128xf32, #tpu.memory_space<vmem_shared>>) target(%arg8 : memref<128x128xf32, #tpu.memory_space<vmem>>) target_semaphore(%run_scoped3A : memref<!tpu.dma_semaphore, #tpu.memory_space<semaphore_mem>>)
      %dma_wait3A_94 = arith.constant 0 : i32
      %dma_wait3A_95 = tpu.memref_slice %arg10[%add3A_72, %dma_wait3A_94] : memref<10240x128xf32, #tpu.memory_space<vmem_shared>> -> memref<128x128xf32, #tpu.memory_space<vmem_shared>>
      %dma_wait3A_96 = arith.constant 0 : i32
      %dma_wait3A_97 = tpu.memref_slice %arg10[%add3A_72, %dma_wait3A_96] : memref<10240x128xf32, #tpu.memory_space<vmem_shared>> -> memref<128x128xf32, #tpu.memory_space<vmem_shared>>
      tpu.wait_dma2 semaphore(%run_scoped3A : memref<!tpu.dma_semaphore, #tpu.memory_space<semaphore_mem>>) src(%dma_wait3A_97 : memref<128x128xf32, #tpu.memory_space<vmem_shared>>) dst(%arg8 : memref<128x128xf32, #tpu.memory_space<vmem>>)
      tpu.yield
    }) : () -> ()
    %mul3A_73 = arith.constant 10240 : i32
    %mul3A_74 = arith.muli %arg0, %mul3A_73 : i32
    %add3A_75 = arith.addi %mul3A_74, %add3A_72 : i32
    "tpu.region"() ({
      %run_scoped3A = tpu.sem_alloc : memref<!tpu.dma_semaphore, #tpu.memory_space<semaphore_mem>>
      %dma_start3A_90 = arith.constant 0 : i32
      %dma_start3A_91 = tpu.memref_slice %arg5[%add3A_75, %dma_start3A_90] : memref<20480x128xf32, #tpu.memory_space<hbm>> -> memref<128x128xf32, #tpu.memory_space<hbm>>
      %dma_start3A_92 = arith.constant 0 : i32
      %dma_start3A_93 = tpu.memref_slice %arg5[%add3A_75, %dma_start3A_92] : memref<20480x128xf32, #tpu.memory_space<hbm>> -> memref<128x128xf32, #tpu.memory_space<hbm>>
      tpu.enqueue_dma source(%arg8 : memref<128x128xf32, #tpu.memory_space<vmem>>) target(%dma_start3A_93 : memref<128x128xf32, #tpu.memory_space<hbm>>) target_semaphore(%run_scoped3A : memref<!tpu.dma_semaphore, #tpu.memory_space<semaphore_mem>>)
      %dma_wait3A_94 = arith.constant 0 : i32
      %dma_wait3A_95 = tpu.memref_slice %arg5[%add3A_75, %dma_wait3A_94] : memref<20480x128xf32, #tpu.memory_space<hbm>> -> memref<128x128xf32, #tpu.memory_space<hbm>>
      %dma_wait3A_96 = arith.constant 0 : i32
      %dma_wait3A_97 = tpu.memref_slice %arg5[%add3A_75, %dma_wait3A_96] : memref<20480x128xf32, #tpu.memory_space<hbm>> -> memref<128x128xf32, #tpu.memory_space<hbm>>
      tpu.wait_dma2 semaphore(%run_scoped3A : memref<!tpu.dma_semaphore, #tpu.memory_space<semaphore_mem>>) src(%arg8 : memref<128x128xf32, #tpu.memory_space<vmem>>) dst(%dma_wait3A_97 : memref<128x128xf32, #tpu.memory_space<hbm>>)
      tpu.yield
    }) : () -> ()
    %mul3A_76 = arith.constant 640 : i32
    %mul3A_77 = arith.muli %arg1, %mul3A_76 : i32
    %add3A_78 = arith.constant 384 : i32
    %add3A_79 = arith.addi %mul3A_77, %add3A_78 : i32
    "tpu.region"() ({
      %run_scoped3A = tpu.sem_alloc : memref<!tpu.dma_semaphore, #tpu.memory_space<semaphore_mem>>
      %dma_start3A_90 = arith.constant 0 : i32
      %dma_start3A_91 = tpu.memref_slice %arg10[%add3A_79, %dma_start3A_90] : memref<10240x128xf32, #tpu.memory_space<vmem_shared>> -> memref<128x128xf32, #tpu.memory_space<vmem_shared>>
      %dma_start3A_92 = arith.constant 0 : i32
      %dma_start3A_93 = tpu.memref_slice %arg10[%add3A_79, %dma_start3A_92] : memref<10240x128xf32, #tpu.memory_space<vmem_shared>> -> memref<128x128xf32, #tpu.memory_space<vmem_shared>>
      tpu.enqueue_dma source(%dma_start3A_93 : memref<128x128xf32, #tpu.memory_space<vmem_shared>>) target(%arg8 : memref<128x128xf32, #tpu.memory_space<vmem>>) target_semaphore(%run_scoped3A : memref<!tpu.dma_semaphore, #tpu.memory_space<semaphore_mem>>)
      %dma_wait3A_94 = arith.constant 0 : i32
      %dma_wait3A_95 = tpu.memref_slice %arg10[%add3A_79, %dma_wait3A_94] : memref<10240x128xf32, #tpu.memory_space<vmem_shared>> -> memref<128x128xf32, #tpu.memory_space<vmem_shared>>
      %dma_wait3A_96 = arith.constant 0 : i32
      %dma_wait3A_97 = tpu.memref_slice %arg10[%add3A_79, %dma_wait3A_96] : memref<10240x128xf32, #tpu.memory_space<vmem_shared>> -> memref<128x128xf32, #tpu.memory_space<vmem_shared>>
      tpu.wait_dma2 semaphore(%run_scoped3A : memref<!tpu.dma_semaphore, #tpu.memory_space<semaphore_mem>>) src(%dma_wait3A_97 : memref<128x128xf32, #tpu.memory_space<vmem_shared>>) dst(%arg8 : memref<128x128xf32, #tpu.memory_space<vmem>>)
      tpu.yield
    }) : () -> ()
    %mul3A_80 = arith.constant 10240 : i32
    %mul3A_81 = arith.muli %arg0, %mul3A_80 : i32
    %add3A_82 = arith.addi %mul3A_81, %add3A_79 : i32
    "tpu.region"() ({
      %run_scoped3A = tpu.sem_alloc : memref<!tpu.dma_semaphore, #tpu.memory_space<semaphore_mem>>
      %dma_start3A_90 = arith.constant 0 : i32
      %dma_start3A_91 = tpu.memref_slice %arg5[%add3A_82, %dma_start3A_90] : memref<20480x128xf32, #tpu.memory_space<hbm>> -> memref<128x128xf32, #tpu.memory_space<hbm>>
      %dma_start3A_92 = arith.constant 0 : i32
      %dma_start3A_93 = tpu.memref_slice %arg5[%add3A_82, %dma_start3A_92] : memref<20480x128xf32, #tpu.memory_space<hbm>> -> memref<128x128xf32, #tpu.memory_space<hbm>>
      tpu.enqueue_dma source(%arg8 : memref<128x128xf32, #tpu.memory_space<vmem>>) target(%dma_start3A_93 : memref<128x128xf32, #tpu.memory_space<hbm>>) target_semaphore(%run_scoped3A : memref<!tpu.dma_semaphore, #tpu.memory_space<semaphore_mem>>)
      %dma_wait3A_94 = arith.constant 0 : i32
      %dma_wait3A_95 = tpu.memref_slice %arg5[%add3A_82, %dma_wait3A_94] : memref<20480x128xf32, #tpu.memory_space<hbm>> -> memref<128x128xf32, #tpu.memory_space<hbm>>
      %dma_wait3A_96 = arith.constant 0 : i32
      %dma_wait3A_97 = tpu.memref_slice %arg5[%add3A_82, %dma_wait3A_96] : memref<20480x128xf32, #tpu.memory_space<hbm>> -> memref<128x128xf32, #tpu.memory_space<hbm>>
      tpu.wait_dma2 semaphore(%run_scoped3A : memref<!tpu.dma_semaphore, #tpu.memory_space<semaphore_mem>>) src(%arg8 : memref<128x128xf32, #tpu.memory_space<vmem>>) dst(%dma_wait3A_97 : memref<128x128xf32, #tpu.memory_space<hbm>>)
      tpu.yield
    }) : () -> ()
    %mul3A_83 = arith.constant 640 : i32
    %mul3A_84 = arith.muli %arg1, %mul3A_83 : i32
    %add3A_85 = arith.constant 512 : i32
    %add3A_86 = arith.addi %mul3A_84, %add3A_85 : i32
    "tpu.region"() ({
      %run_scoped3A = tpu.sem_alloc : memref<!tpu.dma_semaphore, #tpu.memory_space<semaphore_mem>>
      %dma_start3A_90 = arith.constant 0 : i32
      %dma_start3A_91 = tpu.memref_slice %arg10[%add3A_86, %dma_start3A_90] : memref<10240x128xf32, #tpu.memory_space<vmem_shared>> -> memref<128x128xf32, #tpu.memory_space<vmem_shared>>
      %dma_start3A_92 = arith.constant 0 : i32
      %dma_start3A_93 = tpu.memref_slice %arg10[%add3A_86, %dma_start3A_92] : memref<10240x128xf32, #tpu.memory_space<vmem_shared>> -> memref<128x128xf32, #tpu.memory_space<vmem_shared>>
      tpu.enqueue_dma source(%dma_start3A_93 : memref<128x128xf32, #tpu.memory_space<vmem_shared>>) target(%arg8 : memref<128x128xf32, #tpu.memory_space<vmem>>) target_semaphore(%run_scoped3A : memref<!tpu.dma_semaphore, #tpu.memory_space<semaphore_mem>>)
      %dma_wait3A_94 = arith.constant 0 : i32
      %dma_wait3A_95 = tpu.memref_slice %arg10[%add3A_86, %dma_wait3A_94] : memref<10240x128xf32, #tpu.memory_space<vmem_shared>> -> memref<128x128xf32, #tpu.memory_space<vmem_shared>>
      %dma_wait3A_96 = arith.constant 0 : i32
      %dma_wait3A_97 = tpu.memref_slice %arg10[%add3A_86, %dma_wait3A_96] : memref<10240x128xf32, #tpu.memory_space<vmem_shared>> -> memref<128x128xf32, #tpu.memory_space<vmem_shared>>
      tpu.wait_dma2 semaphore(%run_scoped3A : memref<!tpu.dma_semaphore, #tpu.memory_space<semaphore_mem>>) src(%dma_wait3A_97 : memref<128x128xf32, #tpu.memory_space<vmem_shared>>) dst(%arg8 : memref<128x128xf32, #tpu.memory_space<vmem>>)
      tpu.yield
    }) : () -> ()
    %mul3A_87 = arith.constant 10240 : i32
    %mul3A_88 = arith.muli %arg0, %mul3A_87 : i32
    %add3A_89 = arith.addi %mul3A_88, %add3A_86 : i32
    "tpu.region"() ({
      %run_scoped3A = tpu.sem_alloc : memref<!tpu.dma_semaphore, #tpu.memory_space<semaphore_mem>>
      %dma_start3A_90 = arith.constant 0 : i32
      %dma_start3A_91 = tpu.memref_slice %arg5[%add3A_89, %dma_start3A_90] : memref<20480x128xf32, #tpu.memory_space<hbm>> -> memref<128x128xf32, #tpu.memory_space<hbm>>
      %dma_start3A_92 = arith.constant 0 : i32
      %dma_start3A_93 = tpu.memref_slice %arg5[%add3A_89, %dma_start3A_92] : memref<20480x128xf32, #tpu.memory_space<hbm>> -> memref<128x128xf32, #tpu.memory_space<hbm>>
      tpu.enqueue_dma source(%arg8 : memref<128x128xf32, #tpu.memory_space<vmem>>) target(%dma_start3A_93 : memref<128x128xf32, #tpu.memory_space<hbm>>) target_semaphore(%run_scoped3A : memref<!tpu.dma_semaphore, #tpu.memory_space<semaphore_mem>>)
      %dma_wait3A_94 = arith.constant 0 : i32
      %dma_wait3A_95 = tpu.memref_slice %arg5[%add3A_89, %dma_wait3A_94] : memref<20480x128xf32, #tpu.memory_space<hbm>> -> memref<128x128xf32, #tpu.memory_space<hbm>>
      %dma_wait3A_96 = arith.constant 0 : i32
      %dma_wait3A_97 = tpu.memref_slice %arg5[%add3A_89, %dma_wait3A_96] : memref<20480x128xf32, #tpu.memory_space<hbm>> -> memref<128x128xf32, #tpu.memory_space<hbm>>
      tpu.wait_dma2 semaphore(%run_scoped3A : memref<!tpu.dma_semaphore, #tpu.memory_space<semaphore_mem>>) src(%arg8 : memref<128x128xf32, #tpu.memory_space<vmem>>) dst(%dma_wait3A_97 : memref<128x128xf32, #tpu.memory_space<hbm>>)
      tpu.yield
    }) : () -> ()
    return
  }
}

#map = affine_map<(d0, d1) -> (0, 0)>
module attributes {stable_mosaic.version = 14 : i64} {
  func.func @_agg_body(%arg0: i32, %arg1: i32, %arg2: memref<10000x128xf32, #tpu.memory_space<hbm>>, %arg3: memref<5122x128xi32, #tpu.memory_space<hbm>>, %arg4: memref<128x128xf32, #tpu.memory_space<hbm>>, %arg5: memref<20480x128xf32, #tpu.memory_space<hbm>>, %arg6: memref<2x128xi32, #tpu.memory_space<vmem>>, %arg7: memref<2x128xi32, #tpu.memory_space<vmem>>, %arg8: memref<128x128xf32, #tpu.memory_space<vmem>>, %arg9: memref<128x128xf32, #tpu.memory_space<vmem>>, %arg10: memref<10240x128xf32, #tpu.memory_space<vmem_shared>>, %arg11: memref<!tpu.dma_semaphore, #tpu.memory_space<semaphore_mem>>, %arg12: memref<!tpu.dma_semaphore, #tpu.memory_space<semaphore_mem>>) attributes {dimension_semantics = [#tpu.dimension_semantics<core_parallel>, #tpu.dimension_semantics<subcore_parallel>], iteration_bounds = array<i64: 2, 16>, scalar_prefetch = 0 : i64, scratch_operands = 7 : i64, tpu.core_type = #tpu.core_type<sc_vector_subcore>, window_params = [{transform_indices = #map}, {transform_indices = #map}, {transform_indices = #map}, {transform_indices = #map}]} {
    "tpu.region"() ({
      %run_scoped3A = tpu.sem_alloc : memref<!tpu.dma_semaphore, #tpu.memory_space<semaphore_mem>>
      tpu.enqueue_dma source(%arg4 : memref<128x128xf32, #tpu.memory_space<hbm>>) target(%arg8 : memref<128x128xf32, #tpu.memory_space<vmem>>) target_semaphore(%run_scoped3A : memref<!tpu.dma_semaphore, #tpu.memory_space<semaphore_mem>>)
      tpu.wait_dma2 semaphore(%run_scoped3A : memref<!tpu.dma_semaphore, #tpu.memory_space<semaphore_mem>>) src(%arg4 : memref<128x128xf32, #tpu.memory_space<hbm>>) dst(%arg8 : memref<128x128xf32, #tpu.memory_space<vmem>>)
      tpu.yield
    }) : () -> ()
    %mul3A = arith.constant 640 : i32
    %mul3A_0 = arith.muli %arg1, %mul3A : i32
    %add3A = arith.constant 0 : i32
    %add3A_1 = arith.addi %mul3A_0, %add3A : i32
    "tpu.region"() ({
      %run_scoped3A = tpu.sem_alloc : memref<!tpu.dma_semaphore, #tpu.memory_space<semaphore_mem>>
      %dma_start3A_90 = arith.constant 0 : i32
      %dma_start3A_91 = tpu.memref_slice %arg10[%add3A_1, %dma_start3A_90] : memref<10240x128xf32, #tpu.memory_space<vmem_shared>> -> memref<128x128xf32, #tpu.memory_space<vmem_shared>>
      %dma_start3A_92 = arith.constant 0 : i32
      %dma_start3A_93 = tpu.memref_slice %arg10[%add3A_1, %dma_start3A_92] : memref<10240x128xf32, #tpu.memory_space<vmem_shared>> -> memref<128x128xf32, #tpu.memory_space<vmem_shared>>
      tpu.enqueue_dma source(%arg8 : memref<128x128xf32, #tpu.memory_space<vmem>>) target(%dma_start3A_93 : memref<128x128xf32, #tpu.memory_space<vmem_shared>>) target_semaphore(%run_scoped3A : memref<!tpu.dma_semaphore, #tpu.memory_space<semaphore_mem>>)
      %dma_wait3A_94 = arith.constant 0 : i32
      %dma_wait3A_95 = tpu.memref_slice %arg10[%add3A_1, %dma_wait3A_94] : memref<10240x128xf32, #tpu.memory_space<vmem_shared>> -> memref<128x128xf32, #tpu.memory_space<vmem_shared>>
      %dma_wait3A_96 = arith.constant 0 : i32
      %dma_wait3A_97 = tpu.memref_slice %arg10[%add3A_1, %dma_wait3A_96] : memref<10240x128xf32, #tpu.memory_space<vmem_shared>> -> memref<128x128xf32, #tpu.memory_space<vmem_shared>>
      tpu.wait_dma2 semaphore(%run_scoped3A : memref<!tpu.dma_semaphore, #tpu.memory_space<semaphore_mem>>) src(%arg8 : memref<128x128xf32, #tpu.memory_space<vmem>>) dst(%dma_wait3A_97 : memref<128x128xf32, #tpu.memory_space<vmem_shared>>)
      tpu.yield
    }) : () -> ()
    %mul3A_2 = arith.constant 640 : i32
    %mul3A_3 = arith.muli %arg1, %mul3A_2 : i32
    %add3A_4 = arith.constant 128 : i32
    %add3A_5 = arith.addi %mul3A_3, %add3A_4 : i32
    "tpu.region"() ({
      %run_scoped3A = tpu.sem_alloc : memref<!tpu.dma_semaphore, #tpu.memory_space<semaphore_mem>>
      %dma_start3A_90 = arith.constant 0 : i32
      %dma_start3A_91 = tpu.memref_slice %arg10[%add3A_5, %dma_start3A_90] : memref<10240x128xf32, #tpu.memory_space<vmem_shared>> -> memref<128x128xf32, #tpu.memory_space<vmem_shared>>
      %dma_start3A_92 = arith.constant 0 : i32
      %dma_start3A_93 = tpu.memref_slice %arg10[%add3A_5, %dma_start3A_92] : memref<10240x128xf32, #tpu.memory_space<vmem_shared>> -> memref<128x128xf32, #tpu.memory_space<vmem_shared>>
      tpu.enqueue_dma source(%arg8 : memref<128x128xf32, #tpu.memory_space<vmem>>) target(%dma_start3A_93 : memref<128x128xf32, #tpu.memory_space<vmem_shared>>) target_semaphore(%run_scoped3A : memref<!tpu.dma_semaphore, #tpu.memory_space<semaphore_mem>>)
      %dma_wait3A_94 = arith.constant 0 : i32
      %dma_wait3A_95 = tpu.memref_slice %arg10[%add3A_5, %dma_wait3A_94] : memref<10240x128xf32, #tpu.memory_space<vmem_shared>> -> memref<128x128xf32, #tpu.memory_space<vmem_shared>>
      %dma_wait3A_96 = arith.constant 0 : i32
      %dma_wait3A_97 = tpu.memref_slice %arg10[%add3A_5, %dma_wait3A_96] : memref<10240x128xf32, #tpu.memory_space<vmem_shared>> -> memref<128x128xf32, #tpu.memory_space<vmem_shared>>
      tpu.wait_dma2 semaphore(%run_scoped3A : memref<!tpu.dma_semaphore, #tpu.memory_space<semaphore_mem>>) src(%arg8 : memref<128x128xf32, #tpu.memory_space<vmem>>) dst(%dma_wait3A_97 : memref<128x128xf32, #tpu.memory_space<vmem_shared>>)
      tpu.yield
    }) : () -> ()
    %mul3A_6 = arith.constant 640 : i32
    %mul3A_7 = arith.muli %arg1, %mul3A_6 : i32
    %add3A_8 = arith.constant 256 : i32
    %add3A_9 = arith.addi %mul3A_7, %add3A_8 : i32
    "tpu.region"() ({
      %run_scoped3A = tpu.sem_alloc : memref<!tpu.dma_semaphore, #tpu.memory_space<semaphore_mem>>
      %dma_start3A_90 = arith.constant 0 : i32
      %dma_start3A_91 = tpu.memref_slice %arg10[%add3A_9, %dma_start3A_90] : memref<10240x128xf32, #tpu.memory_space<vmem_shared>> -> memref<128x128xf32, #tpu.memory_space<vmem_shared>>
      %dma_start3A_92 = arith.constant 0 : i32
      %dma_start3A_93 = tpu.memref_slice %arg10[%add3A_9, %dma_start3A_92] : memref<10240x128xf32, #tpu.memory_space<vmem_shared>> -> memref<128x128xf32, #tpu.memory_space<vmem_shared>>
      tpu.enqueue_dma source(%arg8 : memref<128x128xf32, #tpu.memory_space<vmem>>) target(%dma_start3A_93 : memref<128x128xf32, #tpu.memory_space<vmem_shared>>) target_semaphore(%run_scoped3A : memref<!tpu.dma_semaphore, #tpu.memory_space<semaphore_mem>>)
      %dma_wait3A_94 = arith.constant 0 : i32
      %dma_wait3A_95 = tpu.memref_slice %arg10[%add3A_9, %dma_wait3A_94] : memref<10240x128xf32, #tpu.memory_space<vmem_shared>> -> memref<128x128xf32, #tpu.memory_space<vmem_shared>>
      %dma_wait3A_96 = arith.constant 0 : i32
      %dma_wait3A_97 = tpu.memref_slice %arg10[%add3A_9, %dma_wait3A_96] : memref<10240x128xf32, #tpu.memory_space<vmem_shared>> -> memref<128x128xf32, #tpu.memory_space<vmem_shared>>
      tpu.wait_dma2 semaphore(%run_scoped3A : memref<!tpu.dma_semaphore, #tpu.memory_space<semaphore_mem>>) src(%arg8 : memref<128x128xf32, #tpu.memory_space<vmem>>) dst(%dma_wait3A_97 : memref<128x128xf32, #tpu.memory_space<vmem_shared>>)
      tpu.yield
    }) : () -> ()
    %mul3A_10 = arith.constant 640 : i32
    %mul3A_11 = arith.muli %arg1, %mul3A_10 : i32
    %add3A_12 = arith.constant 384 : i32
    %add3A_13 = arith.addi %mul3A_11, %add3A_12 : i32
    "tpu.region"() ({
      %run_scoped3A = tpu.sem_alloc : memref<!tpu.dma_semaphore, #tpu.memory_space<semaphore_mem>>
      %dma_start3A_90 = arith.constant 0 : i32
      %dma_start3A_91 = tpu.memref_slice %arg10[%add3A_13, %dma_start3A_90] : memref<10240x128xf32, #tpu.memory_space<vmem_shared>> -> memref<128x128xf32, #tpu.memory_space<vmem_shared>>
      %dma_start3A_92 = arith.constant 0 : i32
      %dma_start3A_93 = tpu.memref_slice %arg10[%add3A_13, %dma_start3A_92] : memref<10240x128xf32, #tpu.memory_space<vmem_shared>> -> memref<128x128xf32, #tpu.memory_space<vmem_shared>>
      tpu.enqueue_dma source(%arg8 : memref<128x128xf32, #tpu.memory_space<vmem>>) target(%dma_start3A_93 : memref<128x128xf32, #tpu.memory_space<vmem_shared>>) target_semaphore(%run_scoped3A : memref<!tpu.dma_semaphore, #tpu.memory_space<semaphore_mem>>)
      %dma_wait3A_94 = arith.constant 0 : i32
      %dma_wait3A_95 = tpu.memref_slice %arg10[%add3A_13, %dma_wait3A_94] : memref<10240x128xf32, #tpu.memory_space<vmem_shared>> -> memref<128x128xf32, #tpu.memory_space<vmem_shared>>
      %dma_wait3A_96 = arith.constant 0 : i32
      %dma_wait3A_97 = tpu.memref_slice %arg10[%add3A_13, %dma_wait3A_96] : memref<10240x128xf32, #tpu.memory_space<vmem_shared>> -> memref<128x128xf32, #tpu.memory_space<vmem_shared>>
      tpu.wait_dma2 semaphore(%run_scoped3A : memref<!tpu.dma_semaphore, #tpu.memory_space<semaphore_mem>>) src(%arg8 : memref<128x128xf32, #tpu.memory_space<vmem>>) dst(%dma_wait3A_97 : memref<128x128xf32, #tpu.memory_space<vmem_shared>>)
      tpu.yield
    }) : () -> ()
    %mul3A_14 = arith.constant 640 : i32
    %mul3A_15 = arith.muli %arg1, %mul3A_14 : i32
    %add3A_16 = arith.constant 512 : i32
    %add3A_17 = arith.addi %mul3A_15, %add3A_16 : i32
    "tpu.region"() ({
      %run_scoped3A = tpu.sem_alloc : memref<!tpu.dma_semaphore, #tpu.memory_space<semaphore_mem>>
      %dma_start3A_90 = arith.constant 0 : i32
      %dma_start3A_91 = tpu.memref_slice %arg10[%add3A_17, %dma_start3A_90] : memref<10240x128xf32, #tpu.memory_space<vmem_shared>> -> memref<128x128xf32, #tpu.memory_space<vmem_shared>>
      %dma_start3A_92 = arith.constant 0 : i32
      %dma_start3A_93 = tpu.memref_slice %arg10[%add3A_17, %dma_start3A_92] : memref<10240x128xf32, #tpu.memory_space<vmem_shared>> -> memref<128x128xf32, #tpu.memory_space<vmem_shared>>
      tpu.enqueue_dma source(%arg8 : memref<128x128xf32, #tpu.memory_space<vmem>>) target(%dma_start3A_93 : memref<128x128xf32, #tpu.memory_space<vmem_shared>>) target_semaphore(%run_scoped3A : memref<!tpu.dma_semaphore, #tpu.memory_space<semaphore_mem>>)
      %dma_wait3A_94 = arith.constant 0 : i32
      %dma_wait3A_95 = tpu.memref_slice %arg10[%add3A_17, %dma_wait3A_94] : memref<10240x128xf32, #tpu.memory_space<vmem_shared>> -> memref<128x128xf32, #tpu.memory_space<vmem_shared>>
      %dma_wait3A_96 = arith.constant 0 : i32
      %dma_wait3A_97 = tpu.memref_slice %arg10[%add3A_17, %dma_wait3A_96] : memref<10240x128xf32, #tpu.memory_space<vmem_shared>> -> memref<128x128xf32, #tpu.memory_space<vmem_shared>>
      tpu.wait_dma2 semaphore(%run_scoped3A : memref<!tpu.dma_semaphore, #tpu.memory_space<semaphore_mem>>) src(%arg8 : memref<128x128xf32, #tpu.memory_space<vmem>>) dst(%dma_wait3A_97 : memref<128x128xf32, #tpu.memory_space<vmem_shared>>)
      tpu.yield
    }) : () -> ()
    %barrier3A = arith.constant 0 : index
    tpu.barrier barrier_id(%barrier3A)
    %eq3A = arith.constant 0 : i32
    %eq3A_18 = arith.cmpi eq, %arg0, %eq3A : i32
    %mul3A_19 = arith.constant 136 : i32
    %mul3A_20 = arith.muli %arg1, %mul3A_19 : i32
    %mul3A_21 = arith.constant 24 : i32
    %mul3A_22 = arith.muli %arg1, %mul3A_21 : i32
    %add3A_23 = arith.constant 2176 : i32
    %add3A_24 = arith.addi %add3A_23, %mul3A_22 : i32
    %select_n3A = arith.select %eq3A_18, %mul3A_20, %add3A_24 : i32
    %eq3A_25 = arith.constant 0 : i32
    %eq3A_26 = arith.cmpi eq, %arg0, %eq3A_25 : i32
    %jit3A = arith.constant 68 : i32
    %jit3A_27 = arith.constant 12 : i32
    %select_n3A_28 = arith.select %eq3A_26, %jit3A, %jit3A_27 : i32
    %add3A_29 = arith.constant 0 : i32
    %add3A_30 = arith.addi %select_n3A, %add3A_29 : i32
    %mul3A_31 = arith.constant 2 : i32
    %mul3A_32 = arith.muli %mul3A_31, %add3A_30 : i32
    "tpu.region"() ({
      %run_scoped3A = tpu.sem_alloc : memref<!tpu.dma_semaphore, #tpu.memory_space<semaphore_mem>>
      %dma_start3A_90 = arith.constant 0 : i32
      %dma_start3A_91 = tpu.memref_slice %arg3[%mul3A_32, %dma_start3A_90] : memref<5122x128xi32, #tpu.memory_space<hbm>> -> memref<2x128xi32, #tpu.memory_space<hbm>>
      %dma_start3A_92 = arith.constant 0 : i32
      %dma_start3A_93 = tpu.memref_slice %arg3[%mul3A_32, %dma_start3A_92] : memref<5122x128xi32, #tpu.memory_space<hbm>> -> memref<2x128xi32, #tpu.memory_space<hbm>>
      tpu.enqueue_dma source(%dma_start3A_93 : memref<2x128xi32, #tpu.memory_space<hbm>>) target(%arg6 : memref<2x128xi32, #tpu.memory_space<vmem>>) target_semaphore(%run_scoped3A : memref<!tpu.dma_semaphore, #tpu.memory_space<semaphore_mem>>)
      %dma_wait3A_94 = arith.constant 0 : i32
      %dma_wait3A_95 = tpu.memref_slice %arg3[%mul3A_32, %dma_wait3A_94] : memref<5122x128xi32, #tpu.memory_space<hbm>> -> memref<2x128xi32, #tpu.memory_space<hbm>>
      %dma_wait3A_96 = arith.constant 0 : i32
      %dma_wait3A_97 = tpu.memref_slice %arg3[%mul3A_32, %dma_wait3A_96] : memref<5122x128xi32, #tpu.memory_space<hbm>> -> memref<2x128xi32, #tpu.memory_space<hbm>>
      tpu.wait_dma2 semaphore(%run_scoped3A : memref<!tpu.dma_semaphore, #tpu.memory_space<semaphore_mem>>) src(%dma_wait3A_97 : memref<2x128xi32, #tpu.memory_space<hbm>>) dst(%arg6 : memref<2x128xi32, #tpu.memory_space<vmem>>)
      tpu.yield
    }) : () -> ()
    %dma_start3A = arith.constant 0 : i32
    %dma_start3A_33 = arith.constant 0 : i32
    %dma_start3A_34 = tpu.memref_slice %arg6[%dma_start3A, %dma_start3A_33] : memref<2x128xi32, #tpu.memory_space<vmem>> -> memref<1x128xi32, #tpu.memory_space<vmem>>
    %dma_start3A_35 = tpu.memref_squeeze %dma_start3A_34 : memref<1x128xi32, #tpu.memory_space<vmem>> -> memref<128xi32, #tpu.memory_space<vmem>>
    %dma_start3A_36 = arith.constant 0 : i32
    %dma_start3A_37 = arith.constant 0 : i32
    %dma_start3A_38 = tpu.memref_slice %arg2[%dma_start3A_36, %dma_start3A_37] : memref<10000x128xf32, #tpu.memory_space<hbm>> -> memref<10000x128xf32, #tpu.memory_space<hbm>>
    tpu.enqueue_indirect_dma source(%dma_start3A_38 : memref<10000x128xf32, #tpu.memory_space<hbm>>) target(%arg8 : memref<128x128xf32, #tpu.memory_space<vmem>>) offsets(%dma_start3A_35 : memref<128xi32, #tpu.memory_space<vmem>>) semaphore(%arg11 : memref<!tpu.dma_semaphore, #tpu.memory_space<semaphore_mem>>)
    %while3A = arith.constant 0 : i32
    %while3A_39 = arith.constant 0 : i32
    %while3A_40 = arith.subi %select_n3A_28, %while3A_39 : i32
    %while3A_41 = arith.addi %while3A_39, %while3A_40 : i32
    %while3A_42 = arith.constant 1 : i32
    %while3A_43 = arith.divsi %while3A_40, %while3A_42 : i32
    %while3A_44 = arith.muli %while3A_43, %while3A_42 : i32
    %while3A_45 = arith.addi %while3A_39, %while3A_44 : i32
    %while3A_46 = arith.constant 1 : i32
    scf.for %while3A_90 = %while3A_39 to %while3A_45 step %while3A_46  : i32 {
      %mul3A_91 = arith.constant 2 : i32
      %mul3A_92 = arith.muli %mul3A_91, %while3A_90 : i32
      %add3A_93 = arith.addi %select_n3A, %mul3A_92 : i32
      %add3A_94 = arith.constant 0 : i32
      %add3A_95 = arith.addi %add3A_93, %add3A_94 : i32
      %add3A_96 = arith.constant 2 : i32
      %add3A_97 = arith.addi %add3A_95, %add3A_96 : i32
      %sub3A = arith.constant 1 : i32
      %sub3A_98 = arith.subi %add3A_97, %sub3A : i32
      %mul3A_99 = arith.constant 2 : i32
      %mul3A_100 = arith.muli %mul3A_99, %sub3A_98 : i32
      "tpu.region"() ({
        %run_scoped3A_138 = tpu.sem_alloc : memref<!tpu.dma_semaphore, #tpu.memory_space<semaphore_mem>>
        %dma_start3A_139 = arith.constant 0 : i32
        %dma_start3A_140 = tpu.memref_slice %arg3[%mul3A_100, %dma_start3A_139] : memref<5122x128xi32, #tpu.memory_space<hbm>> -> memref<2x128xi32, #tpu.memory_space<hbm>>
        %dma_start3A_141 = arith.constant 0 : i32
        %dma_start3A_142 = tpu.memref_slice %arg3[%mul3A_100, %dma_start3A_141] : memref<5122x128xi32, #tpu.memory_space<hbm>> -> memref<2x128xi32, #tpu.memory_space<hbm>>
        tpu.enqueue_dma source(%dma_start3A_142 : memref<2x128xi32, #tpu.memory_space<hbm>>) target(%arg7 : memref<2x128xi32, #tpu.memory_space<vmem>>) target_semaphore(%run_scoped3A_138 : memref<!tpu.dma_semaphore, #tpu.memory_space<semaphore_mem>>)
        %dma_wait3A_143 = arith.constant 0 : i32
        %dma_wait3A_144 = tpu.memref_slice %arg3[%mul3A_100, %dma_wait3A_143] : memref<5122x128xi32, #tpu.memory_space<hbm>> -> memref<2x128xi32, #tpu.memory_space<hbm>>
        %dma_wait3A_145 = arith.constant 0 : i32
        %dma_wait3A_146 = tpu.memref_slice %arg3[%mul3A_100, %dma_wait3A_145] : memref<5122x128xi32, #tpu.memory_space<hbm>> -> memref<2x128xi32, #tpu.memory_space<hbm>>
        tpu.wait_dma2 semaphore(%run_scoped3A_138 : memref<!tpu.dma_semaphore, #tpu.memory_space<semaphore_mem>>) src(%dma_wait3A_146 : memref<2x128xi32, #tpu.memory_space<hbm>>) dst(%arg7 : memref<2x128xi32, #tpu.memory_space<vmem>>)
        tpu.yield
      }) : () -> ()
      %dma_start3A_101 = arith.constant 0 : i32
      %dma_start3A_102 = arith.constant 0 : i32
      %dma_start3A_103 = tpu.memref_slice %arg7[%dma_start3A_101, %dma_start3A_102] : memref<2x128xi32, #tpu.memory_space<vmem>> -> memref<1x128xi32, #tpu.memory_space<vmem>>
      %dma_start3A_104 = tpu.memref_squeeze %dma_start3A_103 : memref<1x128xi32, #tpu.memory_space<vmem>> -> memref<128xi32, #tpu.memory_space<vmem>>
      %dma_start3A_105 = arith.constant 0 : i32
      %dma_start3A_106 = arith.constant 0 : i32
      %dma_start3A_107 = tpu.memref_slice %arg2[%dma_start3A_105, %dma_start3A_106] : memref<10000x128xf32, #tpu.memory_space<hbm>> -> memref<10000x128xf32, #tpu.memory_space<hbm>>
      tpu.enqueue_indirect_dma source(%dma_start3A_107 : memref<10000x128xf32, #tpu.memory_space<hbm>>) target(%arg9 : memref<128x128xf32, #tpu.memory_space<vmem>>) offsets(%dma_start3A_104 : memref<128xi32, #tpu.memory_space<vmem>>) semaphore(%arg12 : memref<!tpu.dma_semaphore, #tpu.memory_space<semaphore_mem>>)
      %dma_wait3A_108 = arith.constant 0 : i32
      %dma_wait3A_109 = arith.constant 0 : i32
      %dma_wait3A_110 = tpu.memref_slice %arg6[%dma_wait3A_108, %dma_wait3A_109] : memref<2x128xi32, #tpu.memory_space<vmem>> -> memref<1x128xi32, #tpu.memory_space<vmem>>
      %dma_wait3A_111 = tpu.memref_squeeze %dma_wait3A_110 : memref<1x128xi32, #tpu.memory_space<vmem>> -> memref<128xi32, #tpu.memory_space<vmem>>
      %dma_wait3A_112 = arith.constant 0 : i32
      %dma_wait3A_113 = arith.constant 0 : i32
      %dma_wait3A_114 = tpu.memref_slice %arg2[%dma_wait3A_112, %dma_wait3A_113] : memref<10000x128xf32, #tpu.memory_space<hbm>> -> memref<10000x128xf32, #tpu.memory_space<hbm>>
      tpu.wait_indirect_dma semaphore(%arg11 : memref<!tpu.dma_semaphore, #tpu.memory_space<semaphore_mem>>) src(%dma_wait3A_114 : memref<10000x128xf32, #tpu.memory_space<hbm>>) dst(%arg8 : memref<128x128xf32, #tpu.memory_space<vmem>>)
      %run_scoped3A = arith.constant 1 : i32
      "tpu.region"() ({
        %run_scoped3A_138 = tpu.sem_alloc : memref<!tpu.dma_semaphore, #tpu.memory_space<semaphore_mem>>
        %dma_start3A_139 = arith.constant 0 : i32
        %dma_start3A_140 = tpu.memref_slice %arg6[%run_scoped3A, %dma_start3A_139] : memref<2x128xi32, #tpu.memory_space<vmem>> -> memref<1x128xi32, #tpu.memory_space<vmem>>
        %dma_start3A_141 = tpu.memref_squeeze %dma_start3A_140 : memref<1x128xi32, #tpu.memory_space<vmem>> -> memref<128xi32, #tpu.memory_space<vmem>>
        %dma_start3A_142 = arith.constant 0 : i32
        %dma_start3A_143 = arith.constant 0 : i32
        %dma_start3A_144 = tpu.memref_slice %arg10[%dma_start3A_142, %dma_start3A_143] : memref<10240x128xf32, #tpu.memory_space<vmem_shared>> -> memref<10240x128xf32, #tpu.memory_space<vmem_shared>>
        tpu.enqueue_indirect_dma source(%arg8 : memref<128x128xf32, #tpu.memory_space<vmem>>) target(%dma_start3A_144 : memref<10240x128xf32, #tpu.memory_space<vmem_shared>>) offsets(%dma_start3A_141 : memref<128xi32, #tpu.memory_space<vmem>>) semaphore(%run_scoped3A_138 : memref<!tpu.dma_semaphore, #tpu.memory_space<semaphore_mem>>) {add = true}
        %dma_wait3A_145 = arith.constant 0 : i32
        %dma_wait3A_146 = tpu.memref_slice %arg6[%run_scoped3A, %dma_wait3A_145] : memref<2x128xi32, #tpu.memory_space<vmem>> -> memref<1x128xi32, #tpu.memory_space<vmem>>
        %dma_wait3A_147 = tpu.memref_squeeze %dma_wait3A_146 : memref<1x128xi32, #tpu.memory_space<vmem>> -> memref<128xi32, #tpu.memory_space<vmem>>
        %dma_wait3A_148 = arith.constant 0 : i32
        %dma_wait3A_149 = arith.constant 0 : i32
        %dma_wait3A_150 = tpu.memref_slice %arg10[%dma_wait3A_148, %dma_wait3A_149] : memref<10240x128xf32, #tpu.memory_space<vmem_shared>> -> memref<10240x128xf32, #tpu.memory_space<vmem_shared>>
        tpu.wait_indirect_dma semaphore(%run_scoped3A_138 : memref<!tpu.dma_semaphore, #tpu.memory_space<semaphore_mem>>) src(%arg8 : memref<128x128xf32, #tpu.memory_space<vmem>>) dst(%dma_wait3A_150 : memref<10240x128xf32, #tpu.memory_space<vmem_shared>>)
        tpu.yield
      }) : () -> ()
      %add3A_115 = arith.constant 1 : i32
      %add3A_116 = arith.addi %add3A_93, %add3A_115 : i32
      %add3A_117 = arith.constant 2 : i32
      %add3A_118 = arith.addi %add3A_116, %add3A_117 : i32
      %sub3A_119 = arith.constant 1 : i32
      %sub3A_120 = arith.subi %add3A_118, %sub3A_119 : i32
      %mul3A_121 = arith.constant 2 : i32
      %mul3A_122 = arith.muli %mul3A_121, %sub3A_120 : i32
      "tpu.region"() ({
        %run_scoped3A_138 = tpu.sem_alloc : memref<!tpu.dma_semaphore, #tpu.memory_space<semaphore_mem>>
        %dma_start3A_139 = arith.constant 0 : i32
        %dma_start3A_140 = tpu.memref_slice %arg3[%mul3A_122, %dma_start3A_139] : memref<5122x128xi32, #tpu.memory_space<hbm>> -> memref<2x128xi32, #tpu.memory_space<hbm>>
        %dma_start3A_141 = arith.constant 0 : i32
        %dma_start3A_142 = tpu.memref_slice %arg3[%mul3A_122, %dma_start3A_141] : memref<5122x128xi32, #tpu.memory_space<hbm>> -> memref<2x128xi32, #tpu.memory_space<hbm>>
        tpu.enqueue_dma source(%dma_start3A_142 : memref<2x128xi32, #tpu.memory_space<hbm>>) target(%arg6 : memref<2x128xi32, #tpu.memory_space<vmem>>) target_semaphore(%run_scoped3A_138 : memref<!tpu.dma_semaphore, #tpu.memory_space<semaphore_mem>>)
        %dma_wait3A_143 = arith.constant 0 : i32
        %dma_wait3A_144 = tpu.memref_slice %arg3[%mul3A_122, %dma_wait3A_143] : memref<5122x128xi32, #tpu.memory_space<hbm>> -> memref<2x128xi32, #tpu.memory_space<hbm>>
        %dma_wait3A_145 = arith.constant 0 : i32
        %dma_wait3A_146 = tpu.memref_slice %arg3[%mul3A_122, %dma_wait3A_145] : memref<5122x128xi32, #tpu.memory_space<hbm>> -> memref<2x128xi32, #tpu.memory_space<hbm>>
        tpu.wait_dma2 semaphore(%run_scoped3A_138 : memref<!tpu.dma_semaphore, #tpu.memory_space<semaphore_mem>>) src(%dma_wait3A_146 : memref<2x128xi32, #tpu.memory_space<hbm>>) dst(%arg6 : memref<2x128xi32, #tpu.memory_space<vmem>>)
        tpu.yield
      }) : () -> ()
      %dma_start3A_123 = arith.constant 0 : i32
      %dma_start3A_124 = arith.constant 0 : i32
      %dma_start3A_125 = tpu.memref_slice %arg6[%dma_start3A_123, %dma_start3A_124] : memref<2x128xi32, #tpu.memory_space<vmem>> -> memref<1x128xi32, #tpu.memory_space<vmem>>
      %dma_start3A_126 = tpu.memref_squeeze %dma_start3A_125 : memref<1x128xi32, #tpu.memory_space<vmem>> -> memref<128xi32, #tpu.memory_space<vmem>>
      %dma_start3A_127 = arith.constant 0 : i32
      %dma_start3A_128 = arith.constant 0 : i32
      %dma_start3A_129 = tpu.memref_slice %arg2[%dma_start3A_127, %dma_start3A_128] : memref<10000x128xf32, #tpu.memory_space<hbm>> -> memref<10000x128xf32, #tpu.memory_space<hbm>>
      tpu.enqueue_indirect_dma source(%dma_start3A_129 : memref<10000x128xf32, #tpu.memory_space<hbm>>) target(%arg8 : memref<128x128xf32, #tpu.memory_space<vmem>>) offsets(%dma_start3A_126 : memref<128xi32, #tpu.memory_space<vmem>>) semaphore(%arg11 : memref<!tpu.dma_semaphore, #tpu.memory_space<semaphore_mem>>)
      %dma_wait3A_130 = arith.constant 0 : i32
      %dma_wait3A_131 = arith.constant 0 : i32
      %dma_wait3A_132 = tpu.memref_slice %arg7[%dma_wait3A_130, %dma_wait3A_131] : memref<2x128xi32, #tpu.memory_space<vmem>> -> memref<1x128xi32, #tpu.memory_space<vmem>>
      %dma_wait3A_133 = tpu.memref_squeeze %dma_wait3A_132 : memref<1x128xi32, #tpu.memory_space<vmem>> -> memref<128xi32, #tpu.memory_space<vmem>>
      %dma_wait3A_134 = arith.constant 0 : i32
      %dma_wait3A_135 = arith.constant 0 : i32
      %dma_wait3A_136 = tpu.memref_slice %arg2[%dma_wait3A_134, %dma_wait3A_135] : memref<10000x128xf32, #tpu.memory_space<hbm>> -> memref<10000x128xf32, #tpu.memory_space<hbm>>
      tpu.wait_indirect_dma semaphore(%arg12 : memref<!tpu.dma_semaphore, #tpu.memory_space<semaphore_mem>>) src(%dma_wait3A_136 : memref<10000x128xf32, #tpu.memory_space<hbm>>) dst(%arg9 : memref<128x128xf32, #tpu.memory_space<vmem>>)
      %run_scoped3A_137 = arith.constant 1 : i32
      "tpu.region"() ({
        %run_scoped3A_138 = tpu.sem_alloc : memref<!tpu.dma_semaphore, #tpu.memory_space<semaphore_mem>>
        %dma_start3A_139 = arith.constant 0 : i32
        %dma_start3A_140 = tpu.memref_slice %arg7[%run_scoped3A_137, %dma_start3A_139] : memref<2x128xi32, #tpu.memory_space<vmem>> -> memref<1x128xi32, #tpu.memory_space<vmem>>
        %dma_start3A_141 = tpu.memref_squeeze %dma_start3A_140 : memref<1x128xi32, #tpu.memory_space<vmem>> -> memref<128xi32, #tpu.memory_space<vmem>>
        %dma_start3A_142 = arith.constant 0 : i32
        %dma_start3A_143 = arith.constant 0 : i32
        %dma_start3A_144 = tpu.memref_slice %arg10[%dma_start3A_142, %dma_start3A_143] : memref<10240x128xf32, #tpu.memory_space<vmem_shared>> -> memref<10240x128xf32, #tpu.memory_space<vmem_shared>>
        tpu.enqueue_indirect_dma source(%arg9 : memref<128x128xf32, #tpu.memory_space<vmem>>) target(%dma_start3A_144 : memref<10240x128xf32, #tpu.memory_space<vmem_shared>>) offsets(%dma_start3A_141 : memref<128xi32, #tpu.memory_space<vmem>>) semaphore(%run_scoped3A_138 : memref<!tpu.dma_semaphore, #tpu.memory_space<semaphore_mem>>) {add = true}
        %dma_wait3A_145 = arith.constant 0 : i32
        %dma_wait3A_146 = tpu.memref_slice %arg7[%run_scoped3A_137, %dma_wait3A_145] : memref<2x128xi32, #tpu.memory_space<vmem>> -> memref<1x128xi32, #tpu.memory_space<vmem>>
        %dma_wait3A_147 = tpu.memref_squeeze %dma_wait3A_146 : memref<1x128xi32, #tpu.memory_space<vmem>> -> memref<128xi32, #tpu.memory_space<vmem>>
        %dma_wait3A_148 = arith.constant 0 : i32
        %dma_wait3A_149 = arith.constant 0 : i32
        %dma_wait3A_150 = tpu.memref_slice %arg10[%dma_wait3A_148, %dma_wait3A_149] : memref<10240x128xf32, #tpu.memory_space<vmem_shared>> -> memref<10240x128xf32, #tpu.memory_space<vmem_shared>>
        tpu.wait_indirect_dma semaphore(%run_scoped3A_138 : memref<!tpu.dma_semaphore, #tpu.memory_space<semaphore_mem>>) src(%arg9 : memref<128x128xf32, #tpu.memory_space<vmem>>) dst(%dma_wait3A_150 : memref<10240x128xf32, #tpu.memory_space<vmem_shared>>)
        tpu.yield
      }) : () -> ()
    }
    %while3A_47 = arith.constant 1 : i32
    scf.for %while3A_90 = %while3A_45 to %while3A_41 step %while3A_47  : i32 {
      %mul3A_91 = arith.constant 2 : i32
      %mul3A_92 = arith.muli %mul3A_91, %while3A_90 : i32
      %add3A_93 = arith.addi %select_n3A, %mul3A_92 : i32
      %add3A_94 = arith.constant 0 : i32
      %add3A_95 = arith.addi %add3A_93, %add3A_94 : i32
      %add3A_96 = arith.constant 2 : i32
      %add3A_97 = arith.addi %add3A_95, %add3A_96 : i32
      %sub3A = arith.constant 1 : i32
      %sub3A_98 = arith.subi %add3A_97, %sub3A : i32
      %mul3A_99 = arith.constant 2 : i32
      %mul3A_100 = arith.muli %mul3A_99, %sub3A_98 : i32
      "tpu.region"() ({
        %run_scoped3A_138 = tpu.sem_alloc : memref<!tpu.dma_semaphore, #tpu.memory_space<semaphore_mem>>
        %dma_start3A_139 = arith.constant 0 : i32
        %dma_start3A_140 = tpu.memref_slice %arg3[%mul3A_100, %dma_start3A_139] : memref<5122x128xi32, #tpu.memory_space<hbm>> -> memref<2x128xi32, #tpu.memory_space<hbm>>
        %dma_start3A_141 = arith.constant 0 : i32
        %dma_start3A_142 = tpu.memref_slice %arg3[%mul3A_100, %dma_start3A_141] : memref<5122x128xi32, #tpu.memory_space<hbm>> -> memref<2x128xi32, #tpu.memory_space<hbm>>
        tpu.enqueue_dma source(%dma_start3A_142 : memref<2x128xi32, #tpu.memory_space<hbm>>) target(%arg7 : memref<2x128xi32, #tpu.memory_space<vmem>>) target_semaphore(%run_scoped3A_138 : memref<!tpu.dma_semaphore, #tpu.memory_space<semaphore_mem>>)
        %dma_wait3A_143 = arith.constant 0 : i32
        %dma_wait3A_144 = tpu.memref_slice %arg3[%mul3A_100, %dma_wait3A_143] : memref<5122x128xi32, #tpu.memory_space<hbm>> -> memref<2x128xi32, #tpu.memory_space<hbm>>
        %dma_wait3A_145 = arith.constant 0 : i32
        %dma_wait3A_146 = tpu.memref_slice %arg3[%mul3A_100, %dma_wait3A_145] : memref<5122x128xi32, #tpu.memory_space<hbm>> -> memref<2x128xi32, #tpu.memory_space<hbm>>
        tpu.wait_dma2 semaphore(%run_scoped3A_138 : memref<!tpu.dma_semaphore, #tpu.memory_space<semaphore_mem>>) src(%dma_wait3A_146 : memref<2x128xi32, #tpu.memory_space<hbm>>) dst(%arg7 : memref<2x128xi32, #tpu.memory_space<vmem>>)
        tpu.yield
      }) : () -> ()
      %dma_start3A_101 = arith.constant 0 : i32
      %dma_start3A_102 = arith.constant 0 : i32
      %dma_start3A_103 = tpu.memref_slice %arg7[%dma_start3A_101, %dma_start3A_102] : memref<2x128xi32, #tpu.memory_space<vmem>> -> memref<1x128xi32, #tpu.memory_space<vmem>>
      %dma_start3A_104 = tpu.memref_squeeze %dma_start3A_103 : memref<1x128xi32, #tpu.memory_space<vmem>> -> memref<128xi32, #tpu.memory_space<vmem>>
      %dma_start3A_105 = arith.constant 0 : i32
      %dma_start3A_106 = arith.constant 0 : i32
      %dma_start3A_107 = tpu.memref_slice %arg2[%dma_start3A_105, %dma_start3A_106] : memref<10000x128xf32, #tpu.memory_space<hbm>> -> memref<10000x128xf32, #tpu.memory_space<hbm>>
      tpu.enqueue_indirect_dma source(%dma_start3A_107 : memref<10000x128xf32, #tpu.memory_space<hbm>>) target(%arg9 : memref<128x128xf32, #tpu.memory_space<vmem>>) offsets(%dma_start3A_104 : memref<128xi32, #tpu.memory_space<vmem>>) semaphore(%arg12 : memref<!tpu.dma_semaphore, #tpu.memory_space<semaphore_mem>>)
      %dma_wait3A_108 = arith.constant 0 : i32
      %dma_wait3A_109 = arith.constant 0 : i32
      %dma_wait3A_110 = tpu.memref_slice %arg6[%dma_wait3A_108, %dma_wait3A_109] : memref<2x128xi32, #tpu.memory_space<vmem>> -> memref<1x128xi32, #tpu.memory_space<vmem>>
      %dma_wait3A_111 = tpu.memref_squeeze %dma_wait3A_110 : memref<1x128xi32, #tpu.memory_space<vmem>> -> memref<128xi32, #tpu.memory_space<vmem>>
      %dma_wait3A_112 = arith.constant 0 : i32
      %dma_wait3A_113 = arith.constant 0 : i32
      %dma_wait3A_114 = tpu.memref_slice %arg2[%dma_wait3A_112, %dma_wait3A_113] : memref<10000x128xf32, #tpu.memory_space<hbm>> -> memref<10000x128xf32, #tpu.memory_space<hbm>>
      tpu.wait_indirect_dma semaphore(%arg11 : memref<!tpu.dma_semaphore, #tpu.memory_space<semaphore_mem>>) src(%dma_wait3A_114 : memref<10000x128xf32, #tpu.memory_space<hbm>>) dst(%arg8 : memref<128x128xf32, #tpu.memory_space<vmem>>)
      %run_scoped3A = arith.constant 1 : i32
      "tpu.region"() ({
        %run_scoped3A_138 = tpu.sem_alloc : memref<!tpu.dma_semaphore, #tpu.memory_space<semaphore_mem>>
        %dma_start3A_139 = arith.constant 0 : i32
        %dma_start3A_140 = tpu.memref_slice %arg6[%run_scoped3A, %dma_start3A_139] : memref<2x128xi32, #tpu.memory_space<vmem>> -> memref<1x128xi32, #tpu.memory_space<vmem>>
        %dma_start3A_141 = tpu.memref_squeeze %dma_start3A_140 : memref<1x128xi32, #tpu.memory_space<vmem>> -> memref<128xi32, #tpu.memory_space<vmem>>
        %dma_start3A_142 = arith.constant 0 : i32
        %dma_start3A_143 = arith.constant 0 : i32
        %dma_start3A_144 = tpu.memref_slice %arg10[%dma_start3A_142, %dma_start3A_143] : memref<10240x128xf32, #tpu.memory_space<vmem_shared>> -> memref<10240x128xf32, #tpu.memory_space<vmem_shared>>
        tpu.enqueue_indirect_dma source(%arg8 : memref<128x128xf32, #tpu.memory_space<vmem>>) target(%dma_start3A_144 : memref<10240x128xf32, #tpu.memory_space<vmem_shared>>) offsets(%dma_start3A_141 : memref<128xi32, #tpu.memory_space<vmem>>) semaphore(%run_scoped3A_138 : memref<!tpu.dma_semaphore, #tpu.memory_space<semaphore_mem>>) {add = true}
        %dma_wait3A_145 = arith.constant 0 : i32
        %dma_wait3A_146 = tpu.memref_slice %arg6[%run_scoped3A, %dma_wait3A_145] : memref<2x128xi32, #tpu.memory_space<vmem>> -> memref<1x128xi32, #tpu.memory_space<vmem>>
        %dma_wait3A_147 = tpu.memref_squeeze %dma_wait3A_146 : memref<1x128xi32, #tpu.memory_space<vmem>> -> memref<128xi32, #tpu.memory_space<vmem>>
        %dma_wait3A_148 = arith.constant 0 : i32
        %dma_wait3A_149 = arith.constant 0 : i32
        %dma_wait3A_150 = tpu.memref_slice %arg10[%dma_wait3A_148, %dma_wait3A_149] : memref<10240x128xf32, #tpu.memory_space<vmem_shared>> -> memref<10240x128xf32, #tpu.memory_space<vmem_shared>>
        tpu.wait_indirect_dma semaphore(%run_scoped3A_138 : memref<!tpu.dma_semaphore, #tpu.memory_space<semaphore_mem>>) src(%arg8 : memref<128x128xf32, #tpu.memory_space<vmem>>) dst(%dma_wait3A_150 : memref<10240x128xf32, #tpu.memory_space<vmem_shared>>)
        tpu.yield
      }) : () -> ()
      %add3A_115 = arith.constant 1 : i32
      %add3A_116 = arith.addi %add3A_93, %add3A_115 : i32
      %add3A_117 = arith.constant 2 : i32
      %add3A_118 = arith.addi %add3A_116, %add3A_117 : i32
      %sub3A_119 = arith.constant 1 : i32
      %sub3A_120 = arith.subi %add3A_118, %sub3A_119 : i32
      %mul3A_121 = arith.constant 2 : i32
      %mul3A_122 = arith.muli %mul3A_121, %sub3A_120 : i32
      "tpu.region"() ({
        %run_scoped3A_138 = tpu.sem_alloc : memref<!tpu.dma_semaphore, #tpu.memory_space<semaphore_mem>>
        %dma_start3A_139 = arith.constant 0 : i32
        %dma_start3A_140 = tpu.memref_slice %arg3[%mul3A_122, %dma_start3A_139] : memref<5122x128xi32, #tpu.memory_space<hbm>> -> memref<2x128xi32, #tpu.memory_space<hbm>>
        %dma_start3A_141 = arith.constant 0 : i32
        %dma_start3A_142 = tpu.memref_slice %arg3[%mul3A_122, %dma_start3A_141] : memref<5122x128xi32, #tpu.memory_space<hbm>> -> memref<2x128xi32, #tpu.memory_space<hbm>>
        tpu.enqueue_dma source(%dma_start3A_142 : memref<2x128xi32, #tpu.memory_space<hbm>>) target(%arg6 : memref<2x128xi32, #tpu.memory_space<vmem>>) target_semaphore(%run_scoped3A_138 : memref<!tpu.dma_semaphore, #tpu.memory_space<semaphore_mem>>)
        %dma_wait3A_143 = arith.constant 0 : i32
        %dma_wait3A_144 = tpu.memref_slice %arg3[%mul3A_122, %dma_wait3A_143] : memref<5122x128xi32, #tpu.memory_space<hbm>> -> memref<2x128xi32, #tpu.memory_space<hbm>>
        %dma_wait3A_145 = arith.constant 0 : i32
        %dma_wait3A_146 = tpu.memref_slice %arg3[%mul3A_122, %dma_wait3A_145] : memref<5122x128xi32, #tpu.memory_space<hbm>> -> memref<2x128xi32, #tpu.memory_space<hbm>>
        tpu.wait_dma2 semaphore(%run_scoped3A_138 : memref<!tpu.dma_semaphore, #tpu.memory_space<semaphore_mem>>) src(%dma_wait3A_146 : memref<2x128xi32, #tpu.memory_space<hbm>>) dst(%arg6 : memref<2x128xi32, #tpu.memory_space<vmem>>)
        tpu.yield
      }) : () -> ()
      %dma_start3A_123 = arith.constant 0 : i32
      %dma_start3A_124 = arith.constant 0 : i32
      %dma_start3A_125 = tpu.memref_slice %arg6[%dma_start3A_123, %dma_start3A_124] : memref<2x128xi32, #tpu.memory_space<vmem>> -> memref<1x128xi32, #tpu.memory_space<vmem>>
      %dma_start3A_126 = tpu.memref_squeeze %dma_start3A_125 : memref<1x128xi32, #tpu.memory_space<vmem>> -> memref<128xi32, #tpu.memory_space<vmem>>
      %dma_start3A_127 = arith.constant 0 : i32
      %dma_start3A_128 = arith.constant 0 : i32
      %dma_start3A_129 = tpu.memref_slice %arg2[%dma_start3A_127, %dma_start3A_128] : memref<10000x128xf32, #tpu.memory_space<hbm>> -> memref<10000x128xf32, #tpu.memory_space<hbm>>
      tpu.enqueue_indirect_dma source(%dma_start3A_129 : memref<10000x128xf32, #tpu.memory_space<hbm>>) target(%arg8 : memref<128x128xf32, #tpu.memory_space<vmem>>) offsets(%dma_start3A_126 : memref<128xi32, #tpu.memory_space<vmem>>) semaphore(%arg11 : memref<!tpu.dma_semaphore, #tpu.memory_space<semaphore_mem>>)
      %dma_wait3A_130 = arith.constant 0 : i32
      %dma_wait3A_131 = arith.constant 0 : i32
      %dma_wait3A_132 = tpu.memref_slice %arg7[%dma_wait3A_130, %dma_wait3A_131] : memref<2x128xi32, #tpu.memory_space<vmem>> -> memref<1x128xi32, #tpu.memory_space<vmem>>
      %dma_wait3A_133 = tpu.memref_squeeze %dma_wait3A_132 : memref<1x128xi32, #tpu.memory_space<vmem>> -> memref<128xi32, #tpu.memory_space<vmem>>
      %dma_wait3A_134 = arith.constant 0 : i32
      %dma_wait3A_135 = arith.constant 0 : i32
      %dma_wait3A_136 = tpu.memref_slice %arg2[%dma_wait3A_134, %dma_wait3A_135] : memref<10000x128xf32, #tpu.memory_space<hbm>> -> memref<10000x128xf32, #tpu.memory_space<hbm>>
      tpu.wait_indirect_dma semaphore(%arg12 : memref<!tpu.dma_semaphore, #tpu.memory_space<semaphore_mem>>) src(%dma_wait3A_136 : memref<10000x128xf32, #tpu.memory_space<hbm>>) dst(%arg9 : memref<128x128xf32, #tpu.memory_space<vmem>>)
      %run_scoped3A_137 = arith.constant 1 : i32
      "tpu.region"() ({
        %run_scoped3A_138 = tpu.sem_alloc : memref<!tpu.dma_semaphore, #tpu.memory_space<semaphore_mem>>
        %dma_start3A_139 = arith.constant 0 : i32
        %dma_start3A_140 = tpu.memref_slice %arg7[%run_scoped3A_137, %dma_start3A_139] : memref<2x128xi32, #tpu.memory_space<vmem>> -> memref<1x128xi32, #tpu.memory_space<vmem>>
        %dma_start3A_141 = tpu.memref_squeeze %dma_start3A_140 : memref<1x128xi32, #tpu.memory_space<vmem>> -> memref<128xi32, #tpu.memory_space<vmem>>
        %dma_start3A_142 = arith.constant 0 : i32
        %dma_start3A_143 = arith.constant 0 : i32
        %dma_start3A_144 = tpu.memref_slice %arg10[%dma_start3A_142, %dma_start3A_143] : memref<10240x128xf32, #tpu.memory_space<vmem_shared>> -> memref<10240x128xf32, #tpu.memory_space<vmem_shared>>
        tpu.enqueue_indirect_dma source(%arg9 : memref<128x128xf32, #tpu.memory_space<vmem>>) target(%dma_start3A_144 : memref<10240x128xf32, #tpu.memory_space<vmem_shared>>) offsets(%dma_start3A_141 : memref<128xi32, #tpu.memory_space<vmem>>) semaphore(%run_scoped3A_138 : memref<!tpu.dma_semaphore, #tpu.memory_space<semaphore_mem>>) {add = true}
        %dma_wait3A_145 = arith.constant 0 : i32
        %dma_wait3A_146 = tpu.memref_slice %arg7[%run_scoped3A_137, %dma_wait3A_145] : memref<2x128xi32, #tpu.memory_space<vmem>> -> memref<1x128xi32, #tpu.memory_space<vmem>>
        %dma_wait3A_147 = tpu.memref_squeeze %dma_wait3A_146 : memref<1x128xi32, #tpu.memory_space<vmem>> -> memref<128xi32, #tpu.memory_space<vmem>>
        %dma_wait3A_148 = arith.constant 0 : i32
        %dma_wait3A_149 = arith.constant 0 : i32
        %dma_wait3A_150 = tpu.memref_slice %arg10[%dma_wait3A_148, %dma_wait3A_149] : memref<10240x128xf32, #tpu.memory_space<vmem_shared>> -> memref<10240x128xf32, #tpu.memory_space<vmem_shared>>
        tpu.wait_indirect_dma semaphore(%run_scoped3A_138 : memref<!tpu.dma_semaphore, #tpu.memory_space<semaphore_mem>>) src(%arg9 : memref<128x128xf32, #tpu.memory_space<vmem>>) dst(%dma_wait3A_150 : memref<10240x128xf32, #tpu.memory_space<vmem_shared>>)
        tpu.yield
      }) : () -> ()
    }
    %dma_wait3A = arith.constant 0 : i32
    %dma_wait3A_48 = arith.constant 0 : i32
    %dma_wait3A_49 = tpu.memref_slice %arg6[%dma_wait3A, %dma_wait3A_48] : memref<2x128xi32, #tpu.memory_space<vmem>> -> memref<1x128xi32, #tpu.memory_space<vmem>>
    %dma_wait3A_50 = tpu.memref_squeeze %dma_wait3A_49 : memref<1x128xi32, #tpu.memory_space<vmem>> -> memref<128xi32, #tpu.memory_space<vmem>>
    %dma_wait3A_51 = arith.constant 0 : i32
    %dma_wait3A_52 = arith.constant 0 : i32
    %dma_wait3A_53 = tpu.memref_slice %arg2[%dma_wait3A_51, %dma_wait3A_52] : memref<10000x128xf32, #tpu.memory_space<hbm>> -> memref<10000x128xf32, #tpu.memory_space<hbm>>
    tpu.wait_indirect_dma semaphore(%arg11 : memref<!tpu.dma_semaphore, #tpu.memory_space<semaphore_mem>>) src(%dma_wait3A_53 : memref<10000x128xf32, #tpu.memory_space<hbm>>) dst(%arg8 : memref<128x128xf32, #tpu.memory_space<vmem>>)
    %barrier3A_54 = arith.constant 0 : index
    tpu.barrier barrier_id(%barrier3A_54)
    %mul3A_55 = arith.constant 640 : i32
    %mul3A_56 = arith.muli %arg1, %mul3A_55 : i32
    %add3A_57 = arith.constant 0 : i32
    %add3A_58 = arith.addi %mul3A_56, %add3A_57 : i32
    "tpu.region"() ({
      %run_scoped3A = tpu.sem_alloc : memref<!tpu.dma_semaphore, #tpu.memory_space<semaphore_mem>>
      %dma_start3A_90 = arith.constant 0 : i32
      %dma_start3A_91 = tpu.memref_slice %arg10[%add3A_58, %dma_start3A_90] : memref<10240x128xf32, #tpu.memory_space<vmem_shared>> -> memref<128x128xf32, #tpu.memory_space<vmem_shared>>
      %dma_start3A_92 = arith.constant 0 : i32
      %dma_start3A_93 = tpu.memref_slice %arg10[%add3A_58, %dma_start3A_92] : memref<10240x128xf32, #tpu.memory_space<vmem_shared>> -> memref<128x128xf32, #tpu.memory_space<vmem_shared>>
      tpu.enqueue_dma source(%dma_start3A_93 : memref<128x128xf32, #tpu.memory_space<vmem_shared>>) target(%arg8 : memref<128x128xf32, #tpu.memory_space<vmem>>) target_semaphore(%run_scoped3A : memref<!tpu.dma_semaphore, #tpu.memory_space<semaphore_mem>>)
      %dma_wait3A_94 = arith.constant 0 : i32
      %dma_wait3A_95 = tpu.memref_slice %arg10[%add3A_58, %dma_wait3A_94] : memref<10240x128xf32, #tpu.memory_space<vmem_shared>> -> memref<128x128xf32, #tpu.memory_space<vmem_shared>>
      %dma_wait3A_96 = arith.constant 0 : i32
      %dma_wait3A_97 = tpu.memref_slice %arg10[%add3A_58, %dma_wait3A_96] : memref<10240x128xf32, #tpu.memory_space<vmem_shared>> -> memref<128x128xf32, #tpu.memory_space<vmem_shared>>
      tpu.wait_dma2 semaphore(%run_scoped3A : memref<!tpu.dma_semaphore, #tpu.memory_space<semaphore_mem>>) src(%dma_wait3A_97 : memref<128x128xf32, #tpu.memory_space<vmem_shared>>) dst(%arg8 : memref<128x128xf32, #tpu.memory_space<vmem>>)
      tpu.yield
    }) : () -> ()
    %mul3A_59 = arith.constant 10240 : i32
    %mul3A_60 = arith.muli %arg0, %mul3A_59 : i32
    %add3A_61 = arith.addi %mul3A_60, %add3A_58 : i32
    "tpu.region"() ({
      %run_scoped3A = tpu.sem_alloc : memref<!tpu.dma_semaphore, #tpu.memory_space<semaphore_mem>>
      %dma_start3A_90 = arith.constant 0 : i32
      %dma_start3A_91 = tpu.memref_slice %arg5[%add3A_61, %dma_start3A_90] : memref<20480x128xf32, #tpu.memory_space<hbm>> -> memref<128x128xf32, #tpu.memory_space<hbm>>
      %dma_start3A_92 = arith.constant 0 : i32
      %dma_start3A_93 = tpu.memref_slice %arg5[%add3A_61, %dma_start3A_92] : memref<20480x128xf32, #tpu.memory_space<hbm>> -> memref<128x128xf32, #tpu.memory_space<hbm>>
      tpu.enqueue_dma source(%arg8 : memref<128x128xf32, #tpu.memory_space<vmem>>) target(%dma_start3A_93 : memref<128x128xf32, #tpu.memory_space<hbm>>) target_semaphore(%run_scoped3A : memref<!tpu.dma_semaphore, #tpu.memory_space<semaphore_mem>>)
      %dma_wait3A_94 = arith.constant 0 : i32
      %dma_wait3A_95 = tpu.memref_slice %arg5[%add3A_61, %dma_wait3A_94] : memref<20480x128xf32, #tpu.memory_space<hbm>> -> memref<128x128xf32, #tpu.memory_space<hbm>>
      %dma_wait3A_96 = arith.constant 0 : i32
      %dma_wait3A_97 = tpu.memref_slice %arg5[%add3A_61, %dma_wait3A_96] : memref<20480x128xf32, #tpu.memory_space<hbm>> -> memref<128x128xf32, #tpu.memory_space<hbm>>
      tpu.wait_dma2 semaphore(%run_scoped3A : memref<!tpu.dma_semaphore, #tpu.memory_space<semaphore_mem>>) src(%arg8 : memref<128x128xf32, #tpu.memory_space<vmem>>) dst(%dma_wait3A_97 : memref<128x128xf32, #tpu.memory_space<hbm>>)
      tpu.yield
    }) : () -> ()
    %mul3A_62 = arith.constant 640 : i32
    %mul3A_63 = arith.muli %arg1, %mul3A_62 : i32
    %add3A_64 = arith.constant 128 : i32
    %add3A_65 = arith.addi %mul3A_63, %add3A_64 : i32
    "tpu.region"() ({
      %run_scoped3A = tpu.sem_alloc : memref<!tpu.dma_semaphore, #tpu.memory_space<semaphore_mem>>
      %dma_start3A_90 = arith.constant 0 : i32
      %dma_start3A_91 = tpu.memref_slice %arg10[%add3A_65, %dma_start3A_90] : memref<10240x128xf32, #tpu.memory_space<vmem_shared>> -> memref<128x128xf32, #tpu.memory_space<vmem_shared>>
      %dma_start3A_92 = arith.constant 0 : i32
      %dma_start3A_93 = tpu.memref_slice %arg10[%add3A_65, %dma_start3A_92] : memref<10240x128xf32, #tpu.memory_space<vmem_shared>> -> memref<128x128xf32, #tpu.memory_space<vmem_shared>>
      tpu.enqueue_dma source(%dma_start3A_93 : memref<128x128xf32, #tpu.memory_space<vmem_shared>>) target(%arg8 : memref<128x128xf32, #tpu.memory_space<vmem>>) target_semaphore(%run_scoped3A : memref<!tpu.dma_semaphore, #tpu.memory_space<semaphore_mem>>)
      %dma_wait3A_94 = arith.constant 0 : i32
      %dma_wait3A_95 = tpu.memref_slice %arg10[%add3A_65, %dma_wait3A_94] : memref<10240x128xf32, #tpu.memory_space<vmem_shared>> -> memref<128x128xf32, #tpu.memory_space<vmem_shared>>
      %dma_wait3A_96 = arith.constant 0 : i32
      %dma_wait3A_97 = tpu.memref_slice %arg10[%add3A_65, %dma_wait3A_96] : memref<10240x128xf32, #tpu.memory_space<vmem_shared>> -> memref<128x128xf32, #tpu.memory_space<vmem_shared>>
      tpu.wait_dma2 semaphore(%run_scoped3A : memref<!tpu.dma_semaphore, #tpu.memory_space<semaphore_mem>>) src(%dma_wait3A_97 : memref<128x128xf32, #tpu.memory_space<vmem_shared>>) dst(%arg8 : memref<128x128xf32, #tpu.memory_space<vmem>>)
      tpu.yield
    }) : () -> ()
    %mul3A_66 = arith.constant 10240 : i32
    %mul3A_67 = arith.muli %arg0, %mul3A_66 : i32
    %add3A_68 = arith.addi %mul3A_67, %add3A_65 : i32
    "tpu.region"() ({
      %run_scoped3A = tpu.sem_alloc : memref<!tpu.dma_semaphore, #tpu.memory_space<semaphore_mem>>
      %dma_start3A_90 = arith.constant 0 : i32
      %dma_start3A_91 = tpu.memref_slice %arg5[%add3A_68, %dma_start3A_90] : memref<20480x128xf32, #tpu.memory_space<hbm>> -> memref<128x128xf32, #tpu.memory_space<hbm>>
      %dma_start3A_92 = arith.constant 0 : i32
      %dma_start3A_93 = tpu.memref_slice %arg5[%add3A_68, %dma_start3A_92] : memref<20480x128xf32, #tpu.memory_space<hbm>> -> memref<128x128xf32, #tpu.memory_space<hbm>>
      tpu.enqueue_dma source(%arg8 : memref<128x128xf32, #tpu.memory_space<vmem>>) target(%dma_start3A_93 : memref<128x128xf32, #tpu.memory_space<hbm>>) target_semaphore(%run_scoped3A : memref<!tpu.dma_semaphore, #tpu.memory_space<semaphore_mem>>)
      %dma_wait3A_94 = arith.constant 0 : i32
      %dma_wait3A_95 = tpu.memref_slice %arg5[%add3A_68, %dma_wait3A_94] : memref<20480x128xf32, #tpu.memory_space<hbm>> -> memref<128x128xf32, #tpu.memory_space<hbm>>
      %dma_wait3A_96 = arith.constant 0 : i32
      %dma_wait3A_97 = tpu.memref_slice %arg5[%add3A_68, %dma_wait3A_96] : memref<20480x128xf32, #tpu.memory_space<hbm>> -> memref<128x128xf32, #tpu.memory_space<hbm>>
      tpu.wait_dma2 semaphore(%run_scoped3A : memref<!tpu.dma_semaphore, #tpu.memory_space<semaphore_mem>>) src(%arg8 : memref<128x128xf32, #tpu.memory_space<vmem>>) dst(%dma_wait3A_97 : memref<128x128xf32, #tpu.memory_space<hbm>>)
      tpu.yield
    }) : () -> ()
    %mul3A_69 = arith.constant 640 : i32
    %mul3A_70 = arith.muli %arg1, %mul3A_69 : i32
    %add3A_71 = arith.constant 256 : i32
    %add3A_72 = arith.addi %mul3A_70, %add3A_71 : i32
    "tpu.region"() ({
      %run_scoped3A = tpu.sem_alloc : memref<!tpu.dma_semaphore, #tpu.memory_space<semaphore_mem>>
      %dma_start3A_90 = arith.constant 0 : i32
      %dma_start3A_91 = tpu.memref_slice %arg10[%add3A_72, %dma_start3A_90] : memref<10240x128xf32, #tpu.memory_space<vmem_shared>> -> memref<128x128xf32, #tpu.memory_space<vmem_shared>>
      %dma_start3A_92 = arith.constant 0 : i32
      %dma_start3A_93 = tpu.memref_slice %arg10[%add3A_72, %dma_start3A_92] : memref<10240x128xf32, #tpu.memory_space<vmem_shared>> -> memref<128x128xf32, #tpu.memory_space<vmem_shared>>
      tpu.enqueue_dma source(%dma_start3A_93 : memref<128x128xf32, #tpu.memory_space<vmem_shared>>) target(%arg8 : memref<128x128xf32, #tpu.memory_space<vmem>>) target_semaphore(%run_scoped3A : memref<!tpu.dma_semaphore, #tpu.memory_space<semaphore_mem>>)
      %dma_wait3A_94 = arith.constant 0 : i32
      %dma_wait3A_95 = tpu.memref_slice %arg10[%add3A_72, %dma_wait3A_94] : memref<10240x128xf32, #tpu.memory_space<vmem_shared>> -> memref<128x128xf32, #tpu.memory_space<vmem_shared>>
      %dma_wait3A_96 = arith.constant 0 : i32
      %dma_wait3A_97 = tpu.memref_slice %arg10[%add3A_72, %dma_wait3A_96] : memref<10240x128xf32, #tpu.memory_space<vmem_shared>> -> memref<128x128xf32, #tpu.memory_space<vmem_shared>>
      tpu.wait_dma2 semaphore(%run_scoped3A : memref<!tpu.dma_semaphore, #tpu.memory_space<semaphore_mem>>) src(%dma_wait3A_97 : memref<128x128xf32, #tpu.memory_space<vmem_shared>>) dst(%arg8 : memref<128x128xf32, #tpu.memory_space<vmem>>)
      tpu.yield
    }) : () -> ()
    %mul3A_73 = arith.constant 10240 : i32
    %mul3A_74 = arith.muli %arg0, %mul3A_73 : i32
    %add3A_75 = arith.addi %mul3A_74, %add3A_72 : i32
    "tpu.region"() ({
      %run_scoped3A = tpu.sem_alloc : memref<!tpu.dma_semaphore, #tpu.memory_space<semaphore_mem>>
      %dma_start3A_90 = arith.constant 0 : i32
      %dma_start3A_91 = tpu.memref_slice %arg5[%add3A_75, %dma_start3A_90] : memref<20480x128xf32, #tpu.memory_space<hbm>> -> memref<128x128xf32, #tpu.memory_space<hbm>>
      %dma_start3A_92 = arith.constant 0 : i32
      %dma_start3A_93 = tpu.memref_slice %arg5[%add3A_75, %dma_start3A_92] : memref<20480x128xf32, #tpu.memory_space<hbm>> -> memref<128x128xf32, #tpu.memory_space<hbm>>
      tpu.enqueue_dma source(%arg8 : memref<128x128xf32, #tpu.memory_space<vmem>>) target(%dma_start3A_93 : memref<128x128xf32, #tpu.memory_space<hbm>>) target_semaphore(%run_scoped3A : memref<!tpu.dma_semaphore, #tpu.memory_space<semaphore_mem>>)
      %dma_wait3A_94 = arith.constant 0 : i32
      %dma_wait3A_95 = tpu.memref_slice %arg5[%add3A_75, %dma_wait3A_94] : memref<20480x128xf32, #tpu.memory_space<hbm>> -> memref<128x128xf32, #tpu.memory_space<hbm>>
      %dma_wait3A_96 = arith.constant 0 : i32
      %dma_wait3A_97 = tpu.memref_slice %arg5[%add3A_75, %dma_wait3A_96] : memref<20480x128xf32, #tpu.memory_space<hbm>> -> memref<128x128xf32, #tpu.memory_space<hbm>>
      tpu.wait_dma2 semaphore(%run_scoped3A : memref<!tpu.dma_semaphore, #tpu.memory_space<semaphore_mem>>) src(%arg8 : memref<128x128xf32, #tpu.memory_space<vmem>>) dst(%dma_wait3A_97 : memref<128x128xf32, #tpu.memory_space<hbm>>)
      tpu.yield
    }) : () -> ()
    %mul3A_76 = arith.constant 640 : i32
    %mul3A_77 = arith.muli %arg1, %mul3A_76 : i32
    %add3A_78 = arith.constant 384 : i32
    %add3A_79 = arith.addi %mul3A_77, %add3A_78 : i32
    "tpu.region"() ({
      %run_scoped3A = tpu.sem_alloc : memref<!tpu.dma_semaphore, #tpu.memory_space<semaphore_mem>>
      %dma_start3A_90 = arith.constant 0 : i32
      %dma_start3A_91 = tpu.memref_slice %arg10[%add3A_79, %dma_start3A_90] : memref<10240x128xf32, #tpu.memory_space<vmem_shared>> -> memref<128x128xf32, #tpu.memory_space<vmem_shared>>
      %dma_start3A_92 = arith.constant 0 : i32
      %dma_start3A_93 = tpu.memref_slice %arg10[%add3A_79, %dma_start3A_92] : memref<10240x128xf32, #tpu.memory_space<vmem_shared>> -> memref<128x128xf32, #tpu.memory_space<vmem_shared>>
      tpu.enqueue_dma source(%dma_start3A_93 : memref<128x128xf32, #tpu.memory_space<vmem_shared>>) target(%arg8 : memref<128x128xf32, #tpu.memory_space<vmem>>) target_semaphore(%run_scoped3A : memref<!tpu.dma_semaphore, #tpu.memory_space<semaphore_mem>>)
      %dma_wait3A_94 = arith.constant 0 : i32
      %dma_wait3A_95 = tpu.memref_slice %arg10[%add3A_79, %dma_wait3A_94] : memref<10240x128xf32, #tpu.memory_space<vmem_shared>> -> memref<128x128xf32, #tpu.memory_space<vmem_shared>>
      %dma_wait3A_96 = arith.constant 0 : i32
      %dma_wait3A_97 = tpu.memref_slice %arg10[%add3A_79, %dma_wait3A_96] : memref<10240x128xf32, #tpu.memory_space<vmem_shared>> -> memref<128x128xf32, #tpu.memory_space<vmem_shared>>
      tpu.wait_dma2 semaphore(%run_scoped3A : memref<!tpu.dma_semaphore, #tpu.memory_space<semaphore_mem>>) src(%dma_wait3A_97 : memref<128x128xf32, #tpu.memory_space<vmem_shared>>) dst(%arg8 : memref<128x128xf32, #tpu.memory_space<vmem>>)
      tpu.yield
    }) : () -> ()
    %mul3A_80 = arith.constant 10240 : i32
    %mul3A_81 = arith.muli %arg0, %mul3A_80 : i32
    %add3A_82 = arith.addi %mul3A_81, %add3A_79 : i32
    "tpu.region"() ({
      %run_scoped3A = tpu.sem_alloc : memref<!tpu.dma_semaphore, #tpu.memory_space<semaphore_mem>>
      %dma_start3A_90 = arith.constant 0 : i32
      %dma_start3A_91 = tpu.memref_slice %arg5[%add3A_82, %dma_start3A_90] : memref<20480x128xf32, #tpu.memory_space<hbm>> -> memref<128x128xf32, #tpu.memory_space<hbm>>
      %dma_start3A_92 = arith.constant 0 : i32
      %dma_start3A_93 = tpu.memref_slice %arg5[%add3A_82, %dma_start3A_92] : memref<20480x128xf32, #tpu.memory_space<hbm>> -> memref<128x128xf32, #tpu.memory_space<hbm>>
      tpu.enqueue_dma source(%arg8 : memref<128x128xf32, #tpu.memory_space<vmem>>) target(%dma_start3A_93 : memref<128x128xf32, #tpu.memory_space<hbm>>) target_semaphore(%run_scoped3A : memref<!tpu.dma_semaphore, #tpu.memory_space<semaphore_mem>>)
      %dma_wait3A_94 = arith.constant 0 : i32
      %dma_wait3A_95 = tpu.memref_slice %arg5[%add3A_82, %dma_wait3A_94] : memref<20480x128xf32, #tpu.memory_space<hbm>> -> memref<128x128xf32, #tpu.memory_space<hbm>>
      %dma_wait3A_96 = arith.constant 0 : i32
      %dma_wait3A_97 = tpu.memref_slice %arg5[%add3A_82, %dma_wait3A_96] : memref<20480x128xf32, #tpu.memory_space<hbm>> -> memref<128x128xf32, #tpu.memory_space<hbm>>
      tpu.wait_dma2 semaphore(%run_scoped3A : memref<!tpu.dma_semaphore, #tpu.memory_space<semaphore_mem>>) src(%arg8 : memref<128x128xf32, #tpu.memory_space<vmem>>) dst(%dma_wait3A_97 : memref<128x128xf32, #tpu.memory_space<hbm>>)
      tpu.yield
    }) : () -> ()
    %mul3A_83 = arith.constant 640 : i32
    %mul3A_84 = arith.muli %arg1, %mul3A_83 : i32
    %add3A_85 = arith.constant 512 : i32
    %add3A_86 = arith.addi %mul3A_84, %add3A_85 : i32
    "tpu.region"() ({
      %run_scoped3A = tpu.sem_alloc : memref<!tpu.dma_semaphore, #tpu.memory_space<semaphore_mem>>
      %dma_start3A_90 = arith.constant 0 : i32
      %dma_start3A_91 = tpu.memref_slice %arg10[%add3A_86, %dma_start3A_90] : memref<10240x128xf32, #tpu.memory_space<vmem_shared>> -> memref<128x128xf32, #tpu.memory_space<vmem_shared>>
      %dma_start3A_92 = arith.constant 0 : i32
      %dma_start3A_93 = tpu.memref_slice %arg10[%add3A_86, %dma_start3A_92] : memref<10240x128xf32, #tpu.memory_space<vmem_shared>> -> memref<128x128xf32, #tpu.memory_space<vmem_shared>>
      tpu.enqueue_dma source(%dma_start3A_93 : memref<128x128xf32, #tpu.memory_space<vmem_shared>>) target(%arg8 : memref<128x128xf32, #tpu.memory_space<vmem>>) target_semaphore(%run_scoped3A : memref<!tpu.dma_semaphore, #tpu.memory_space<semaphore_mem>>)
      %dma_wait3A_94 = arith.constant 0 : i32
      %dma_wait3A_95 = tpu.memref_slice %arg10[%add3A_86, %dma_wait3A_94] : memref<10240x128xf32, #tpu.memory_space<vmem_shared>> -> memref<128x128xf32, #tpu.memory_space<vmem_shared>>
      %dma_wait3A_96 = arith.constant 0 : i32
      %dma_wait3A_97 = tpu.memref_slice %arg10[%add3A_86, %dma_wait3A_96] : memref<10240x128xf32, #tpu.memory_space<vmem_shared>> -> memref<128x128xf32, #tpu.memory_space<vmem_shared>>
      tpu.wait_dma2 semaphore(%run_scoped3A : memref<!tpu.dma_semaphore, #tpu.memory_space<semaphore_mem>>) src(%dma_wait3A_97 : memref<128x128xf32, #tpu.memory_space<vmem_shared>>) dst(%arg8 : memref<128x128xf32, #tpu.memory_space<vmem>>)
      tpu.yield
    }) : () -> ()
    %mul3A_87 = arith.constant 10240 : i32
    %mul3A_88 = arith.muli %arg0, %mul3A_87 : i32
    %add3A_89 = arith.addi %mul3A_88, %add3A_86 : i32
    "tpu.region"() ({
      %run_scoped3A = tpu.sem_alloc : memref<!tpu.dma_semaphore, #tpu.memory_space<semaphore_mem>>
      %dma_start3A_90 = arith.constant 0 : i32
      %dma_start3A_91 = tpu.memref_slice %arg5[%add3A_89, %dma_start3A_90] : memref<20480x128xf32, #tpu.memory_space<hbm>> -> memref<128x128xf32, #tpu.memory_space<hbm>>
      %dma_start3A_92 = arith.constant 0 : i32
      %dma_start3A_93 = tpu.memref_slice %arg5[%add3A_89, %dma_start3A_92] : memref<20480x128xf32, #tpu.memory_space<hbm>> -> memref<128x128xf32, #tpu.memory_space<hbm>>
      tpu.enqueue_dma source(%arg8 : memref<128x128xf32, #tpu.memory_space<vmem>>) target(%dma_start3A_93 : memref<128x128xf32, #tpu.memory_space<hbm>>) target_semaphore(%run_scoped3A : memref<!tpu.dma_semaphore, #tpu.memory_space<semaphore_mem>>)
      %dma_wait3A_94 = arith.constant 0 : i32
      %dma_wait3A_95 = tpu.memref_slice %arg5[%add3A_89, %dma_wait3A_94] : memref<20480x128xf32, #tpu.memory_space<hbm>> -> memref<128x128xf32, #tpu.memory_space<hbm>>
      %dma_wait3A_96 = arith.constant 0 : i32
      %dma_wait3A_97 = tpu.memref_slice %arg5[%add3A_89, %dma_wait3A_96] : memref<20480x128xf32, #tpu.memory_space<hbm>> -> memref<128x128xf32, #tpu.memory_space<hbm>>
      tpu.wait_dma2 semaphore(%run_scoped3A : memref<!tpu.dma_semaphore, #tpu.memory_space<semaphore_mem>>) src(%arg8 : memref<128x128xf32, #tpu.memory_space<vmem>>) dst(%dma_wait3A_97 : memref<128x128xf32, #tpu.memory_space<hbm>>)
      tpu.yield
    }) : () -> ()
    return
  }
}

module attributes {stable_mosaic.version = 14 : i64} {
  func.func @_tc1_body(%arg0: i32, %arg1: memref<2000x128xf32, #tpu.memory_space<vmem>>, %arg2: memref<128x128xf32, #tpu.memory_space<vmem>>, %arg3: memref<2000x128xf32, #tpu.memory_space<vmem>>, %arg4: memref<2000x128xf32, #tpu.memory_space<vmem>>, %arg5: memref<2000x128xf32, #tpu.memory_space<vmem>>, %arg6: memref<2000x128xf32, #tpu.memory_space<vmem>>) attributes {dimension_semantics = [#tpu.dimension_semantics<arbitrary>], iteration_bounds = array<i64: 5>, scalar_prefetch = 0 : i64, scratch_operands = 0 : i64, tpu.core_type = #tpu.core_type<tc>, window_params = [{transform_indices = @transform_0, window_bounds = array<i64: 2000, 128>}, {pipeline_mode = #tpu.pipeline_mode<synchronous>, transform_indices = @transform_1, window_bounds = array<i64: 128, 128>}, {transform_indices = @transform_2, window_bounds = array<i64: 2000, 128>}, {transform_indices = @transform_3, window_bounds = array<i64: 2000, 128>}, {transform_indices = @transform_4, window_bounds = array<i64: 2000, 128>}, {transform_indices = @transform_5, window_bounds = array<i64: 2000, 128>}]} {
    %get3A = arith.constant 0 : index
    %get3A_0 = arith.constant 0 : index
    %get3A_1 = vector.load %arg3[%get3A, %get3A_0] : memref<2000x128xf32, #tpu.memory_space<vmem>>, vector<2000x1xf32>
    %get3A_2 = arith.constant 0 : index
    %get3A_3 = arith.constant 0 : index
    %get3A_4 = vector.load %arg4[%get3A_2, %get3A_3] : memref<2000x128xf32, #tpu.memory_space<vmem>>, vector<2000x1xf32>
    %add3A = arith.addf %get3A_1, %get3A_4 : vector<2000x1xf32>
    %add3A_5 = arith.constant 1.000000e+00 : f32
    %add3A_6 = vector.broadcast %add3A_5 : f32 to vector<2000x1xf32>
    %add3A_7 = arith.addf %add3A, %add3A_6 : vector<2000x1xf32>
    %rsqrt3A = math.rsqrt %add3A_7 : vector<2000x1xf32>
    %get3A_8 = arith.constant 0 : index
    %get3A_9 = arith.constant 0 : index
    %get3A_10 = vector.load %arg1[%get3A_8, %get3A_9] : memref<2000x128xf32, #tpu.memory_space<vmem>>, vector<2000x128xf32>
    %get3A_11 = arith.constant 0 : index
    %get3A_12 = arith.constant 0 : index
    %get3A_13 = vector.load %arg2[%get3A_11, %get3A_12] : memref<128x128xf32, #tpu.memory_space<vmem>>, vector<128x128xf32>
    %dot_general3A = arith.constant dense<0.000000e+00> : vector<2000x128xf32>
    %dot_general3A_14 = tpu.matmul %get3A_10, %get3A_13, %dot_general3A {dimension_numbers = #tpu.dot_dimension_numbers<[1], [0], [0], [1], [0, 0, 1, 1], [], []>, transpose_lhs_hint = false} : vector<2000x128xf32>, vector<128x128xf32>, vector<2000x128xf32> -> vector<2000x128xf32>
    %mul3A = vector.broadcast %rsqrt3A : vector<2000x1xf32> to vector<2000x128xf32>
    %mul3A_15 = arith.mulf %dot_general3A_14, %mul3A : vector<2000x128xf32>
    %swap3A = arith.constant 0 : index
    %swap3A_16 = arith.constant 0 : index
    %swap3A_17 = vector.load %arg5[%swap3A, %swap3A_16] : memref<2000x128xf32, #tpu.memory_space<vmem>>, vector<2000x128xf32>
    tpu.vector_store %arg5[%swap3A, %swap3A_16], %mul3A_15 {strides = array<i32>} : memref<2000x128xf32, #tpu.memory_space<vmem>>, vector<2000x128xf32>,
    %broadcast_in_dim3A = vector.shape_cast %rsqrt3A : vector<2000x1xf32> to vector<2000x1xf32>
    %broadcast_in_dim3A_18 = vector.broadcast %broadcast_in_dim3A : vector<2000x1xf32> to vector<2000x128xf32>
    %swap3A_19 = arith.constant 0 : index
    %swap3A_20 = arith.constant 0 : index
    %swap3A_21 = vector.load %arg6[%swap3A_19, %swap3A_20] : memref<2000x128xf32, #tpu.memory_space<vmem>>, vector<2000x128xf32>
    tpu.vector_store %arg6[%swap3A_19, %swap3A_20], %broadcast_in_dim3A_18 {strides = array<i32>} : memref<2000x128xf32, #tpu.memory_space<vmem>>, vector<2000x128xf32>,
    return
  }
  func.func @transform_0(%arg0: i32) -> (i32, i32) {
    %c0_i32 = arith.constant 0 : i32
    %c0_i32_0 = arith.constant 0 : i32
    return %arg0, %c0_i32 : i32, i32
  }
  func.func @transform_1(%arg0: i32) -> (i32, i32) {
    %c0_i32 = arith.constant 0 : i32
    %c0_i32_0 = arith.constant 0 : i32
    %c0_i32_1 = arith.constant 0 : i32
    return %c0_i32, %c0_i32_0 : i32, i32
  }
  func.func @transform_2(%arg0: i32) -> (i32, i32) {
    %c0_i32 = arith.constant 0 : i32
    %c0_i32_0 = arith.constant 0 : i32
    return %arg0, %c0_i32 : i32, i32
  }
  func.func @transform_3(%arg0: i32) -> (i32, i32) {
    %c0_i32 = arith.constant 0 : i32
    %c0_i32_0 = arith.constant 0 : i32
    return %arg0, %c0_i32 : i32, i32
  }
  func.func @transform_4(%arg0: i32) -> (i32, i32) {
    %c0_i32 = arith.constant 0 : i32
    %c0_i32_0 = arith.constant 0 : i32
    return %arg0, %c0_i32 : i32, i32
  }
  func.func @transform_5(%arg0: i32) -> (i32, i32) {
    %c0_i32 = arith.constant 0 : i32
    %c0_i32_0 = arith.constant 0 : i32
    return %arg0, %c0_i32 : i32, i32
  }
}

module attributes {stable_mosaic.version = 14 : i64} {
  func.func @_tc2_body(%arg0: i32, %arg1: memref<2000x128xf32, #tpu.memory_space<vmem>>, %arg2: memref<2000x128xf32, #tpu.memory_space<vmem>>, %arg3: memref<2000x128xf32, #tpu.memory_space<vmem>>, %arg4: memref<2000x128xf32, #tpu.memory_space<vmem>>, %arg5: memref<1x128xf32, #tpu.memory_space<vmem>>, %arg6: memref<128x128xf32, #tpu.memory_space<vmem>>, %arg7: memref<2000x128xf32, #tpu.memory_space<vmem>>) attributes {dimension_semantics = [#tpu.dimension_semantics<arbitrary>], iteration_bounds = array<i64: 5>, scalar_prefetch = 0 : i64, scratch_operands = 0 : i64, tpu.core_type = #tpu.core_type<tc>, window_params = [{transform_indices = @transform_0, window_bounds = array<i64: 2000, 128>}, {transform_indices = @transform_1, window_bounds = array<i64: 2000, 128>}, {transform_indices = @transform_2, window_bounds = array<i64: 2000, 128>}, {transform_indices = @transform_3, window_bounds = array<i64: 2000, 128>}, {pipeline_mode = #tpu.pipeline_mode<synchronous>, transform_indices = @transform_4, window_bounds = array<i64: 1, 128>}, {pipeline_mode = #tpu.pipeline_mode<synchronous>, transform_indices = @transform_5, window_bounds = array<i64: 128, 128>}, {transform_indices = @transform_6, window_bounds = array<i64: 2000, 128>}]} {
    %get3A = arith.constant 0 : index
    %get3A_0 = arith.constant 0 : index
    %get3A_1 = vector.load %arg4[%get3A, %get3A_0] : memref<2000x128xf32, #tpu.memory_space<vmem>>, vector<2000x128xf32>
    %get3A_2 = arith.constant 0 : index
    %get3A_3 = arith.constant 0 : index
    %get3A_4 = vector.load %arg1[%get3A_2, %get3A_3] : memref<2000x128xf32, #tpu.memory_space<vmem>>, vector<2000x128xf32>
    %get3A_5 = arith.constant 0 : index
    %get3A_6 = arith.constant 0 : index
    %get3A_7 = vector.load %arg2[%get3A_5, %get3A_6] : memref<2000x128xf32, #tpu.memory_space<vmem>>, vector<2000x128xf32>
    %add3A = arith.addf %get3A_4, %get3A_7 : vector<2000x128xf32>
    %get3A_8 = arith.constant 0 : index
    %get3A_9 = arith.constant 0 : index
    %get3A_10 = vector.load %arg3[%get3A_8, %get3A_9] : memref<2000x128xf32, #tpu.memory_space<vmem>>, vector<2000x128xf32>
    %add3A_11 = arith.addf %add3A, %get3A_10 : vector<2000x128xf32>
    %mul3A = arith.mulf %get3A_1, %add3A_11 : vector<2000x128xf32>
    %get3A_12 = arith.constant 0 : index
    %get3A_13 = arith.constant 0 : index
    %get3A_14 = vector.load %arg5[%get3A_12, %get3A_13] : memref<1x128xf32, #tpu.memory_space<vmem>>, vector<1x128xf32>
    %add3A_15 = vector.broadcast %get3A_14 : vector<1x128xf32> to vector<2000x128xf32>
    %add3A_16 = arith.addf %mul3A, %add3A_15 : vector<2000x128xf32>
    %max3A = arith.constant 0.000000e+00 : f32
    %max3A_17 = vector.broadcast %max3A : f32 to vector<2000x128xf32>
    %max3A_18 = arith.maximumf %add3A_16, %max3A_17 : vector<2000x128xf32>
    %get3A_19 = arith.constant 0 : index
    %get3A_20 = arith.constant 0 : index
    %get3A_21 = vector.load %arg6[%get3A_19, %get3A_20] : memref<128x128xf32, #tpu.memory_space<vmem>>, vector<128x128xf32>
    %dot_general3A = arith.constant dense<0.000000e+00> : vector<2000x128xf32>
    %dot_general3A_22 = tpu.matmul %max3A_18, %get3A_21, %dot_general3A {dimension_numbers = #tpu.dot_dimension_numbers<[1], [0], [0], [1], [0, 0, 1, 1], [], []>, transpose_lhs_hint = false} : vector<2000x128xf32>, vector<128x128xf32>, vector<2000x128xf32> -> vector<2000x128xf32>
    %mul3A_23 = arith.mulf %dot_general3A_22, %get3A_1 : vector<2000x128xf32>
    %swap3A = arith.constant 0 : index
    %swap3A_24 = arith.constant 0 : index
    %swap3A_25 = vector.load %arg7[%swap3A, %swap3A_24] : memref<2000x128xf32, #tpu.memory_space<vmem>>, vector<2000x128xf32>
    tpu.vector_store %arg7[%swap3A, %swap3A_24], %mul3A_23 {strides = array<i32>} : memref<2000x128xf32, #tpu.memory_space<vmem>>, vector<2000x128xf32>,
    return
  }
  func.func @transform_0(%arg0: i32) -> (i32, i32) {
    %c0_i32 = arith.constant 0 : i32
    %c0_i32_0 = arith.constant 0 : i32
    return %arg0, %c0_i32 : i32, i32
  }
  func.func @transform_1(%arg0: i32) -> (i32, i32) {
    %c0_i32 = arith.constant 0 : i32
    %c0_i32_0 = arith.constant 0 : i32
    return %arg0, %c0_i32 : i32, i32
  }
  func.func @transform_2(%arg0: i32) -> (i32, i32) {
    %c0_i32 = arith.constant 0 : i32
    %c0_i32_0 = arith.constant 0 : i32
    return %arg0, %c0_i32 : i32, i32
  }
  func.func @transform_3(%arg0: i32) -> (i32, i32) {
    %c0_i32 = arith.constant 0 : i32
    %c0_i32_0 = arith.constant 0 : i32
    return %arg0, %c0_i32 : i32, i32
  }
  func.func @transform_4(%arg0: i32) -> (i32, i32) {
    %c0_i32 = arith.constant 0 : i32
    %c0_i32_0 = arith.constant 0 : i32
    %c0_i32_1 = arith.constant 0 : i32
    return %c0_i32, %c0_i32_0 : i32, i32
  }
  func.func @transform_5(%arg0: i32) -> (i32, i32) {
    %c0_i32 = arith.constant 0 : i32
    %c0_i32_0 = arith.constant 0 : i32
    %c0_i32_1 = arith.constant 0 : i32
    return %c0_i32, %c0_i32_0 : i32, i32
  }
  func.func @transform_6(%arg0: i32) -> (i32, i32) {
    %c0_i32 = arith.constant 0 : i32
    %c0_i32_0 = arith.constant 0 : i32
    return %arg0, %c0_i32 : i32, i32
  }
}

module attributes {stable_mosaic.version = 14 : i64} {
  func.func @_tc3_body(%arg0: i32, %arg1: memref<2000x128xf32, #tpu.memory_space<vmem>>, %arg2: memref<2000x128xf32, #tpu.memory_space<vmem>>, %arg3: memref<2000x128xf32, #tpu.memory_space<vmem>>, %arg4: memref<2000x128xf32, #tpu.memory_space<vmem>>, %arg5: memref<1x128xf32, #tpu.memory_space<vmem>>, %arg6: memref<2000x128xf32, #tpu.memory_space<vmem>>) attributes {dimension_semantics = [#tpu.dimension_semantics<arbitrary>], iteration_bounds = array<i64: 5>, scalar_prefetch = 0 : i64, scratch_operands = 0 : i64, tpu.core_type = #tpu.core_type<tc>, window_params = [{transform_indices = @transform_0, window_bounds = array<i64: 2000, 128>}, {transform_indices = @transform_1, window_bounds = array<i64: 2000, 128>}, {transform_indices = @transform_2, window_bounds = array<i64: 2000, 128>}, {transform_indices = @transform_3, window_bounds = array<i64: 2000, 128>}, {pipeline_mode = #tpu.pipeline_mode<synchronous>, transform_indices = @transform_4, window_bounds = array<i64: 1, 128>}, {transform_indices = @transform_5, window_bounds = array<i64: 2000, 128>}]} {
    %get3A = arith.constant 0 : index
    %get3A_0 = arith.constant 0 : index
    %get3A_1 = vector.load %arg4[%get3A, %get3A_0] : memref<2000x128xf32, #tpu.memory_space<vmem>>, vector<2000x128xf32>
    %get3A_2 = arith.constant 0 : index
    %get3A_3 = arith.constant 0 : index
    %get3A_4 = vector.load %arg1[%get3A_2, %get3A_3] : memref<2000x128xf32, #tpu.memory_space<vmem>>, vector<2000x128xf32>
    %get3A_5 = arith.constant 0 : index
    %get3A_6 = arith.constant 0 : index
    %get3A_7 = vector.load %arg2[%get3A_5, %get3A_6] : memref<2000x128xf32, #tpu.memory_space<vmem>>, vector<2000x128xf32>
    %add3A = arith.addf %get3A_4, %get3A_7 : vector<2000x128xf32>
    %get3A_8 = arith.constant 0 : index
    %get3A_9 = arith.constant 0 : index
    %get3A_10 = vector.load %arg3[%get3A_8, %get3A_9] : memref<2000x128xf32, #tpu.memory_space<vmem>>, vector<2000x128xf32>
    %add3A_11 = arith.addf %add3A, %get3A_10 : vector<2000x128xf32>
    %mul3A = arith.mulf %get3A_1, %add3A_11 : vector<2000x128xf32>
    %get3A_12 = arith.constant 0 : index
    %get3A_13 = arith.constant 0 : index
    %get3A_14 = vector.load %arg5[%get3A_12, %get3A_13] : memref<1x128xf32, #tpu.memory_space<vmem>>, vector<1x128xf32>
    %add3A_15 = vector.broadcast %get3A_14 : vector<1x128xf32> to vector<2000x128xf32>
    %add3A_16 = arith.addf %mul3A, %add3A_15 : vector<2000x128xf32>
    %swap3A = arith.constant 0 : index
    %swap3A_17 = arith.constant 0 : index
    %swap3A_18 = vector.load %arg6[%swap3A, %swap3A_17] : memref<2000x128xf32, #tpu.memory_space<vmem>>, vector<2000x128xf32>
    tpu.vector_store %arg6[%swap3A, %swap3A_17], %add3A_16 {strides = array<i32>} : memref<2000x128xf32, #tpu.memory_space<vmem>>, vector<2000x128xf32>,
    return
  }
  func.func @transform_0(%arg0: i32) -> (i32, i32) {
    %c0_i32 = arith.constant 0 : i32
    %c0_i32_0 = arith.constant 0 : i32
    return %arg0, %c0_i32 : i32, i32
  }
  func.func @transform_1(%arg0: i32) -> (i32, i32) {
    %c0_i32 = arith.constant 0 : i32
    %c0_i32_0 = arith.constant 0 : i32
    return %arg0, %c0_i32 : i32, i32
  }
  func.func @transform_2(%arg0: i32) -> (i32, i32) {
    %c0_i32 = arith.constant 0 : i32
    %c0_i32_0 = arith.constant 0 : i32
    return %arg0, %c0_i32 : i32, i32
  }
  func.func @transform_3(%arg0: i32) -> (i32, i32) {
    %c0_i32 = arith.constant 0 : i32
    %c0_i32_0 = arith.constant 0 : i32
    return %arg0, %c0_i32 : i32, i32
  }
  func.func @transform_4(%arg0: i32) -> (i32, i32) {
    %c0_i32 = arith.constant 0 : i32
    %c0_i32_0 = arith.constant 0 : i32
    %c0_i32_1 = arith.constant 0 : i32
    return %c0_i32, %c0_i32_0 : i32, i32
  }
  func.func @transform_5(%arg0: i32) -> (i32, i32) {
    %c0_i32 = arith.constant 0 : i32
    %c0_i32_0 = arith.constant 0 : i32
    return %arg0, %c0_i32 : i32, i32
  }
}

</mosaic_0001>

<sc_bundles>
// kernel: kernel.11.cloned.1.call-start
scs
__scs_entry_jumppad:
0x0: {  	(pc) =	sbr.rel $0x88, $3  }
0x1: {  	(tag) =	ssettag $0x0;
	lr =	simm.s32 $0x1  }
0x2: {  	[smem:$0x3F9B] =	sst lr;
	_ =	strace $0xD0000000  }
0x3: {  	_ = 	snop  }
0x4: {  	_ = 	snop  }
0x5: {  	_ = 	snop  }
0x6: {  	_ = 	snop  }
0x7: {  	_ = 	snop  }
__scs_overlays_trampoline_lowered:
0x8: {  	[smem:$0x3FAA] =	sst s0  }
0x9: {  	[smem:$0x3FAB] =	sst s1  }
0xa: {  	[smem:$0x3FAC] =	sst s2  }
0xb: {  	[smem:$0x3FAD] =	sst s3  }
0xc: {  	[smem:$0x3FAE] =	sst s4  }
0xd: {  	[smem:$0x3FAF] =	sst s5  }
0xe: {  	[smem:$0x3FB0] =	sst s6  }
0xf: {  	[smem:$0x3FB1] =	sst s7  }
0x10: {  	[smem:$0x3FB2] =	sst s8  }
0x11: {  	[smem:$0x3FB3] =	sst s9;
	s0 =	simm.s32 @!p0 $0x0  }
0x12: {  	s1 =	sld [smem:$0x3F99];
	s0 =	simm.s32 @p0 $0x1  }
0x13: {  	[smem:$0x3FB4] =	sst s0;
	s0 =	simm.s32 @!p1 $0x0  }
0x14: {  	s2 =	sld [smem:$0x3F98];
	s0 =	simm.s32 @p1 $0x1  }
0x15: {  	[smem:$0x3FB5] =	sst s0;
	s0 =	simm.s32 @!p2 $0x0  }
0x16: {  	s3 =	sld [smem:$0x3FDB];
	s0 =	simm.s32 @p2 $0x1  }
0x17: {  	s4 =	simm.s32 $0x1BF5;
	[smem:$0x3FB7] =	sst s0  }
0x18: {  	s0 =	sld [smem:$0x3F9A];
	_ =	swait.ge [sflag:s4], $0x0  }
0x19: {  	s7 =	sld [smem:$0x3F9B]  }
0x1a: {  	s8 =	sadd.s32 $0xFFFFE003, lr  }
0x1b: {  	s9 =	sadd.s32 $0xFFFFFEF7, lr;
	s5 =	simm.s32 $0xFFFFFFFF;
	p2 =	slt.u32 s8, $0xFFFFF086  }
0x1c: {  	p1 =	slt.u32 s9, $0xF7A;
	s5 =	simm.s32 @!p2 $0x0  }
0x1d: {  	s5 =	simm.s32 @p1 $0x1;
	p0 =	seq.s32 s7, s2  }
0x1e: {  	s7 =	smul.u32 @!p0 $0xF7A, s2;
	p2 =	seq.s32 @!p0 s5, $0x0  }
0x1f: {  	s9 =	smul.u32 $0xF7A, s1;
	s8 =	simm.s32 @!p0 $0x1BF5;
	p2 =	por !p2, p0  }
0x20: {  	[sflag:s8] =	ssyncset.s32 @!p0 $0xFFFFF086;
	s6 =	sadd.s32 @!p0 s3, s7;
	s7 =	simm.s32 @!p0 $0x108  }
0x21: {  	s3 =	sadd.s32 s3, s9;
	s6 =	sadd.s32 @!p0 $0x88, s6;
	s7 =	simm.s32 @p2 $0x1082  }
0x22: {  	[simem:s7], [sflag:s8] =	dma.local @!p0 [hbm:s6], $0xF7A  }
0x23: {  	s9 =	sor.u32 $0xD0000000, s2;
	s6 =	simm.s32 $0x108;
	_ =	swait.ge @!p0 [sflag:s8], $0x0  }
0x24: {  	s3 =	sadd.s32 $0x88, s3;
	s6 =	simm.s32 @!p1 $0x1082;
	[sflag:s4] =	ssyncset.s32 $0xFFFFF086  }
0x25: {  	[simem:s6], [sflag:s4] =	dma.local [hbm:s3], $0xF7A  }
0x26: {  	[smem:$0x3F9B] =	sst s1;
	(tag) =	ssettag s2;
	_ =	strace s9  }
0x27: {  	s1 =	sld [smem:$0x3FAB]  }
0x28: {  	s2 =	sld [smem:$0x3FAC]  }
0x29: {  	s4 =	sld [smem:$0x3FAE]  }
0x2a: {  	p0 =	seq.s32 s5, $0x0;
	s5 =	sld [smem:$0x3FAF]  }
0x2b: {  	s6 =	sld [smem:$0x3FB0]  }
0x2c: {  	s7 =	sld [smem:$0x3FB1]  }
0x2d: {  	s3 =	simm.s32 $0x108;
	s8 =	sld [smem:$0x3FB2]  }
0x2e: {  	s3 =	simm.s32 @!p0 $0x1082;
	s9 =	sld [smem:$0x3FB3]  }
0x2f: {  	lr =	sadd.s32 s0, s3;
	s0 =	sld [smem:$0x3FAA]  }
0x30: {  	s3 =	sld [smem:$0x3FAD]  }
0x31: {  	[smem:$0x3FB6] =	sst s10  }
0x32: {  	s10 =	sld [smem:$0x3FB4];
	_ =	sdelay $0x3  }
0x33: {  	p0 =	seq.s32 s10, $0x1;
	s10 =	sld [smem:$0x3FB6];
	_ =	sdelay $0x3  }
0x34: {  	[smem:$0x3FB6] =	sst s10  }
0x35: {  	s10 =	sld [smem:$0x3FB5];
	_ =	sdelay $0x3  }
0x36: {  	p1 =	seq.s32 s10, $0x1;
	s10 =	sld [smem:$0x3FB6];
	_ =	sdelay $0x3  }
0x37: {  	[smem:$0x3FB6] =	sst s10  }
0x38: {  	s10 =	sld [smem:$0x3FB7]  }
0x39: {  	_ = 	snop;
	(pc) =	sbr.ind lr, $3  }
0x3a: {  	_ = 	snop  }
0x3b: {  	_ = 	snop  }
0x3c: {  	p2 =	seq.s32 s10, $0x1;
	s10 =	sld [smem:$0x3FB6]  }
0x3d: {  	_ =	shalt  }
0x3e: {  	_ =	shalt  }
0x3f: {  	_ =	shalt  }
0x40: {  	_ =	shalt  }
0x41: {  	_ =	shalt  }
0x42: {  	_ =	shalt  }
0x43: {  	_ =	shalt  }
0x44: {  	_ =	shalt  }
0x45: {  	_ =	shalt  }
0x46: {  	_ =	shalt  }
0x47: {  	_ =	shalt  }
0x48: {  	_ =	shalt  }
0x49: {  	_ =	shalt  }
0x4a: {  	_ =	shalt  }
0x4b: {  	_ =	shalt  }
0x4c: {  	_ =	shalt  }
0x4d: {  	_ =	shalt  }
0x4e: {  	_ =	shalt  }
0x4f: {  	_ =	shalt  }
0x50: {  	_ =	shalt  }
0x51: {  	_ =	shalt  }
0x52: {  	_ =	shalt  }
0x53: {  	_ =	shalt  }
0x54: {  	_ =	shalt  }
0x55: {  	_ =	shalt  }
0x56: {  	_ =	shalt  }
0x57: {  	_ =	shalt  }
0x58: {  	_ =	shalt  }
0x59: {  	_ =	shalt  }
0x5a: {  	_ =	shalt  }
0x5b: {  	_ =	shalt  }
0x5c: {  	_ =	shalt  }
0x5d: {  	_ =	shalt  }
0x5e: {  	_ =	shalt  }
0x5f: {  	_ =	shalt  }
0x60: {  	_ =	shalt  }
0x61: {  	_ =	shalt  }
0x62: {  	_ =	shalt  }
0x63: {  	_ =	shalt  }
0x64: {  	_ =	shalt  }
0x65: {  	_ =	shalt  }
0x66: {  	_ =	shalt  }
0x67: {  	_ =	shalt  }
0x68: {  	_ =	shalt  }
0x69: {  	_ =	shalt  }
0x6a: {  	_ =	shalt  }
0x6b: {  	_ =	shalt  }
0x6c: {  	_ =	shalt  }
0x6d: {  	_ =	shalt  }
0x6e: {  	_ =	shalt  }
0x6f: {  	_ =	shalt  }
0x70: {  	_ =	shalt  }
0x71: {  	_ =	shalt  }
0x72: {  	_ =	shalt  }
0x73: {  	_ =	shalt  }
0x74: {  	_ =	shalt  }
0x75: {  	_ =	shalt  }
0x76: {  	_ =	shalt  }
0x77: {  	_ =	shalt  }
0x78: {  	_ =	shalt  }
0x79: {  	_ =	shalt  }
0x7a: {  	_ =	shalt  }
0x7b: {  	_ =	shalt  }
0x7c: {  	_ =	shalt  }
0x7d: {  	_ =	shalt  }
0x7e: {  	_ =	shalt  }
0x7f: {  	_ =	shalt  }
0x80: {  	_ =	shalt  }
0x81: {  	_ =	shalt  }
0x82: {  	_ =	shalt  }
0x83: {  	_ =	shalt  }
0x84: {  	_ =	shalt  }
0x85: {  	_ =	shalt  }
0x86: {  	_ =	shalt  }
0x87: {  	_ =	shalt  }
.Lfunc_end0:
.L_simem_size_0:
called_computation.1_lowered:
.L_overlay_start_0:
0x88: {  	s2 =	sld [smem:$0x3FD9]  }
0x89: {  	s3 =	sld [smem:$0x3FFE];
	_ =	sdelay $0x1  }
0x8a: {  	s1 =	srdreg.scid  }
0x8b: {  	s0 =	sand.u32 $0x1, s1  }
0x8c: {  	s17 =	sshll.u32 s0, $0xA;
	s2 =	sadd.s32 s3, s2  }
0x8d: {  	s2 =	sadd.s32 s2, s17  }
0x8e: {  	[smem:$0x3FC2] =	sst s2  }
0x8f: {  	_ = 	snop  }
0x90: {  	s2 =	sld [smem:$0x3FD0];
	(tm) =	ssettm $0x1  }
0x91: {  	s18 =	sld [smem:$0x3FFB];
	_ =	sdelay $0x3  }
0x92: {  	_ =	strace s18  }
0x93: {  	s3 =	sld [smem:$0x3FFC];
	_ =	sdelay $0x3  }
0x94: {  	_ =	strace s3  }
0x95: {  	s3 =	sld [smem:$0x3FFD];
	_ =	sdelay $0x3  }
0x96: {  	_ =	strace s3  }
0x97: {  	_ =	strace $0x8FFFFFFF  }
0x98: {  	s19 =	sld [smem:$0x3FDB];
	_ =	sdelay $0x1  }
0x99: {  	s4 =	simm.s32 $_scs_section_size  }
0x9a: {  	s5 =	simm.s32 $_size__tile_overlayer_lowered;
	s6 =	simm.s32 $_tile_overlayer_lowered  }
0x9b: {  	s22 =	simm.s32 $0x1BFF;
	s21 =	sshll.u32 s6, $0x1;
	s3 =	sadd.s32 s4, s19  }
0x9c: {  	s7 =	simm.s32 $0x0;
	s20 =	sshll.u32 s5, $0x1;
	s5 =	sadd.s32 s21, s3  }
0x9d: {  	[timem:s7], [sflag:s22] =	dma.local [hbm:s5], s20  }
0x9e: {  	_ =	swait.ge [sflag:s22], s20  }
0x9f: {  	s4 =	ssub.s32 $0x0, s20;
	[sflag:s22] =	ssyncset.done $0x0  }
0xa0: {  	[sflag:s22] =	ssyncadd.s32 s4;
	_ =	sdelay $0x1  }
0xa1: {  	s23 =	simm.s32 $0x1B8B  }
0xa2: {  	_ =	swait.ge [sflag:s23], $0x1  }
0xa3: {  	[sflag:s23] =	ssyncset.done $0x0  }
0xa4: {  	s25 =	simm.s32 $0x1B8E;
	s24 =	sld [smem:$0x3FFE];
	[sflag:s23] =	ssyncadd.s32 $0xFFFFFFFF  }
0xa5: {  	s26 =	simm.s32 $execute0_lowered;
	[smem:$0x3FD2] =	sst s25  }
0xa6: {  	s5 =	sshll.u32 s26, $0x1;
	_ =	strace $0x80000049;
	[dreg:$0x1] =	wrdreg $0xFFFFFFFF  }
0xa7: {  	s28 =	simm.s32 $_size_execute0_lowered;
	s3 =	sadd.s32 s3, s5;
	[dreg:$0x0] =	wrdreg $0x0  }
0xa8: {  	s5 =	sshll.u32 s28, $0x1;
	[dreg:$0x2] =	wrdreg s3  }
0xa9: {  	[dreg:$0x3] =	wrdreg s5  }
0xaa: {  	[dreg:$0x4] =	wrdreg $0xC0  }
0xab: {  	_ =	task [dreg:s7], $0x5FFFF  }
0xac: {  	[dreg:$0x1] =	wrdreg $0xFFFFFFFF  }
0xad: {  	[dreg:$0x0] =	wrdreg $0x60  }
0xae: {  	[dreg:$0x2] =	wrdreg s2  }
0xaf: {  	[dreg:$0x3] =	wrdreg s24  }
0xb0: {  	[dreg:$0x4] =	wrdreg $0x82000  }
0xb1: {  	[dreg:$0x5] =	wrdreg $0x9  }
0xb2: {  	_ =	task.clear_ibuf [dreg:s7], $0x6FFFF;
	_ =	strace $0x90000049  }
0xb3: {  	s29 =	simm.s32 $0x9;
	_ =	strace $0x8000004B  }
0xb4: {  	_ =	swait.ge [sflag:s29], $0x1  }
0xb5: {  	[sflag:s29] =	ssyncadd.s32 $0xFFFFFFFF  }
0xb6: {  	_ =	strace $0x9000004B  }
0xb7: {  	_ =	sfence  }
0xb8: {  	s30 =	sld [smem:$0x0];
	_ =	sdelay $0x2  }
0xb9: {  	s31 =	sshll.u32 s1, $0xD;
	s1 =	sshrl.u32 s1, $0x2  }
0xba: {  	s3 =	sand.u32 $0x4000, s31;
	s1 =	sadd.s32 s1, s30  }
0xbb: {  	s0 =	sor.u32 s3, s0;
	s1 =	sshll.u32 s1, $0x11  }
0xbc: {  	s0 =	sor.u32 s1, s0  }
0xbd: {  	s0 =	sadd.s32 $0x8F2B, s0  }
0xbe: {  	[sflag:s0] =	ssyncadd.remote.s32 $0x1  }
0xbf: {  	_ =	sfence.sel $0xFFFF  }
0xc0: {  	[dreg:$0x0] =	wrdreg $0xFFFFFFFF;
	(pc) =	sbr.abs _section_cstart, $3  }
0xc1: {  	[dreg:$0x1] =	wrdreg $0xFFFFFFFF  }
0xc2: {  	_ =	task.clear_ibuf [dreg:s7], $0x2FFFF;
	_ =	strace $0x9FFFFFFF  }
0xc3: {  	(tm) =	ssettm $0x7FFFFFFF  }
tec
execute0_lowered:
.L_overlay_start_1:
0x0: {  	(tag) =	ssettag $0x1  }
0x1: {  	s1 =	rddreg [dreg:$0x0]  }
0x2: {  	s0 =	rddreg [dreg:$0x1]  }
0x3: {  	s2 =	rddreg [dreg:$0x2];
	s4 =	simm.s32 $0x0  }
0x4: {  	s3 =	srdreg.scid;
	s15 =	stileid.u32;
	s22 =	simm.s32 $0x200  }
0x5: {  	s28 =	simm.s32 $0x1;
	s29 =	simm.s32 $0x2;
	s30 =	simm.s32 $0x180  }
0x6: {  	s31 =	simm.s32 $0x0;
	[smem:$0x7FF] =	sst s4;
	s13 =	smul.u32 $0x280, s15  }
0x7: {  	s3 =	sand.u32 $0x1, s3;
	s5 =	sadd.s32 $0x53E00, s0;
	s8 =	smul.u32 $0x50000, s15  }
0x8: {  	s9 =	sadd.s32 $0x3600, s0;
	s0 =	sadd.s32 $0x68000, s0;
	s11 =	smul.u32 $0x18, s15  }
0x9: {  	s15 =	smul.u32 $0x88, s15;
	_ =	strace $0x8000004A;
	s6 =	ssub.s32 $0x2, s3  }
0xa: {  	[dreg:$0x4] =	wrdreg s9;
	p0 =	seq.s32 s3, $0x0;
	s3 =	smul.u32 $0x2800, s3  }
0xb: {  	s7 =	sshrl.u32 s6, $0x1;
	s23 =	sshrl.u32 s8, $0x2;
	s14 =	sadd.s32 $0x80, s13  }
0xc: {  	s16 =	sadd.s32 $0x100, s13;
	s17 =	sadd.s32 $0x180, s13;
	s18 =	sadd.s32 $0x200, s13  }
0xd: {  	s20 =	sadd.s32 $0x880, s11;
	s6 =	ssub.s32 s6, s7;
	s7 =	sadd.s32 s23, s2  }
0xe: {  	s24 =	sshll.u32 s14, $0x7;
	s25 =	sshll.u32 s16, $0x7;
	s10 =	sshll.u32 s17, $0x7  }
0xf: {  	s12 =	sshll.u32 s18, $0x7;
	s20 =	smov.u32 @p0 s15;
	s13 =	sadd.s32 s13, s3  }
0x10: {  	s14 =	sadd.s32 s3, s14;
	s16 =	sadd.s32 s3, s16;
	s17 =	sadd.s32 s3, s17  }
0x11: {  	s3 =	sadd.s32 s3, s18;
	s23 =	simm.s32 $0x3;
	s8 =	sadd.s32 s24, s2  }
0x12: {  	s9 =	sadd.s32 s25, s2;
	s10 =	sadd.s32 s10, s2;
	s11 =	sadd.s32 s12, s2  }
0x13: {  	s12 =	simm.s32 $0x8800;
	s15 =	sshll.u32 s20, $0x5;
	s19 =	sshll.u32 s13, $0x4  }
0x14: {  	s21 =	sshll.u32 s14, $0x4;
	s16 =	sshll.u32 s16, $0x4;
	s17 =	sshll.u32 s17, $0x4  }
0x15: {  	s3 =	sshll.u32 s3, $0x4;
	s20 =	sshll.u32 s20, $0x8;
	s24 =	simm.s32 $0x80  }
0x16: {  	s25 =	simm.s32 $0x100;
	s12 =	simm.s32 @!p0 $0x1800;
	s13 =	sadd.s32 s5, s15  }
0x17: {  	s26 =	sadd.s32 s0, s19;
	s15 =	sadd.s32 s0, s21;
	s16 =	sadd.s32 s0, s16  }
0x18: {  	s17 =	sadd.s32 s0, s17;
	s18 =	sadd.s32 s0, s3;
	s19 =	smax.u32 s6, $0x1  }
0x19: {  	[dreg:$0x5] =	wrdreg s26;
	s0 =	sadd.s32 $0x40, s13;
	s26 =	simm.s32 $0x4200  }
.LBB2_1:
0x1a: {  	s3 =	rddreg [dreg:$0x4]  }
0x1b: {  	[tilespmem:s22], [sflag:$0x3] =	stream.linear.gather [hbm4b:s3+s4], $0x4000, $0x38;
	[tilespmem:$0x1C200] =	vst v63  }
0x1c: {  	_ =	swait.ge [sflag:s23], $0x4000  }
0x1d: {  	[sflag:s23] =	ssyncset.done $0x0  }
0x1e: {  	[sflag:s23] =	ssyncadd.s32 $0xFFFFC000  }
0x1f: {  	[spmem:s7] =	stream.linear.scatter [tilespmem:s22], [sflag:$0x3], $0x4000, $0x38;
	[tilespmem:$0x1C200] =	vst v63  }
0x20: {  	_ =	swait.ge [sflag:s23], $0x4000  }
0x21: {  	[sflag:s23] =	ssyncset.done $0x0  }
0x22: {  	[sflag:s23] =	ssyncadd.s32 $0xFFFFC000  }
0x23: {  	[spmem:s8] =	stream.linear.scatter [tilespmem:s22], [sflag:$0x3], $0x4000, $0x38;
	[tilespmem:$0x1C200] =	vst v63  }
0x24: {  	_ =	swait.ge [sflag:s23], $0x4000  }
0x25: {  	[sflag:s23] =	ssyncset.done $0x0  }
0x26: {  	[sflag:s23] =	ssyncadd.s32 $0xFFFFC000  }
0x27: {  	[spmem:s9] =	stream.linear.scatter [tilespmem:s22], [sflag:$0x3], $0x4000, $0x38;
	[tilespmem:$0x1C200] =	vst v63  }
0x28: {  	_ =	swait.ge [sflag:s23], $0x4000  }
0x29: {  	[sflag:s23] =	ssyncset.done $0x0  }
0x2a: {  	[sflag:s23] =	ssyncadd.s32 $0xFFFFC000  }
0x2b: {  	[spmem:s10] =	stream.linear.scatter [tilespmem:s22], [sflag:$0x3], $0x4000, $0x38;
	[tilespmem:$0x1C200] =	vst v63  }
0x2c: {  	_ =	swait.ge [sflag:s23], $0x4000  }
0x2d: {  	[sflag:s23] =	ssyncset.done $0x0  }
0x2e: {  	[sflag:s23] =	ssyncadd.s32 $0xFFFFC000  }
0x2f: {  	[spmem:s11] =	stream.linear.scatter [tilespmem:s22], [sflag:$0x3], $0x4000, $0x38;
	[tilespmem:$0x1C200] =	vst v63  }
0x30: {  	_ =	swait.ge [sflag:s23], $0x4000  }
0x31: {  	[sflag:s23] =	ssyncset.done $0x0  }
0x32: {  	[sflag:s23] =	ssyncadd.s32 $0xFFFFC000  }
0x33: {  	p1 =	sne.s32 s12, $0x200;
	[bflag:$0x0] =	sbarrier.arrive $0xFFFF  }
0x34: {  	[tilespmem:s4], [sflag:$0x3] =	stream.linear.gather [hbm4b:s13+s4], $0x100, $0x38;
	[tilespmem:$0x1C200] =	vst v63  }
.Ltmp0:
0x35: {  	s21 =	sadd.s32 $0x0, s20;
	(pc) =	sbr.rel @!p1 .LBB2_2-.Ltmp0, $4  }
0x36: {  	s6 =	sand.u32 $0x200, s4;
	s3 =	sand.u32 $0xFFFFFC00, s21;
	_ =	swait.ge [sflag:s23], $0x100  }
0x37: {  	p0 =	por $0x0, $0x0;
	s3 =	sor.u32 s3, s6;
	[sflag:s23] =	ssyncset.done $0x0  }
0x38: {  	s21 =	simm.s32 $0x200;
	s6 =	sshrl.u32 s3, $0x3;
	[sflag:s23] =	ssyncadd.s32 $0xFFFFFF00  }
0x39: {  	[tilespmem:s22], [sflag:$0x1] =	stream.indirect.gather [hbm4b:s1+s24], $0x80, s4, s24, $0xb8;
	[tilespmem:$0x1C200] =	vst v63  }
0x3a: {  	s3 =	sadd.s32 s6, s5  }
0x3b: {  	s3 =	sadd.s32 $0x20, s3  }
0x3c: {  	[tilespmem:s25], [sflag:$0x3] =	stream.linear.gather [hbm4b:s3+s4], $0x100, $0x38;
	[tilespmem:$0x1C200] =	vst v63  }
0x3d: {  	_ =	swait.ge [sflag:s23], $0x100  }
0x3e: {  	[sflag:s23] =	ssyncset.done $0x0  }
0x3f: {  	[sflag:s23] =	ssyncadd.s32 $0xFFFFFF00  }
0x40: {  	[tilespmem:s26], [sflag:$0x2] =	stream.indirect.gather [hbm4b:s1+s24], $0x80, s25, s24, $0xb8;
	[tilespmem:$0x1C200] =	vst v63  }
0x41: {  	_ =	swait.ge [sflag:s28], $0x4000  }
0x42: {  	[sflag:s28] =	ssyncset.done $0x0  }
0x43: {  	[sflag:s28] =	ssyncadd.s32 $0xFFFFC000  }
0x44: {  	[spmem:s2] =	stream.indirect.scatter.add.f32 [tilespmem:s22], [sflag:$0x3], $0x80, s24, s24, $0xb8;
	[tilespmem:$0x1C200] =	vst v63  }
0x45: {  	_ =	swait.ge [sflag:s23], $0x4000  }
0x46: {  	[sflag:s23] =	ssyncset.done $0x0  }
0x47: {  	[sflag:s23] =	ssyncadd.s32 $0xFFFFC000  }
0x48: {  	[tilespmem:s4], [sflag:$0x3] =	stream.linear.gather [hbm4b:s0+s4], $0x100, $0x38;
	[tilespmem:$0x1C200] =	vst v63  }
0x49: {  	_ =	swait.ge [sflag:s23], $0x100  }
0x4a: {  	s14 =	sadd.s32 $0x200, s20;
	p1 =	sne.s32 s12, $0x400;
	[sflag:s23] =	ssyncset.done $0x0  }
.Ltmp1:
0x4b: {  	s21 =	sand.u32 $0x200, s21;
	[sflag:s23] =	ssyncadd.s32 $0xFFFFFF00;
	(pc) =	sbr.rel @!p1 .LBB2_4-.Ltmp1, $4  }
0x4c: {  	[tilespmem:s22], [sflag:$0x1] =	stream.indirect.gather [hbm4b:s1+s24], $0x80, s4, s24, $0xb8;
	[tilespmem:$0x1C200] =	vst v63  }
0x4d: {  	p0 =	por $0x1, $0x1;
	s6 =	sand.u32 $0xFFFFFC00, s14;
	_ =	swait.ge [sflag:s29], $0x4000  }
0x4e: {  	s3 =	simm.s32 $0x400;
	s6 =	sor.u32 s6, s21;
	[sflag:s29] =	ssyncset.done $0x0  }
0x4f: {  	s21 =	smov.u32 s0;
	s6 =	sshrl.u32 s6, $0x3;
	[sflag:s29] =	ssyncadd.s32 $0xFFFFC000  }
.LBB2_5:
0x50: {  	s6 =	sadd.s32 s6, s5  }
0x51: {  	s21 =	sadd.s32 $0x40, s21;
	s14 =	smov.u32 s3;
	s3 =	sadd.s32 $0x200, s3  }
0x52: {  	[spmem:s2] =	stream.indirect.scatter.add.f32 [tilespmem:s26], [sflag:$0x3], $0x80, s30, s24, $0xb8;
	[tilespmem:$0x1C200] =	vst v63  }
0x53: {  	p1 =	sne.s32 s12, s3;
	_ =	swait.ge [sflag:s23], $0x4000  }
0x54: {  	[sflag:s23] =	ssyncset.done $0x0  }
0x55: {  	s6 =	sadd.s32 $0x20, s6;
	[sflag:s23] =	ssyncadd.s32 $0xFFFFC000  }
0x56: {  	[tilespmem:s25], [sflag:$0x3] =	stream.linear.gather [hbm4b:s6+s4], $0x100, $0x38;
	[tilespmem:$0x1C200] =	vst v63  }
0x57: {  	_ =	swait.ge [sflag:s23], $0x100  }
0x58: {  	[sflag:s23] =	ssyncset.done $0x0  }
0x59: {  	[sflag:s23] =	ssyncadd.s32 $0xFFFFFF00  }
0x5a: {  	[tilespmem:s26], [sflag:$0x2] =	stream.indirect.gather [hbm4b:s1+s24], $0x80, s25, s24, $0xb8;
	[tilespmem:$0x1C200] =	vst v63  }
0x5b: {  	_ =	swait.ge [sflag:s28], $0x4000  }
0x5c: {  	[sflag:s28] =	ssyncset.done $0x0  }
0x5d: {  	[sflag:s28] =	ssyncadd.s32 $0xFFFFC000  }
0x5e: {  	[spmem:s2] =	stream.indirect.scatter.add.f32 [tilespmem:s22], [sflag:$0x3], $0x80, s24, s24, $0xb8;
	[tilespmem:$0x1C200] =	vst v63  }
0x5f: {  	_ =	swait.ge [sflag:s23], $0x4000  }
0x60: {  	[sflag:s23] =	ssyncset.done $0x0  }
0x61: {  	[sflag:s23] =	ssyncadd.s32 $0xFFFFC000  }
0x62: {  	[tilespmem:s4], [sflag:$0x3] =	stream.linear.gather [hbm4b:s21+s4], $0x100, $0x38;
	[tilespmem:$0x1C200] =	vst v63  }
0x63: {  	_ =	swait.ge [sflag:s23], $0x100  }
0x64: {  	[sflag:s23] =	ssyncset.done $0x0  }
.Ltmp2:
0x65: {  	s6 =	sadd.s32 s14, s20;
	[sflag:s23] =	ssyncadd.s32 $0xFFFFFF00;
	(pc) =	sbr.rel @p1 .LBB2_5-.Ltmp2, $4  }
0x66: {  	[tilespmem:s22], [sflag:$0x1] =	stream.indirect.gather [hbm4b:s1+s24], $0x80, s4, s24, $0xb8;
	[tilespmem:$0x1C200] =	vst v63  }
0x67: {  	s14 =	sand.u32 $0x200, s14;
	s6 =	sand.u32 $0xFFFFFC00, s6;
	_ =	swait.ge [sflag:s29], $0x4000  }
0x68: {  	s6 =	sor.u32 s6, s14;
	[sflag:s29] =	ssyncset.done $0x0  }
0x69: {  	s6 =	sshrl.u32 s6, $0x3;
	[sflag:s29] =	ssyncadd.s32 $0xFFFFC000  }
.LBB2_6:
0x6a: {  	[spmem:s2] =	stream.indirect.scatter.add.f32 @p0 [tilespmem:s26], [sflag:$0x3], $0x80, s30, s24, $0xb8;
	[tilespmem:$0x1C200] =	vst v63  }
0x6b: {  	_ =	swait.ge @p0 [sflag:s23], $0x4000  }
0x6c: {  	s3 =	sadd.s32 s6, s5;
	[sflag:s23] =	ssyncset.done @p0 $0x0  }
0x6d: {  	s3 =	sadd.s32 $0x20, s3;
	[sflag:s23] =	ssyncadd.s32 @p0 $0xFFFFC000  }
0x6e: {  	[tilespmem:s25], [sflag:$0x3] =	stream.linear.gather [hbm4b:s3+s4], $0x100, $0x38;
	[tilespmem:$0x1C200] =	vst v63  }
0x6f: {  	_ =	swait.ge [sflag:s23], $0x100  }
0x70: {  	[sflag:s23] =	ssyncset.done $0x0  }
0x71: {  	[sflag:s23] =	ssyncadd.s32 $0xFFFFFF00  }
0x72: {  	[tilespmem:s26], [sflag:$0x2] =	stream.indirect.gather [hbm4b:s1+s24], $0x80, s25, s24, $0xb8;
	[tilespmem:$0x1C200] =	vst v63  }
0x73: {  	_ =	swait.ge [sflag:s28], $0x4000  }
0x74: {  	[sflag:s28] =	ssyncset.done $0x0  }
0x75: {  	[sflag:s28] =	ssyncadd.s32 $0xFFFFC000  }
0x76: {  	[spmem:s2] =	stream.indirect.scatter.add.f32 [tilespmem:s22], [sflag:$0x3], $0x80, s24, s24, $0xb8;
	[tilespmem:$0x1C200] =	vst v63  }
0x77: {  	_ =	swait.ge [sflag:s23], $0x4000  }
0x78: {  	s6 =	smov.u32 s0;
	s3 =	sadd.s32 @p0 $0x40, s21;
	[sflag:s23] =	ssyncset.done $0x0  }
0x79: {  	s6 =	smov.u32 @p0 s3;
	[sflag:s23] =	ssyncadd.s32 $0xFFFFC000  }
0x7a: {  	[tilespmem:s4], [sflag:$0x3] =	stream.linear.gather [hbm4b:s6+s4], $0x100, $0x38;
	[tilespmem:$0x1C200] =	vst v63  }
0x7b: {  	_ =	swait.ge [sflag:s23], $0x100  }
0x7c: {  	[sflag:s23] =	ssyncset.done $0x0  }
0x7d: {  	[sflag:s23] =	ssyncadd.s32 $0xFFFFFF00  }
0x7e: {  	[tilespmem:s22], [sflag:$0x1] =	stream.indirect.gather [hbm4b:s1+s24], $0x80, s4, s24, $0xb8;
	[tilespmem:$0x1C200] =	vst v63  }
0x7f: {  	_ =	swait.ge [sflag:s29], $0x4000  }
0x80: {  	[sflag:s29] =	ssyncset.done $0x0  }
0x81: {  	[sflag:s29] =	ssyncadd.s32 $0xFFFFC000  }
0x82: {  	[spmem:s2] =	stream.indirect.scatter.add.f32 [tilespmem:s26], [sflag:$0x3], $0x80, s30, s24, $0xb8;
	[tilespmem:$0x1C200] =	vst v63  }
0x83: {  	_ =	swait.ge [sflag:s23], $0x4000  }
0x84: {  	[sflag:s23] =	ssyncset.done $0x0  }
0x85: {  	[sflag:s23] =	ssyncadd.s32 $0xFFFFC000  }
0x86: {  	_ =	swait.ge [sflag:s28], $0x4000  }
0x87: {  	[sflag:s28] =	ssyncset.done $0x0  }
0x88: {  	[sflag:s28] =	ssyncadd.s32 $0xFFFFC000  }
0x89: {  	[bflag:$0x0] =	sbarrier.arrive $0xFFFF  }
0x8a: {  	[tilespmem:s22], [sflag:$0x3] =	stream.linear.gather [spmem:s7], $0x4000, $0x38;
	[tilespmem:$0x1C200] =	vst v63  }
0x8b: {  	_ =	swait.ge [sflag:s23], $0x4000  }
0x8c: {  	[sflag:s23] =	ssyncset.done $0x0  }
0x8d: {  	s21 =	rddreg [dreg:$0x5];
	[sflag:s23] =	ssyncadd.s32 $0xFFFFC000  }
0x8e: {  	[hbm4b:s21+s4] =	stream.linear.scatter [tilespmem:s22], [sflag:$0x3], $0x4000, $0x38;
	[tilespmem:$0x1C200] =	vst v63  }
0x8f: {  	_ =	swait.ge [sflag:s23], $0x4000  }
0x90: {  	[sflag:s23] =	ssyncset.done $0x0  }
0x91: {  	[sflag:s23] =	ssyncadd.s32 $0xFFFFC000  }
0x92: {  	[tilespmem:s22], [sflag:$0x3] =	stream.linear.gather [spmem:s8], $0x4000, $0x38;
	[tilespmem:$0x1C200] =	vst v63  }
0x93: {  	_ =	swait.ge [sflag:s23], $0x4000  }
0x94: {  	[sflag:s23] =	ssyncset.done $0x0  }
0x95: {  	[sflag:s23] =	ssyncadd.s32 $0xFFFFC000  }
0x96: {  	[hbm4b:s15+s4] =	stream.linear.scatter [tilespmem:s22], [sflag:$0x3], $0x4000, $0x38;
	[tilespmem:$0x1C200] =	vst v63  }
0x97: {  	_ =	swait.ge [sflag:s23], $0x4000  }
0x98: {  	[sflag:s23] =	ssyncset.done $0x0  }
0x99: {  	[sflag:s23] =	ssyncadd.s32 $0xFFFFC000  }
0x9a: {  	[tilespmem:s22], [sflag:$0x3] =	stream.linear.gather [spmem:s9], $0x4000, $0x38;
	[tilespmem:$0x1C200] =	vst v63  }
0x9b: {  	_ =	swait.ge [sflag:s23], $0x4000  }
0x9c: {  	[sflag:s23] =	ssyncset.done $0x0  }
0x9d: {  	[sflag:s23] =	ssyncadd.s32 $0xFFFFC000  }
0x9e: {  	[hbm4b:s16+s4] =	stream.linear.scatter [tilespmem:s22], [sflag:$0x3], $0x4000, $0x38;
	[tilespmem:$0x1C200] =	vst v63  }
0x9f: {  	_ =	swait.ge [sflag:s23], $0x4000  }
0xa0: {  	[sflag:s23] =	ssyncset.done $0x0  }
0xa1: {  	[sflag:s23] =	ssyncadd.s32 $0xFFFFC000  }
0xa2: {  	[tilespmem:s22], [sflag:$0x3] =	stream.linear.gather [spmem:s10], $0x4000, $0x38;
	[tilespmem:$0x1C200] =	vst v63  }
0xa3: {  	_ =	swait.ge [sflag:s23], $0x4000  }
0xa4: {  	[sflag:s23] =	ssyncset.done $0x0  }
0xa5: {  	[sflag:s23] =	ssyncadd.s32 $0xFFFFC000  }
0xa6: {  	[hbm4b:s17+s4] =	stream.linear.scatter [tilespmem:s22], [sflag:$0x3], $0x4000, $0x38;
	[tilespmem:$0x1C200] =	vst v63  }
0xa7: {  	_ =	swait.ge [sflag:s23], $0x4000  }
0xa8: {  	[sflag:s23] =	ssyncset.done $0x0  }
0xa9: {  	[sflag:s23] =	ssyncadd.s32 $0xFFFFC000  }
0xaa: {  	[tilespmem:s22], [sflag:$0x3] =	stream.linear.gather [spmem:s11], $0x4000, $0x38;
	[tilespmem:$0x1C200] =	vst v63  }
0xab: {  	_ =	swait.ge [sflag:s23], $0x4000  }
0xac: {  	s31 =	sadd.s32 $0x1, s31;
	[sflag:s23] =	ssyncset.done $0x0  }
0xad: {  	p0 =	sne.s32 s31, s19;
	[sflag:s23] =	ssyncadd.s32 $0xFFFFC000  }
0xae: {  	[hbm4b:s18+s4] =	stream.linear.scatter [tilespmem:s22], [sflag:$0x3], $0x4000, $0x38;
	[tilespmem:$0x1C200] =	vst v63  }
.Ltmp3:
0xaf: {  	_ = 	snop;
	(pc) =	sbr.rel @p0 .LBB2_1-.Ltmp3, $4  }
.Ltmp4:
0xb0: {  	_ = 	snop;
	(pc) =	sbr.rel @!p0 .LBB2_7-.Ltmp4, $4  }
0xb1: {  	_ =	swait.ge [sflag:s23], $0x4000  }
0xb2: {  	[sflag:s23] =	ssyncset.done $0x0  }
0xb3: {  	[sflag:s23] =	ssyncadd.s32 $0xFFFFC000  }
0xb4: {  	_ = 	snop  }
.LBB2_2:
.Ltmp5:
0xb5: {  	(pc) =	sbr.rel .LBB2_6-.Ltmp5, $2  }
0xb6: {  	_ =	sdelay $0x2  }
0xb7: {  	s21 =	smov.u32 s0  }
.LBB2_4:
.Ltmp6:
0xb8: {  	(pc) =	sbr.rel .LBB2_6-.Ltmp6, $2  }
0xb9: {  	_ =	sdelay $0x2  }
0xba: {  	s21 =	smov.u32 s0  }
.LBB2_7:
0xbb: {  	_ =	sfence.sel $0x180000  }
0xbc: {  	[bflag:$0x0] =	sbarrier.arrive $0xFFFF  }
0xbd: {  	_ =	strace $0x9000004A  }
0xbe: {  	s0 =	stileid.u32;
	[bflag:$0x2] =	sbarrier.arrive $0xFFFF  }
0xbf: {  	p0 =	sne.s32 s0, $0x0;
	s0 =	rddreg [dreg:$0x3]  }
0xc0: {  	s0 =	sadd.s32 @!p0 $0x100000, s0  }
0xc1: {  	[sflag:s0] =	ssyncadd.tile.s32 @!p0 $0x1;
	_ =	shalt  }
.Lfunc_end2:
_tile_overlayer_lowered:
.L_overlay_start_2:
0xc2: {  	(tag) =	ssettag $0x2  }
0xc3: {  	s0 =	rddreg [dreg:$0x0];
	s2 =	stileid.u32  }
0xc4: {  	s1 =	rddreg [dreg:$0x1];
	p0 =	sne.s32 s2, $0x0  }
0xc5: {  	s3 =	rddreg [dreg:$0x2];
	[bflag:$0x3] =	sbarrier.arrive $0xFFFF;
	s2 =	simm.s32 @!p0 $0x1C03  }
0xc6: {  	[timem:s3], [sflag:s2] =	dma.local @!p0 [hbm:s0], s1  }
0xc7: {  	s0 =	simm.s32 @!p0 $0x3  }
0xc8: {  	_ =	swait.ge @!p0 [sflag:s0], s1  }
0xc9: {  	s1 =	ssub.s32 @!p0 $0x0, s1;
	[sflag:s0] =	ssyncset.done @!p0 $0x0  }
0xca: {  	[sflag:s0] =	ssyncadd.s32 @!p0 s1  }
0xcb: {  	[bflag:$0x3] =	sbarrier.arrive $0xFFFF  }
0xcc: {  	_ =	shalt  }

// kernel: kernel.14.cloned.1.call-start
scs
__scs_entry_jumppad:
0x0: {  	(pc) =	sbr.rel $0x88, $3  }
0x1: {  	(tag) =	ssettag $0x0;
	lr =	simm.s32 $0x1  }
0x2: {  	[smem:$0x3F9B] =	sst lr;
	_ =	strace $0xD0000000  }
0x3: {  	_ = 	snop  }
0x4: {  	_ = 	snop  }
0x5: {  	_ = 	snop  }
0x6: {  	_ = 	snop  }
0x7: {  	_ = 	snop  }
__scs_overlays_trampoline_lowered:
0x8: {  	[smem:$0x3FAA] =	sst s0  }
0x9: {  	[smem:$0x3FAB] =	sst s1  }
0xa: {  	[smem:$0x3FAC] =	sst s2  }
0xb: {  	[smem:$0x3FAD] =	sst s3  }
0xc: {  	[smem:$0x3FAE] =	sst s4  }
0xd: {  	[smem:$0x3FAF] =	sst s5  }
0xe: {  	[smem:$0x3FB0] =	sst s6  }
0xf: {  	[smem:$0x3FB1] =	sst s7  }
0x10: {  	[smem:$0x3FB2] =	sst s8  }
0x11: {  	[smem:$0x3FB3] =	sst s9;
	s0 =	simm.s32 @!p0 $0x0  }
0x12: {  	s1 =	sld [smem:$0x3F99];
	s0 =	simm.s32 @p0 $0x1  }
0x13: {  	[smem:$0x3FB4] =	sst s0;
	s0 =	simm.s32 @!p1 $0x0  }
0x14: {  	s2 =	sld [smem:$0x3F98];
	s0 =	simm.s32 @p1 $0x1  }
0x15: {  	[smem:$0x3FB5] =	sst s0;
	s0 =	simm.s32 @!p2 $0x0  }
0x16: {  	s3 =	sld [smem:$0x3FDB];
	s0 =	simm.s32 @p2 $0x1  }
0x17: {  	s4 =	simm.s32 $0x1BF5;
	[smem:$0x3FB7] =	sst s0  }
0x18: {  	s0 =	sld [smem:$0x3F9A];
	_ =	swait.ge [sflag:s4], $0x0  }
0x19: {  	s7 =	sld [smem:$0x3F9B]  }
0x1a: {  	s8 =	sadd.s32 $0xFFFFE003, lr  }
0x1b: {  	s9 =	sadd.s32 $0xFFFFFEF7, lr;
	s5 =	simm.s32 $0xFFFFFFFF;
	p2 =	slt.u32 s8, $0xFFFFF086  }
0x1c: {  	p1 =	slt.u32 s9, $0xF7A;
	s5 =	simm.s32 @!p2 $0x0  }
0x1d: {  	s5 =	simm.s32 @p1 $0x1;
	p0 =	seq.s32 s7, s2  }
0x1e: {  	s7 =	smul.u32 @!p0 $0xF7A, s2;
	p2 =	seq.s32 @!p0 s5, $0x0  }
0x1f: {  	s9 =	smul.u32 $0xF7A, s1;
	s8 =	simm.s32 @!p0 $0x1BF5;
	p2 =	por !p2, p0  }
0x20: {  	[sflag:s8] =	ssyncset.s32 @!p0 $0xFFFFF086;
	s6 =	sadd.s32 @!p0 s3, s7;
	s7 =	simm.s32 @!p0 $0x108  }
0x21: {  	s3 =	sadd.s32 s3, s9;
	s6 =	sadd.s32 @!p0 $0x88, s6;
	s7 =	simm.s32 @p2 $0x1082  }
0x22: {  	[simem:s7], [sflag:s8] =	dma.local @!p0 [hbm:s6], $0xF7A  }
0x23: {  	s9 =	sor.u32 $0xD0000000, s2;
	s6 =	simm.s32 $0x108;
	_ =	swait.ge @!p0 [sflag:s8], $0x0  }
0x24: {  	s3 =	sadd.s32 $0x88, s3;
	s6 =	simm.s32 @!p1 $0x1082;
	[sflag:s4] =	ssyncset.s32 $0xFFFFF086  }
0x25: {  	[simem:s6], [sflag:s4] =	dma.local [hbm:s3], $0xF7A  }
0x26: {  	[smem:$0x3F9B] =	sst s1;
	(tag) =	ssettag s2;
	_ =	strace s9  }
0x27: {  	s1 =	sld [smem:$0x3FAB]  }
0x28: {  	s2 =	sld [smem:$0x3FAC]  }
0x29: {  	s4 =	sld [smem:$0x3FAE]  }
0x2a: {  	p0 =	seq.s32 s5, $0x0;
	s5 =	sld [smem:$0x3FAF]  }
0x2b: {  	s6 =	sld [smem:$0x3FB0]  }
0x2c: {  	s7 =	sld [smem:$0x3FB1]  }
0x2d: {  	s3 =	simm.s32 $0x108;
	s8 =	sld [smem:$0x3FB2]  }
0x2e: {  	s3 =	simm.s32 @!p0 $0x1082;
	s9 =	sld [smem:$0x3FB3]  }
0x2f: {  	lr =	sadd.s32 s0, s3;
	s0 =	sld [smem:$0x3FAA]  }
0x30: {  	s3 =	sld [smem:$0x3FAD]  }
0x31: {  	[smem:$0x3FB6] =	sst s10  }
0x32: {  	s10 =	sld [smem:$0x3FB4];
	_ =	sdelay $0x3  }
0x33: {  	p0 =	seq.s32 s10, $0x1;
	s10 =	sld [smem:$0x3FB6];
	_ =	sdelay $0x3  }
0x34: {  	[smem:$0x3FB6] =	sst s10  }
0x35: {  	s10 =	sld [smem:$0x3FB5];
	_ =	sdelay $0x3  }
0x36: {  	p1 =	seq.s32 s10, $0x1;
	s10 =	sld [smem:$0x3FB6];
	_ =	sdelay $0x3  }
0x37: {  	[smem:$0x3FB6] =	sst s10  }
0x38: {  	s10 =	sld [smem:$0x3FB7]  }
0x39: {  	_ = 	snop;
	(pc) =	sbr.ind lr, $3  }
0x3a: {  	_ = 	snop  }
0x3b: {  	_ = 	snop  }
0x3c: {  	p2 =	seq.s32 s10, $0x1;
	s10 =	sld [smem:$0x3FB6]  }
0x3d: {  	_ =	shalt  }
0x3e: {  	_ =	shalt  }
0x3f: {  	_ =	shalt  }
0x40: {  	_ =	shalt  }
0x41: {  	_ =	shalt  }
0x42: {  	_ =	shalt  }
0x43: {  	_ =	shalt  }
0x44: {  	_ =	shalt  }
0x45: {  	_ =	shalt  }
0x46: {  	_ =	shalt  }
0x47: {  	_ =	shalt  }
0x48: {  	_ =	shalt  }
0x49: {  	_ =	shalt  }
0x4a: {  	_ =	shalt  }
0x4b: {  	_ =	shalt  }
0x4c: {  	_ =	shalt  }
0x4d: {  	_ =	shalt  }
0x4e: {  	_ =	shalt  }
0x4f: {  	_ =	shalt  }
0x50: {  	_ =	shalt  }
0x51: {  	_ =	shalt  }
0x52: {  	_ =	shalt  }
0x53: {  	_ =	shalt  }
0x54: {  	_ =	shalt  }
0x55: {  	_ =	shalt  }
0x56: {  	_ =	shalt  }
0x57: {  	_ =	shalt  }
0x58: {  	_ =	shalt  }
0x59: {  	_ =	shalt  }
0x5a: {  	_ =	shalt  }
0x5b: {  	_ =	shalt  }
0x5c: {  	_ =	shalt  }
0x5d: {  	_ =	shalt  }
0x5e: {  	_ =	shalt  }
0x5f: {  	_ =	shalt  }
0x60: {  	_ =	shalt  }
0x61: {  	_ =	shalt  }
0x62: {  	_ =	shalt  }
0x63: {  	_ =	shalt  }
0x64: {  	_ =	shalt  }
0x65: {  	_ =	shalt  }
0x66: {  	_ =	shalt  }
0x67: {  	_ =	shalt  }
0x68: {  	_ =	shalt  }
0x69: {  	_ =	shalt  }
0x6a: {  	_ =	shalt  }
0x6b: {  	_ =	shalt  }
0x6c: {  	_ =	shalt  }
0x6d: {  	_ =	shalt  }
0x6e: {  	_ =	shalt  }
0x6f: {  	_ =	shalt  }
0x70: {  	_ =	shalt  }
0x71: {  	_ =	shalt  }
0x72: {  	_ =	shalt  }
0x73: {  	_ =	shalt  }
0x74: {  	_ =	shalt  }
0x75: {  	_ =	shalt  }
0x76: {  	_ =	shalt  }
0x77: {  	_ =	shalt  }
0x78: {  	_ =	shalt  }
0x79: {  	_ =	shalt  }
0x7a: {  	_ =	shalt  }
0x7b: {  	_ =	shalt  }
0x7c: {  	_ =	shalt  }
0x7d: {  	_ =	shalt  }
0x7e: {  	_ =	shalt  }
0x7f: {  	_ =	shalt  }
0x80: {  	_ =	shalt  }
0x81: {  	_ =	shalt  }
0x82: {  	_ =	shalt  }
0x83: {  	_ =	shalt  }
0x84: {  	_ =	shalt  }
0x85: {  	_ =	shalt  }
0x86: {  	_ =	shalt  }
0x87: {  	_ =	shalt  }
.Lfunc_end0:
.L_simem_size_0:
called_computation.2_lowered:
.L_overlay_start_0:
0x88: {  	s2 =	sld [smem:$0x3FD9]  }
0x89: {  	s3 =	sld [smem:$0x3FFE];
	_ =	sdelay $0x1  }
0x8a: {  	s1 =	srdreg.scid  }
0x8b: {  	s0 =	sand.u32 $0x1, s1  }
0x8c: {  	s17 =	sshll.u32 s0, $0xA;
	s2 =	sadd.s32 s3, s2  }
0x8d: {  	s2 =	sadd.s32 s2, s17  }
0x8e: {  	[smem:$0x3FC2] =	sst s2  }
0x8f: {  	_ = 	snop  }
0x90: {  	s2 =	sld [smem:$0x3FD0];
	(tm) =	ssettm $0x1  }
0x91: {  	s18 =	sld [smem:$0x3FFB];
	_ =	sdelay $0x3  }
0x92: {  	_ =	strace s18  }
0x93: {  	s3 =	sld [smem:$0x3FFC];
	_ =	sdelay $0x3  }
0x94: {  	_ =	strace s3  }
0x95: {  	s3 =	sld [smem:$0x3FFD];
	_ =	sdelay $0x3  }
0x96: {  	_ =	strace s3  }
0x97: {  	_ =	strace $0x8FFFFFFF  }
0x98: {  	s19 =	sld [smem:$0x3FDB];
	_ =	sdelay $0x1  }
0x99: {  	s4 =	simm.s32 $_scs_section_size  }
0x9a: {  	s5 =	simm.s32 $_size__tile_overlayer_lowered;
	s6 =	simm.s32 $_tile_overlayer_lowered  }
0x9b: {  	s22 =	simm.s32 $0x1BFF;
	s21 =	sshll.u32 s6, $0x1;
	s3 =	sadd.s32 s4, s19  }
0x9c: {  	s7 =	simm.s32 $0x0;
	s20 =	sshll.u32 s5, $0x1;
	s5 =	sadd.s32 s21, s3  }
0x9d: {  	[timem:s7], [sflag:s22] =	dma.local [hbm:s5], s20  }
0x9e: {  	_ =	swait.ge [sflag:s22], s20  }
0x9f: {  	s4 =	ssub.s32 $0x0, s20;
	[sflag:s22] =	ssyncset.done $0x0  }
0xa0: {  	[sflag:s22] =	ssyncadd.s32 s4;
	_ =	sdelay $0x1  }
0xa1: {  	s23 =	simm.s32 $0x1B8B  }
0xa2: {  	_ =	swait.ge [sflag:s23], $0x1  }
0xa3: {  	[sflag:s23] =	ssyncset.done $0x0  }
0xa4: {  	s25 =	simm.s32 $0x1B8E;
	s24 =	sld [smem:$0x3FFE];
	[sflag:s23] =	ssyncadd.s32 $0xFFFFFFFF  }
0xa5: {  	s26 =	simm.s32 $execute0_lowered;
	[smem:$0x3FD2] =	sst s25  }
0xa6: {  	s5 =	sshll.u32 s26, $0x1;
	_ =	strace $0x8000004C;
	[dreg:$0x1] =	wrdreg $0xFFFFFFFF  }
0xa7: {  	s28 =	simm.s32 $_size_execute0_lowered;
	s3 =	sadd.s32 s3, s5;
	[dreg:$0x0] =	wrdreg $0x0  }
0xa8: {  	s5 =	sshll.u32 s28, $0x1;
	[dreg:$0x2] =	wrdreg s3  }
0xa9: {  	[dreg:$0x3] =	wrdreg s5  }
0xaa: {  	[dreg:$0x4] =	wrdreg $0xC0  }
0xab: {  	_ =	task [dreg:s7], $0x5FFFF  }
0xac: {  	[dreg:$0x1] =	wrdreg $0xFFFFFFFF  }
0xad: {  	[dreg:$0x0] =	wrdreg $0x60  }
0xae: {  	[dreg:$0x2] =	wrdreg s2  }
0xaf: {  	[dreg:$0x3] =	wrdreg s24  }
0xb0: {  	[dreg:$0x4] =	wrdreg $0x82000  }
0xb1: {  	[dreg:$0x5] =	wrdreg $0x9  }
0xb2: {  	_ =	task.clear_ibuf [dreg:s7], $0x6FFFF;
	_ =	strace $0x9000004C  }
0xb3: {  	s29 =	simm.s32 $0x9;
	_ =	strace $0x8000004E  }
0xb4: {  	_ =	swait.ge [sflag:s29], $0x1  }
0xb5: {  	[sflag:s29] =	ssyncadd.s32 $0xFFFFFFFF  }
0xb6: {  	_ =	strace $0x9000004E  }
0xb7: {  	_ =	sfence  }
0xb8: {  	s30 =	sld [smem:$0x0];
	_ =	sdelay $0x2  }
0xb9: {  	s31 =	sshll.u32 s1, $0xD;
	s1 =	sshrl.u32 s1, $0x2  }
0xba: {  	s3 =	sand.u32 $0x4000, s31;
	s1 =	sadd.s32 s1, s30  }
0xbb: {  	s0 =	sor.u32 s3, s0;
	s1 =	sshll.u32 s1, $0x11  }
0xbc: {  	s0 =	sor.u32 s1, s0  }
0xbd: {  	s0 =	sadd.s32 $0x8F2B, s0  }
0xbe: {  	[sflag:s0] =	ssyncadd.remote.s32 $0x1  }
0xbf: {  	_ =	sfence.sel $0xFFFF  }
0xc0: {  	[dreg:$0x0] =	wrdreg $0xFFFFFFFF;
	(pc) =	sbr.abs _section_cstart, $3  }
0xc1: {  	[dreg:$0x1] =	wrdreg $0xFFFFFFFF  }
0xc2: {  	_ =	task.clear_ibuf [dreg:s7], $0x2FFFF;
	_ =	strace $0x9FFFFFFF  }
0xc3: {  	(tm) =	ssettm $0x7FFFFFFF  }
tec
execute0_lowered:
.L_overlay_start_1:
0x0: {  	(tag) =	ssettag $0x1  }
0x1: {  	s1 =	rddreg [dreg:$0x0]  }
0x2: {  	s0 =	rddreg [dreg:$0x1]  }
0x3: {  	s2 =	rddreg [dreg:$0x2];
	s4 =	simm.s32 $0x0  }
0x4: {  	s3 =	srdreg.scid;
	s15 =	stileid.u32;
	s22 =	simm.s32 $0x200  }
0x5: {  	s28 =	simm.s32 $0x1;
	s29 =	simm.s32 $0x2;
	s30 =	simm.s32 $0x180  }
0x6: {  	s31 =	simm.s32 $0x0;
	[smem:$0x7FF] =	sst s4;
	s13 =	smul.u32 $0x280, s15  }
0x7: {  	s3 =	sand.u32 $0x1, s3;
	s5 =	sadd.s32 $0x53E00, s0;
	s8 =	smul.u32 $0x50000, s15  }
0x8: {  	s9 =	sadd.s32 $0x3600, s0;
	s0 =	sadd.s32 $0x68000, s0;
	s11 =	smul.u32 $0x18, s15  }
0x9: {  	s15 =	smul.u32 $0x88, s15;
	_ =	strace $0x8000004D;
	s6 =	ssub.s32 $0x2, s3  }
0xa: {  	[dreg:$0x4] =	wrdreg s9;
	p0 =	seq.s32 s3, $0x0;
	s3 =	smul.u32 $0x2800, s3  }
0xb: {  	s7 =	sshrl.u32 s6, $0x1;
	s23 =	sshrl.u32 s8, $0x2;
	s14 =	sadd.s32 $0x80, s13  }
0xc: {  	s16 =	sadd.s32 $0x100, s13;
	s17 =	sadd.s32 $0x180, s13;
	s18 =	sadd.s32 $0x200, s13  }
0xd: {  	s20 =	sadd.s32 $0x880, s11;
	s6 =	ssub.s32 s6, s7;
	s7 =	sadd.s32 s23, s2  }
0xe: {  	s24 =	sshll.u32 s14, $0x7;
	s25 =	sshll.u32 s16, $0x7;
	s10 =	sshll.u32 s17, $0x7  }
0xf: {  	s12 =	sshll.u32 s18, $0x7;
	s20 =	smov.u32 @p0 s15;
	s13 =	sadd.s32 s13, s3  }
0x10: {  	s14 =	sadd.s32 s3, s14;
	s16 =	sadd.s32 s3, s16;
	s17 =	sadd.s32 s3, s17  }
0x11: {  	s3 =	sadd.s32 s3, s18;
	s23 =	simm.s32 $0x3;
	s8 =	sadd.s32 s24, s2  }
0x12: {  	s9 =	sadd.s32 s25, s2;
	s10 =	sadd.s32 s10, s2;
	s11 =	sadd.s32 s12, s2  }
0x13: {  	s12 =	simm.s32 $0x8800;
	s15 =	sshll.u32 s20, $0x5;
	s19 =	sshll.u32 s13, $0x4  }
0x14: {  	s21 =	sshll.u32 s14, $0x4;
	s16 =	sshll.u32 s16, $0x4;
	s17 =	sshll.u32 s17, $0x4  }
0x15: {  	s3 =	sshll.u32 s3, $0x4;
	s20 =	sshll.u32 s20, $0x8;
	s24 =	simm.s32 $0x80  }
0x16: {  	s25 =	simm.s32 $0x100;
	s12 =	simm.s32 @!p0 $0x1800;
	s13 =	sadd.s32 s5, s15  }
0x17: {  	s26 =	sadd.s32 s0, s19;
	s15 =	sadd.s32 s0, s21;
	s16 =	sadd.s32 s0, s16  }
0x18: {  	s17 =	sadd.s32 s0, s17;
	s18 =	sadd.s32 s0, s3;
	s19 =	smax.u32 s6, $0x1  }
0x19: {  	[dreg:$0x5] =	wrdreg s26;
	s0 =	sadd.s32 $0x40, s13;
	s26 =	simm.s32 $0x4200  }
.LBB2_1:
0x1a: {  	s3 =	rddreg [dreg:$0x4]  }
0x1b: {  	[tilespmem:s22], [sflag:$0x3] =	stream.linear.gather [hbm4b:s3+s4], $0x4000, $0x38;
	[tilespmem:$0x1C200] =	vst v63  }
0x1c: {  	_ =	swait.ge [sflag:s23], $0x4000  }
0x1d: {  	[sflag:s23] =	ssyncset.done $0x0  }
0x1e: {  	[sflag:s23] =	ssyncadd.s32 $0xFFFFC000  }
0x1f: {  	[spmem:s7] =	stream.linear.scatter [tilespmem:s22], [sflag:$0x3], $0x4000, $0x38;
	[tilespmem:$0x1C200] =	vst v63  }
0x20: {  	_ =	swait.ge [sflag:s23], $0x4000  }
0x21: {  	[sflag:s23] =	ssyncset.done $0x0  }
0x22: {  	[sflag:s23] =	ssyncadd.s32 $0xFFFFC000  }
0x23: {  	[spmem:s8] =	stream.linear.scatter [tilespmem:s22], [sflag:$0x3], $0x4000, $0x38;
	[tilespmem:$0x1C200] =	vst v63  }
0x24: {  	_ =	swait.ge [sflag:s23], $0x4000  }
0x25: {  	[sflag:s23] =	ssyncset.done $0x0  }
0x26: {  	[sflag:s23] =	ssyncadd.s32 $0xFFFFC000  }
0x27: {  	[spmem:s9] =	stream.linear.scatter [tilespmem:s22], [sflag:$0x3], $0x4000, $0x38;
	[tilespmem:$0x1C200] =	vst v63  }
0x28: {  	_ =	swait.ge [sflag:s23], $0x4000  }
0x29: {  	[sflag:s23] =	ssyncset.done $0x0  }
0x2a: {  	[sflag:s23] =	ssyncadd.s32 $0xFFFFC000  }
0x2b: {  	[spmem:s10] =	stream.linear.scatter [tilespmem:s22], [sflag:$0x3], $0x4000, $0x38;
	[tilespmem:$0x1C200] =	vst v63  }
0x2c: {  	_ =	swait.ge [sflag:s23], $0x4000  }
0x2d: {  	[sflag:s23] =	ssyncset.done $0x0  }
0x2e: {  	[sflag:s23] =	ssyncadd.s32 $0xFFFFC000  }
0x2f: {  	[spmem:s11] =	stream.linear.scatter [tilespmem:s22], [sflag:$0x3], $0x4000, $0x38;
	[tilespmem:$0x1C200] =	vst v63  }
0x30: {  	_ =	swait.ge [sflag:s23], $0x4000  }
0x31: {  	[sflag:s23] =	ssyncset.done $0x0  }
0x32: {  	[sflag:s23] =	ssyncadd.s32 $0xFFFFC000  }
0x33: {  	p1 =	sne.s32 s12, $0x200;
	[bflag:$0x0] =	sbarrier.arrive $0xFFFF  }
0x34: {  	[tilespmem:s4], [sflag:$0x3] =	stream.linear.gather [hbm4b:s13+s4], $0x100, $0x38;
	[tilespmem:$0x1C200] =	vst v63  }
.Ltmp0:
0x35: {  	s21 =	sadd.s32 $0x0, s20;
	(pc) =	sbr.rel @!p1 .LBB2_2-.Ltmp0, $4  }
0x36: {  	s6 =	sand.u32 $0x200, s4;
	s3 =	sand.u32 $0xFFFFFC00, s21;
	_ =	swait.ge [sflag:s23], $0x100  }
0x37: {  	p0 =	por $0x0, $0x0;
	s3 =	sor.u32 s3, s6;
	[sflag:s23] =	ssyncset.done $0x0  }
0x38: {  	s21 =	simm.s32 $0x200;
	s6 =	sshrl.u32 s3, $0x3;
	[sflag:s23] =	ssyncadd.s32 $0xFFFFFF00  }
0x39: {  	[tilespmem:s22], [sflag:$0x1] =	stream.indirect.gather [hbm4b:s1+s24], $0x80, s4, s24, $0xb8;
	[tilespmem:$0x1C200] =	vst v63  }
0x3a: {  	s3 =	sadd.s32 s6, s5  }
0x3b: {  	s3 =	sadd.s32 $0x20, s3  }
0x3c: {  	[tilespmem:s25], [sflag:$0x3] =	stream.linear.gather [hbm4b:s3+s4], $0x100, $0x38;
	[tilespmem:$0x1C200] =	vst v63  }
0x3d: {  	_ =	swait.ge [sflag:s23], $0x100  }
0x3e: {  	[sflag:s23] =	ssyncset.done $0x0  }
0x3f: {  	[sflag:s23] =	ssyncadd.s32 $0xFFFFFF00  }
0x40: {  	[tilespmem:s26], [sflag:$0x2] =	stream.indirect.gather [hbm4b:s1+s24], $0x80, s25, s24, $0xb8;
	[tilespmem:$0x1C200] =	vst v63  }
0x41: {  	_ =	swait.ge [sflag:s28], $0x4000  }
0x42: {  	[sflag:s28] =	ssyncset.done $0x0  }
0x43: {  	[sflag:s28] =	ssyncadd.s32 $0xFFFFC000  }
0x44: {  	[spmem:s2] =	stream.indirect.scatter.add.f32 [tilespmem:s22], [sflag:$0x3], $0x80, s24, s24, $0xb8;
	[tilespmem:$0x1C200] =	vst v63  }
0x45: {  	_ =	swait.ge [sflag:s23], $0x4000  }
0x46: {  	[sflag:s23] =	ssyncset.done $0x0  }
0x47: {  	[sflag:s23] =	ssyncadd.s32 $0xFFFFC000  }
0x48: {  	[tilespmem:s4], [sflag:$0x3] =	stream.linear.gather [hbm4b:s0+s4], $0x100, $0x38;
	[tilespmem:$0x1C200] =	vst v63  }
0x49: {  	_ =	swait.ge [sflag:s23], $0x100  }
0x4a: {  	s14 =	sadd.s32 $0x200, s20;
	p1 =	sne.s32 s12, $0x400;
	[sflag:s23] =	ssyncset.done $0x0  }
.Ltmp1:
0x4b: {  	s21 =	sand.u32 $0x200, s21;
	[sflag:s23] =	ssyncadd.s32 $0xFFFFFF00;
	(pc) =	sbr.rel @!p1 .LBB2_4-.Ltmp1, $4  }
0x4c: {  	[tilespmem:s22], [sflag:$0x1] =	stream.indirect.gather [hbm4b:s1+s24], $0x80, s4, s24, $0xb8;
	[tilespmem:$0x1C200] =	vst v63  }
0x4d: {  	p0 =	por $0x1, $0x1;
	s6 =	sand.u32 $0xFFFFFC00, s14;
	_ =	swait.ge [sflag:s29], $0x4000  }
0x4e: {  	s3 =	simm.s32 $0x400;
	s6 =	sor.u32 s6, s21;
	[sflag:s29] =	ssyncset.done $0x0  }
0x4f: {  	s21 =	smov.u32 s0;
	s6 =	sshrl.u32 s6, $0x3;
	[sflag:s29] =	ssyncadd.s32 $0xFFFFC000  }
.LBB2_5:
0x50: {  	s6 =	sadd.s32 s6, s5  }
0x51: {  	s21 =	sadd.s32 $0x40, s21;
	s14 =	smov.u32 s3;
	s3 =	sadd.s32 $0x200, s3  }
0x52: {  	[spmem:s2] =	stream.indirect.scatter.add.f32 [tilespmem:s26], [sflag:$0x3], $0x80, s30, s24, $0xb8;
	[tilespmem:$0x1C200] =	vst v63  }
0x53: {  	p1 =	sne.s32 s12, s3;
	_ =	swait.ge [sflag:s23], $0x4000  }
0x54: {  	[sflag:s23] =	ssyncset.done $0x0  }
0x55: {  	s6 =	sadd.s32 $0x20, s6;
	[sflag:s23] =	ssyncadd.s32 $0xFFFFC000  }
0x56: {  	[tilespmem:s25], [sflag:$0x3] =	stream.linear.gather [hbm4b:s6+s4], $0x100, $0x38;
	[tilespmem:$0x1C200] =	vst v63  }
0x57: {  	_ =	swait.ge [sflag:s23], $0x100  }
0x58: {  	[sflag:s23] =	ssyncset.done $0x0  }
0x59: {  	[sflag:s23] =	ssyncadd.s32 $0xFFFFFF00  }
0x5a: {  	[tilespmem:s26], [sflag:$0x2] =	stream.indirect.gather [hbm4b:s1+s24], $0x80, s25, s24, $0xb8;
	[tilespmem:$0x1C200] =	vst v63  }
0x5b: {  	_ =	swait.ge [sflag:s28], $0x4000  }
0x5c: {  	[sflag:s28] =	ssyncset.done $0x0  }
0x5d: {  	[sflag:s28] =	ssyncadd.s32 $0xFFFFC000  }
0x5e: {  	[spmem:s2] =	stream.indirect.scatter.add.f32 [tilespmem:s22], [sflag:$0x3], $0x80, s24, s24, $0xb8;
	[tilespmem:$0x1C200] =	vst v63  }
0x5f: {  	_ =	swait.ge [sflag:s23], $0x4000  }
0x60: {  	[sflag:s23] =	ssyncset.done $0x0  }
0x61: {  	[sflag:s23] =	ssyncadd.s32 $0xFFFFC000  }
0x62: {  	[tilespmem:s4], [sflag:$0x3] =	stream.linear.gather [hbm4b:s21+s4], $0x100, $0x38;
	[tilespmem:$0x1C200] =	vst v63  }
0x63: {  	_ =	swait.ge [sflag:s23], $0x100  }
0x64: {  	[sflag:s23] =	ssyncset.done $0x0  }
.Ltmp2:
0x65: {  	s6 =	sadd.s32 s14, s20;
	[sflag:s23] =	ssyncadd.s32 $0xFFFFFF00;
	(pc) =	sbr.rel @p1 .LBB2_5-.Ltmp2, $4  }
0x66: {  	[tilespmem:s22], [sflag:$0x1] =	stream.indirect.gather [hbm4b:s1+s24], $0x80, s4, s24, $0xb8;
	[tilespmem:$0x1C200] =	vst v63  }
0x67: {  	s14 =	sand.u32 $0x200, s14;
	s6 =	sand.u32 $0xFFFFFC00, s6;
	_ =	swait.ge [sflag:s29], $0x4000  }
0x68: {  	s6 =	sor.u32 s6, s14;
	[sflag:s29] =	ssyncset.done $0x0  }
0x69: {  	s6 =	sshrl.u32 s6, $0x3;
	[sflag:s29] =	ssyncadd.s32 $0xFFFFC000  }
.LBB2_6:
0x6a: {  	[spmem:s2] =	stream.indirect.scatter.add.f32 @p0 [tilespmem:s26], [sflag:$0x3], $0x80, s30, s24, $0xb8;
	[tilespmem:$0x1C200] =	vst v63  }
0x6b: {  	_ =	swait.ge @p0 [sflag:s23], $0x4000  }
0x6c: {  	s3 =	sadd.s32 s6, s5;
	[sflag:s23] =	ssyncset.done @p0 $0x0  }
0x6d: {  	s3 =	sadd.s32 $0x20, s3;
	[sflag:s23] =	ssyncadd.s32 @p0 $0xFFFFC000  }
0x6e: {  	[tilespmem:s25], [sflag:$0x3] =	stream.linear.gather [hbm4b:s3+s4], $0x100, $0x38;
	[tilespmem:$0x1C200] =	vst v63  }
0x6f: {  	_ =	swait.ge [sflag:s23], $0x100  }
0x70: {  	[sflag:s23] =	ssyncset.done $0x0  }
0x71: {  	[sflag:s23] =	ssyncadd.s32 $0xFFFFFF00  }
0x72: {  	[tilespmem:s26], [sflag:$0x2] =	stream.indirect.gather [hbm4b:s1+s24], $0x80, s25, s24, $0xb8;
	[tilespmem:$0x1C200] =	vst v63  }
0x73: {  	_ =	swait.ge [sflag:s28], $0x4000  }
0x74: {  	[sflag:s28] =	ssyncset.done $0x0  }
0x75: {  	[sflag:s28] =	ssyncadd.s32 $0xFFFFC000  }
0x76: {  	[spmem:s2] =	stream.indirect.scatter.add.f32 [tilespmem:s22], [sflag:$0x3], $0x80, s24, s24, $0xb8;
	[tilespmem:$0x1C200] =	vst v63  }
0x77: {  	_ =	swait.ge [sflag:s23], $0x4000  }
0x78: {  	s6 =	smov.u32 s0;
	s3 =	sadd.s32 @p0 $0x40, s21;
	[sflag:s23] =	ssyncset.done $0x0  }
0x79: {  	s6 =	smov.u32 @p0 s3;
	[sflag:s23] =	ssyncadd.s32 $0xFFFFC000  }
0x7a: {  	[tilespmem:s4], [sflag:$0x3] =	stream.linear.gather [hbm4b:s6+s4], $0x100, $0x38;
	[tilespmem:$0x1C200] =	vst v63  }
0x7b: {  	_ =	swait.ge [sflag:s23], $0x100  }
0x7c: {  	[sflag:s23] =	ssyncset.done $0x0  }
0x7d: {  	[sflag:s23] =	ssyncadd.s32 $0xFFFFFF00  }
0x7e: {  	[tilespmem:s22], [sflag:$0x1] =	stream.indirect.gather [hbm4b:s1+s24], $0x80, s4, s24, $0xb8;
	[tilespmem:$0x1C200] =	vst v63  }
0x7f: {  	_ =	swait.ge [sflag:s29], $0x4000  }
0x80: {  	[sflag:s29] =	ssyncset.done $0x0  }
0x81: {  	[sflag:s29] =	ssyncadd.s32 $0xFFFFC000  }
0x82: {  	[spmem:s2] =	stream.indirect.scatter.add.f32 [tilespmem:s26], [sflag:$0x3], $0x80, s30, s24, $0xb8;
	[tilespmem:$0x1C200] =	vst v63  }
0x83: {  	_ =	swait.ge [sflag:s23], $0x4000  }
0x84: {  	[sflag:s23] =	ssyncset.done $0x0  }
0x85: {  	[sflag:s23] =	ssyncadd.s32 $0xFFFFC000  }
0x86: {  	_ =	swait.ge [sflag:s28], $0x4000  }
0x87: {  	[sflag:s28] =	ssyncset.done $0x0  }
0x88: {  	[sflag:s28] =	ssyncadd.s32 $0xFFFFC000  }
0x89: {  	[bflag:$0x0] =	sbarrier.arrive $0xFFFF  }
0x8a: {  	[tilespmem:s22], [sflag:$0x3] =	stream.linear.gather [spmem:s7], $0x4000, $0x38;
	[tilespmem:$0x1C200] =	vst v63  }
0x8b: {  	_ =	swait.ge [sflag:s23], $0x4000  }
0x8c: {  	[sflag:s23] =	ssyncset.done $0x0  }
0x8d: {  	s21 =	rddreg [dreg:$0x5];
	[sflag:s23] =	ssyncadd.s32 $0xFFFFC000  }
0x8e: {  	[hbm4b:s21+s4] =	stream.linear.scatter [tilespmem:s22], [sflag:$0x3], $0x4000, $0x38;
	[tilespmem:$0x1C200] =	vst v63  }
0x8f: {  	_ =	swait.ge [sflag:s23], $0x4000  }
0x90: {  	[sflag:s23] =	ssyncset.done $0x0  }
0x91: {  	[sflag:s23] =	ssyncadd.s32 $0xFFFFC000  }
0x92: {  	[tilespmem:s22], [sflag:$0x3] =	stream.linear.gather [spmem:s8], $0x4000, $0x38;
	[tilespmem:$0x1C200] =	vst v63  }
0x93: {  	_ =	swait.ge [sflag:s23], $0x4000  }
0x94: {  	[sflag:s23] =	ssyncset.done $0x0  }
0x95: {  	[sflag:s23] =	ssyncadd.s32 $0xFFFFC000  }
0x96: {  	[hbm4b:s15+s4] =	stream.linear.scatter [tilespmem:s22], [sflag:$0x3], $0x4000, $0x38;
	[tilespmem:$0x1C200] =	vst v63  }
0x97: {  	_ =	swait.ge [sflag:s23], $0x4000  }
0x98: {  	[sflag:s23] =	ssyncset.done $0x0  }
0x99: {  	[sflag:s23] =	ssyncadd.s32 $0xFFFFC000  }
0x9a: {  	[tilespmem:s22], [sflag:$0x3] =	stream.linear.gather [spmem:s9], $0x4000, $0x38;
	[tilespmem:$0x1C200] =	vst v63  }
0x9b: {  	_ =	swait.ge [sflag:s23], $0x4000  }
0x9c: {  	[sflag:s23] =	ssyncset.done $0x0  }
0x9d: {  	[sflag:s23] =	ssyncadd.s32 $0xFFFFC000  }
0x9e: {  	[hbm4b:s16+s4] =	stream.linear.scatter [tilespmem:s22], [sflag:$0x3], $0x4000, $0x38;
	[tilespmem:$0x1C200] =	vst v63  }
0x9f: {  	_ =	swait.ge [sflag:s23], $0x4000  }
0xa0: {  	[sflag:s23] =	ssyncset.done $0x0  }
0xa1: {  	[sflag:s23] =	ssyncadd.s32 $0xFFFFC000  }
0xa2: {  	[tilespmem:s22], [sflag:$0x3] =	stream.linear.gather [spmem:s10], $0x4000, $0x38;
	[tilespmem:$0x1C200] =	vst v63  }
0xa3: {  	_ =	swait.ge [sflag:s23], $0x4000  }
0xa4: {  	[sflag:s23] =	ssyncset.done $0x0  }
0xa5: {  	[sflag:s23] =	ssyncadd.s32 $0xFFFFC000  }
0xa6: {  	[hbm4b:s17+s4] =	stream.linear.scatter [tilespmem:s22], [sflag:$0x3], $0x4000, $0x38;
	[tilespmem:$0x1C200] =	vst v63  }
0xa7: {  	_ =	swait.ge [sflag:s23], $0x4000  }
0xa8: {  	[sflag:s23] =	ssyncset.done $0x0  }
0xa9: {  	[sflag:s23] =	ssyncadd.s32 $0xFFFFC000  }
0xaa: {  	[tilespmem:s22], [sflag:$0x3] =	stream.linear.gather [spmem:s11], $0x4000, $0x38;
	[tilespmem:$0x1C200] =	vst v63  }
0xab: {  	_ =	swait.ge [sflag:s23], $0x4000  }
0xac: {  	s31 =	sadd.s32 $0x1, s31;
	[sflag:s23] =	ssyncset.done $0x0  }
0xad: {  	p0 =	sne.s32 s31, s19;
	[sflag:s23] =	ssyncadd.s32 $0xFFFFC000  }
0xae: {  	[hbm4b:s18+s4] =	stream.linear.scatter [tilespmem:s22], [sflag:$0x3], $0x4000, $0x38;
	[tilespmem:$0x1C200] =	vst v63  }
.Ltmp3:
0xaf: {  	_ = 	snop;
	(pc) =	sbr.rel @p0 .LBB2_1-.Ltmp3, $4  }
.Ltmp4:
0xb0: {  	_ = 	snop;
	(pc) =	sbr.rel @!p0 .LBB2_7-.Ltmp4, $4  }
0xb1: {  	_ =	swait.ge [sflag:s23], $0x4000  }
0xb2: {  	[sflag:s23] =	ssyncset.done $0x0  }
0xb3: {  	[sflag:s23] =	ssyncadd.s32 $0xFFFFC000  }
0xb4: {  	_ = 	snop  }
.LBB2_2:
.Ltmp5:
0xb5: {  	(pc) =	sbr.rel .LBB2_6-.Ltmp5, $2  }
0xb6: {  	_ =	sdelay $0x2  }
0xb7: {  	s21 =	smov.u32 s0  }
.LBB2_4:
.Ltmp6:
0xb8: {  	(pc) =	sbr.rel .LBB2_6-.Ltmp6, $2  }
0xb9: {  	_ =	sdelay $0x2  }
0xba: {  	s21 =	smov.u32 s0  }
.LBB2_7:
0xbb: {  	_ =	sfence.sel $0x180000  }
0xbc: {  	[bflag:$0x0] =	sbarrier.arrive $0xFFFF  }
0xbd: {  	_ =	strace $0x9000004D  }
0xbe: {  	s0 =	stileid.u32;
	[bflag:$0x2] =	sbarrier.arrive $0xFFFF  }
0xbf: {  	p0 =	sne.s32 s0, $0x0;
	s0 =	rddreg [dreg:$0x3]  }
0xc0: {  	s0 =	sadd.s32 @!p0 $0x100000, s0  }
0xc1: {  	[sflag:s0] =	ssyncadd.tile.s32 @!p0 $0x1;
	_ =	shalt  }
.Lfunc_end2:
_tile_overlayer_lowered:
.L_overlay_start_2:
0xc2: {  	(tag) =	ssettag $0x2  }
0xc3: {  	s0 =	rddreg [dreg:$0x0];
	s2 =	stileid.u32  }
0xc4: {  	s1 =	rddreg [dreg:$0x1];
	p0 =	sne.s32 s2, $0x0  }
0xc5: {  	s3 =	rddreg [dreg:$0x2];
	[bflag:$0x3] =	sbarrier.arrive $0xFFFF;
	s2 =	simm.s32 @!p0 $0x1C03  }
0xc6: {  	[timem:s3], [sflag:s2] =	dma.local @!p0 [hbm:s0], s1  }
0xc7: {  	s0 =	simm.s32 @!p0 $0x3  }
0xc8: {  	_ =	swait.ge @!p0 [sflag:s0], s1  }
0xc9: {  	s1 =	ssub.s32 @!p0 $0x0, s1;
	[sflag:s0] =	ssyncset.done @!p0 $0x0  }
0xca: {  	[sflag:s0] =	ssyncadd.s32 @!p0 s1  }
0xcb: {  	[bflag:$0x3] =	sbarrier.arrive $0xFFFF  }
0xcc: {  	_ =	shalt  }

// kernel: kernel.8.cloned.1.call-start
scs
__scs_entry_jumppad:
0x0: {  	(pc) =	sbr.rel $0x88, $3  }
0x1: {  	(tag) =	ssettag $0x0;
	lr =	simm.s32 $0x1  }
0x2: {  	[smem:$0x3F9B] =	sst lr;
	_ =	strace $0xD0000000  }
0x3: {  	_ = 	snop  }
0x4: {  	_ = 	snop  }
0x5: {  	_ = 	snop  }
0x6: {  	_ = 	snop  }
0x7: {  	_ = 	snop  }
__scs_overlays_trampoline_lowered:
0x8: {  	[smem:$0x3FAA] =	sst s0  }
0x9: {  	[smem:$0x3FAB] =	sst s1  }
0xa: {  	[smem:$0x3FAC] =	sst s2  }
0xb: {  	[smem:$0x3FAD] =	sst s3  }
0xc: {  	[smem:$0x3FAE] =	sst s4  }
0xd: {  	[smem:$0x3FAF] =	sst s5  }
0xe: {  	[smem:$0x3FB0] =	sst s6  }
0xf: {  	[smem:$0x3FB1] =	sst s7  }
0x10: {  	[smem:$0x3FB2] =	sst s8  }
0x11: {  	[smem:$0x3FB3] =	sst s9;
	s0 =	simm.s32 @!p0 $0x0  }
0x12: {  	s1 =	sld [smem:$0x3F99];
	s0 =	simm.s32 @p0 $0x1  }
0x13: {  	[smem:$0x3FB4] =	sst s0;
	s0 =	simm.s32 @!p1 $0x0  }
0x14: {  	s2 =	sld [smem:$0x3F98];
	s0 =	simm.s32 @p1 $0x1  }
0x15: {  	[smem:$0x3FB5] =	sst s0;
	s0 =	simm.s32 @!p2 $0x0  }
0x16: {  	s3 =	sld [smem:$0x3FDB];
	s0 =	simm.s32 @p2 $0x1  }
0x17: {  	s4 =	simm.s32 $0x1BF5;
	[smem:$0x3FB7] =	sst s0  }
0x18: {  	s0 =	sld [smem:$0x3F9A];
	_ =	swait.ge [sflag:s4], $0x0  }
0x19: {  	s7 =	sld [smem:$0x3F9B]  }
0x1a: {  	s8 =	sadd.s32 $0xFFFFE003, lr  }
0x1b: {  	s9 =	sadd.s32 $0xFFFFFEF7, lr;
	s5 =	simm.s32 $0xFFFFFFFF;
	p2 =	slt.u32 s8, $0xFFFFF086  }
0x1c: {  	p1 =	slt.u32 s9, $0xF7A;
	s5 =	simm.s32 @!p2 $0x0  }
0x1d: {  	s5 =	simm.s32 @p1 $0x1;
	p0 =	seq.s32 s7, s2  }
0x1e: {  	s7 =	smul.u32 @!p0 $0xF7A, s2;
	p2 =	seq.s32 @!p0 s5, $0x0  }
0x1f: {  	s9 =	smul.u32 $0xF7A, s1;
	s8 =	simm.s32 @!p0 $0x1BF5;
	p2 =	por !p2, p0  }
0x20: {  	[sflag:s8] =	ssyncset.s32 @!p0 $0xFFFFF086;
	s6 =	sadd.s32 @!p0 s3, s7;
	s7 =	simm.s32 @!p0 $0x108  }
0x21: {  	s3 =	sadd.s32 s3, s9;
	s6 =	sadd.s32 @!p0 $0x88, s6;
	s7 =	simm.s32 @p2 $0x1082  }
0x22: {  	[simem:s7], [sflag:s8] =	dma.local @!p0 [hbm:s6], $0xF7A  }
0x23: {  	s9 =	sor.u32 $0xD0000000, s2;
	s6 =	simm.s32 $0x108;
	_ =	swait.ge @!p0 [sflag:s8], $0x0  }
0x24: {  	s3 =	sadd.s32 $0x88, s3;
	s6 =	simm.s32 @!p1 $0x1082;
	[sflag:s4] =	ssyncset.s32 $0xFFFFF086  }
0x25: {  	[simem:s6], [sflag:s4] =	dma.local [hbm:s3], $0xF7A  }
0x26: {  	[smem:$0x3F9B] =	sst s1;
	(tag) =	ssettag s2;
	_ =	strace s9  }
0x27: {  	s1 =	sld [smem:$0x3FAB]  }
0x28: {  	s2 =	sld [smem:$0x3FAC]  }
0x29: {  	s4 =	sld [smem:$0x3FAE]  }
0x2a: {  	p0 =	seq.s32 s5, $0x0;
	s5 =	sld [smem:$0x3FAF]  }
0x2b: {  	s6 =	sld [smem:$0x3FB0]  }
0x2c: {  	s7 =	sld [smem:$0x3FB1]  }
0x2d: {  	s3 =	simm.s32 $0x108;
	s8 =	sld [smem:$0x3FB2]  }
0x2e: {  	s3 =	simm.s32 @!p0 $0x1082;
	s9 =	sld [smem:$0x3FB3]  }
0x2f: {  	lr =	sadd.s32 s0, s3;
	s0 =	sld [smem:$0x3FAA]  }
0x30: {  	s3 =	sld [smem:$0x3FAD]  }
0x31: {  	[smem:$0x3FB6] =	sst s10  }
0x32: {  	s10 =	sld [smem:$0x3FB4];
	_ =	sdelay $0x3  }
0x33: {  	p0 =	seq.s32 s10, $0x1;
	s10 =	sld [smem:$0x3FB6];
	_ =	sdelay $0x3  }
0x34: {  	[smem:$0x3FB6] =	sst s10  }
0x35: {  	s10 =	sld [smem:$0x3FB5];
	_ =	sdelay $0x3  }
0x36: {  	p1 =	seq.s32 s10, $0x1;
	s10 =	sld [smem:$0x3FB6];
	_ =	sdelay $0x3  }
0x37: {  	[smem:$0x3FB6] =	sst s10  }
0x38: {  	s10 =	sld [smem:$0x3FB7]  }
0x39: {  	_ = 	snop;
	(pc) =	sbr.ind lr, $3  }
0x3a: {  	_ = 	snop  }
0x3b: {  	_ = 	snop  }
0x3c: {  	p2 =	seq.s32 s10, $0x1;
	s10 =	sld [smem:$0x3FB6]  }
0x3d: {  	_ =	shalt  }
0x3e: {  	_ =	shalt  }
0x3f: {  	_ =	shalt  }
0x40: {  	_ =	shalt  }
0x41: {  	_ =	shalt  }
0x42: {  	_ =	shalt  }
0x43: {  	_ =	shalt  }
0x44: {  	_ =	shalt  }
0x45: {  	_ =	shalt  }
0x46: {  	_ =	shalt  }
0x47: {  	_ =	shalt  }
0x48: {  	_ =	shalt  }
0x49: {  	_ =	shalt  }
0x4a: {  	_ =	shalt  }
0x4b: {  	_ =	shalt  }
0x4c: {  	_ =	shalt  }
0x4d: {  	_ =	shalt  }
0x4e: {  	_ =	shalt  }
0x4f: {  	_ =	shalt  }
0x50: {  	_ =	shalt  }
0x51: {  	_ =	shalt  }
0x52: {  	_ =	shalt  }
0x53: {  	_ =	shalt  }
0x54: {  	_ =	shalt  }
0x55: {  	_ =	shalt  }
0x56: {  	_ =	shalt  }
0x57: {  	_ =	shalt  }
0x58: {  	_ =	shalt  }
0x59: {  	_ =	shalt  }
0x5a: {  	_ =	shalt  }
0x5b: {  	_ =	shalt  }
0x5c: {  	_ =	shalt  }
0x5d: {  	_ =	shalt  }
0x5e: {  	_ =	shalt  }
0x5f: {  	_ =	shalt  }
0x60: {  	_ =	shalt  }
0x61: {  	_ =	shalt  }
0x62: {  	_ =	shalt  }
0x63: {  	_ =	shalt  }
0x64: {  	_ =	shalt  }
0x65: {  	_ =	shalt  }
0x66: {  	_ =	shalt  }
0x67: {  	_ =	shalt  }
0x68: {  	_ =	shalt  }
0x69: {  	_ =	shalt  }
0x6a: {  	_ =	shalt  }
0x6b: {  	_ =	shalt  }
0x6c: {  	_ =	shalt  }
0x6d: {  	_ =	shalt  }
0x6e: {  	_ =	shalt  }
0x6f: {  	_ =	shalt  }
0x70: {  	_ =	shalt  }
0x71: {  	_ =	shalt  }
0x72: {  	_ =	shalt  }
0x73: {  	_ =	shalt  }
0x74: {  	_ =	shalt  }
0x75: {  	_ =	shalt  }
0x76: {  	_ =	shalt  }
0x77: {  	_ =	shalt  }
0x78: {  	_ =	shalt  }
0x79: {  	_ =	shalt  }
0x7a: {  	_ =	shalt  }
0x7b: {  	_ =	shalt  }
0x7c: {  	_ =	shalt  }
0x7d: {  	_ =	shalt  }
0x7e: {  	_ =	shalt  }
0x7f: {  	_ =	shalt  }
0x80: {  	_ =	shalt  }
0x81: {  	_ =	shalt  }
0x82: {  	_ =	shalt  }
0x83: {  	_ =	shalt  }
0x84: {  	_ =	shalt  }
0x85: {  	_ =	shalt  }
0x86: {  	_ =	shalt  }
0x87: {  	_ =	shalt  }
.Lfunc_end0:
.L_simem_size_0:
called_computation_lowered:
.L_overlay_start_0:
0x88: {  	s2 =	sld [smem:$0x3FD9]  }
0x89: {  	s3 =	sld [smem:$0x3FFE];
	_ =	sdelay $0x1  }
0x8a: {  	s1 =	srdreg.scid  }
0x8b: {  	s0 =	sand.u32 $0x1, s1  }
0x8c: {  	s17 =	sshll.u32 s0, $0xA;
	s2 =	sadd.s32 s3, s2  }
0x8d: {  	s2 =	sadd.s32 s2, s17  }
0x8e: {  	[smem:$0x3FC2] =	sst s2  }
0x8f: {  	_ = 	snop  }
0x90: {  	s2 =	sld [smem:$0x3FD0];
	(tm) =	ssettm $0x1  }
0x91: {  	s18 =	sld [smem:$0x3FFB];
	_ =	sdelay $0x3  }
0x92: {  	_ =	strace s18  }
0x93: {  	s3 =	sld [smem:$0x3FFC];
	_ =	sdelay $0x3  }
0x94: {  	_ =	strace s3  }
0x95: {  	s3 =	sld [smem:$0x3FFD];
	_ =	sdelay $0x3  }
0x96: {  	_ =	strace s3  }
0x97: {  	_ =	strace $0x8FFFFFFF  }
0x98: {  	s19 =	sld [smem:$0x3FDB];
	_ =	sdelay $0x1  }
0x99: {  	s4 =	simm.s32 $_scs_section_size  }
0x9a: {  	s5 =	simm.s32 $_size__tile_overlayer_lowered;
	s6 =	simm.s32 $_tile_overlayer_lowered  }
0x9b: {  	s22 =	simm.s32 $0x1BFF;
	s21 =	sshll.u32 s6, $0x1;
	s3 =	sadd.s32 s4, s19  }
0x9c: {  	s7 =	simm.s32 $0x0;
	s20 =	sshll.u32 s5, $0x1;
	s5 =	sadd.s32 s21, s3  }
0x9d: {  	[timem:s7], [sflag:s22] =	dma.local [hbm:s5], s20  }
0x9e: {  	_ =	swait.ge [sflag:s22], s20  }
0x9f: {  	s4 =	ssub.s32 $0x0, s20;
	[sflag:s22] =	ssyncset.done $0x0  }
0xa0: {  	[sflag:s22] =	ssyncadd.s32 s4;
	_ =	sdelay $0x1  }
0xa1: {  	s23 =	simm.s32 $0x1B8B  }
0xa2: {  	_ =	swait.ge [sflag:s23], $0x1  }
0xa3: {  	[sflag:s23] =	ssyncset.done $0x0  }
0xa4: {  	s25 =	simm.s32 $0x1B8E;
	s24 =	sld [smem:$0x3FFE];
	[sflag:s23] =	ssyncadd.s32 $0xFFFFFFFF  }
0xa5: {  	s26 =	simm.s32 $execute0_lowered;
	[smem:$0x3FD2] =	sst s25  }
0xa6: {  	s5 =	sshll.u32 s26, $0x1;
	_ =	strace $0x80000046;
	[dreg:$0x1] =	wrdreg $0xFFFFFFFF  }
0xa7: {  	s28 =	simm.s32 $_size_execute0_lowered;
	s3 =	sadd.s32 s3, s5;
	[dreg:$0x0] =	wrdreg $0x0  }
0xa8: {  	s5 =	sshll.u32 s28, $0x1;
	[dreg:$0x2] =	wrdreg s3  }
0xa9: {  	[dreg:$0x3] =	wrdreg s5  }
0xaa: {  	[dreg:$0x4] =	wrdreg $0xC0  }
0xab: {  	_ =	task [dreg:s7], $0x5FFFF  }
0xac: {  	[dreg:$0x1] =	wrdreg $0xFFFFFFFF  }
0xad: {  	[dreg:$0x0] =	wrdreg $0x60  }
0xae: {  	[dreg:$0x2] =	wrdreg s2  }
0xaf: {  	[dreg:$0x3] =	wrdreg s24  }
0xb0: {  	[dreg:$0x4] =	wrdreg $0x40800  }
0xb1: {  	[dreg:$0x5] =	wrdreg $0x9  }
0xb2: {  	_ =	task.clear_ibuf [dreg:s7], $0x6FFFF;
	_ =	strace $0x90000046  }
0xb3: {  	s29 =	simm.s32 $0x9;
	_ =	strace $0x80000048  }
0xb4: {  	_ =	swait.ge [sflag:s29], $0x1  }
0xb5: {  	[sflag:s29] =	ssyncadd.s32 $0xFFFFFFFF  }
0xb6: {  	_ =	strace $0x90000048  }
0xb7: {  	_ =	sfence  }
0xb8: {  	s30 =	sld [smem:$0x0];
	_ =	sdelay $0x2  }
0xb9: {  	s31 =	sshll.u32 s1, $0xD;
	s1 =	sshrl.u32 s1, $0x2  }
0xba: {  	s3 =	sand.u32 $0x4000, s31;
	s1 =	sadd.s32 s1, s30  }
0xbb: {  	s0 =	sor.u32 s3, s0;
	s1 =	sshll.u32 s1, $0x11  }
0xbc: {  	s0 =	sor.u32 s1, s0  }
0xbd: {  	s0 =	sadd.s32 $0x8F2B, s0  }
0xbe: {  	[sflag:s0] =	ssyncadd.remote.s32 $0x1  }
0xbf: {  	_ =	sfence.sel $0xFFFF  }
0xc0: {  	[dreg:$0x0] =	wrdreg $0xFFFFFFFF;
	(pc) =	sbr.abs _section_cstart, $3  }
0xc1: {  	[dreg:$0x1] =	wrdreg $0xFFFFFFFF  }
0xc2: {  	_ =	task.clear_ibuf [dreg:s7], $0x2FFFF;
	_ =	strace $0x9FFFFFFF  }
0xc3: {  	(tm) =	ssettm $0x7FFFFFFF  }
tec
execute0_lowered:
.L_overlay_start_1:
0x0: {  	(tag) =	ssettag $0x1  }
0x1: {  	s17 =	rddreg [dreg:$0x0]  }
0x2: {  	s6 =	rddreg [dreg:$0x1]  }
0x3: {  	s1 =	rddreg [dreg:$0x2]  }
0x4: {  	s0 =	rddreg [dreg:$0x3]  }
0x5: {  	s3 =	simm.s32 $0x0;
	s4 =	srdreg.scid;
	s2 =	stileid.u32  }
0x6: {  	[smem:$0x7FF] =	sst s3;
	s11 =	smul.u32 $0x280, s2  }
0x7: {  	s10 =	sand.u32 $0x1, s4;
	s4 =	sadd.s32 $0x2E00, s6;
	s9 =	smul.u32 $0x50000, s2  }
0x8: {  	s5 =	sadd.s32 $0x3600, s6;
	s15 =	sadd.s32 $0x3E00, s6;
	s30 =	smul.u32 $0x2800, s2  }
0x9: {  	_ =	strace $0x80000047;
	s7 =	ssub.s32 $0x2, s10;
	s19 =	smul.u32 $0x2800, s10  }
0xa: {  	s21 =	smul.u32 $0x28000, s10;
	s8 =	sshrl.u32 s7, $0x1;
	s25 =	sshrl.u32 s9, $0x2  }
0xb: {  	s12 =	sadd.s32 $0x80, s11;
	s13 =	sadd.s32 $0x100, s11;
	s14 =	sadd.s32 $0x180, s11  }
0xc: {  	s18 =	sadd.s32 $0x200, s11;
	s16 =	ssub.s32 s7, s8;
	s6 =	sadd.s32 s25, s1  }
0xd: {  	s26 =	sshll.u32 s12, $0x7;
	s28 =	sshll.u32 s13, $0x7;
	s29 =	sshll.u32 s14, $0x7  }
0xe: {  	s20 =	sshll.u32 s18, $0x7;
	s11 =	sadd.s32 s11, s19;
	s12 =	sadd.s32 s19, s12  }
0xf: {  	s13 =	sadd.s32 s19, s13;
	s14 =	sadd.s32 s19, s14;
	s18 =	sadd.s32 s19, s18  }
0x10: {  	s31 =	sadd.s32 s30, s21;
	s7 =	sadd.s32 s26, s1;
	s8 =	sadd.s32 s28, s1  }
0x11: {  	s9 =	sadd.s32 s29, s1;
	s10 =	sadd.s32 s20, s1;
	s11 =	sshll.u32 s11, $0x4  }
0x12: {  	s12 =	sshll.u32 s12, $0x4;
	s13 =	sshll.u32 s13, $0x4;
	s14 =	sshll.u32 s14, $0x4  }
0x13: {  	s18 =	sshll.u32 s18, $0x4;
	s19 =	sshrl.u32 s31, $0x3;
	s16 =	smax.u32 s16, $0x1  }
0x14: {  	s20 =	simm.s32 $0x0;
	s11 =	sadd.s32 s15, s11;
	s12 =	sadd.s32 s15, s12  }
0x15: {  	s13 =	sadd.s32 s15, s13;
	s14 =	sadd.s32 s15, s14;
	s15 =	sadd.s32 s15, s18  }
0x16: {  	s17 =	sadd.s32 s19, s17;
	s18 =	simm.s32 $0x80;
	s19 =	simm.s32 $0x1  }
.LBB2_1:
0x17: {  	[tilespmem:s18], [sflag:$0x1] =	stream.linear.gather [hbm4b:s5+s3], $0x4000, $0x38;
	[tilespmem:$0x18080] =	vst v63  }
0x18: {  	_ =	swait.ge [sflag:s19], $0x4000  }
0x19: {  	[sflag:s19] =	ssyncset.done $0x0  }
0x1a: {  	[sflag:s19] =	ssyncadd.s32 $0xFFFFC000  }
0x1b: {  	[spmem:s6] =	stream.linear.scatter [tilespmem:s18], [sflag:$0x1], $0x4000, $0x38;
	[tilespmem:$0x18080] =	vst v63  }
0x1c: {  	_ =	swait.ge [sflag:s19], $0x4000  }
0x1d: {  	[sflag:s19] =	ssyncset.done $0x0  }
0x1e: {  	[sflag:s19] =	ssyncadd.s32 $0xFFFFC000  }
0x1f: {  	[spmem:s7] =	stream.linear.scatter [tilespmem:s18], [sflag:$0x1], $0x4000, $0x38;
	[tilespmem:$0x18080] =	vst v63  }
0x20: {  	_ =	swait.ge [sflag:s19], $0x4000  }
0x21: {  	[sflag:s19] =	ssyncset.done $0x0  }
0x22: {  	[sflag:s19] =	ssyncadd.s32 $0xFFFFC000  }
0x23: {  	[spmem:s8] =	stream.linear.scatter [tilespmem:s18], [sflag:$0x1], $0x4000, $0x38;
	[tilespmem:$0x18080] =	vst v63  }
0x24: {  	_ =	swait.ge [sflag:s19], $0x4000  }
0x25: {  	[sflag:s19] =	ssyncset.done $0x0  }
0x26: {  	[sflag:s19] =	ssyncadd.s32 $0xFFFFC000  }
0x27: {  	[spmem:s9] =	stream.linear.scatter [tilespmem:s18], [sflag:$0x1], $0x4000, $0x38;
	[tilespmem:$0x18080] =	vst v63  }
0x28: {  	_ =	swait.ge [sflag:s19], $0x4000  }
0x29: {  	[sflag:s19] =	ssyncset.done $0x0  }
0x2a: {  	[sflag:s19] =	ssyncadd.s32 $0xFFFFC000  }
0x2b: {  	[spmem:s10] =	stream.linear.scatter [tilespmem:s18], [sflag:$0x1], $0x4000, $0x38;
	[tilespmem:$0x18080] =	vst v63  }
0x2c: {  	_ =	swait.ge [sflag:s19], $0x4000  }
0x2d: {  	[sflag:s19] =	ssyncset.done $0x0  }
0x2e: {  	[sflag:s19] =	ssyncadd.s32 $0xFFFFC000  }
0x2f: {  	[tilespmem:s18], [sflag:$0x1] =	stream.linear.gather [hbm4b:s4+s3], $0x4000, $0x38;
	[tilespmem:$0x18080] =	vst v63  }
0x30: {  	_ =	swait.ge [sflag:s19], $0x4000  }
0x31: {  	[sflag:s19] =	ssyncset.done $0x0  }
0x32: {  	[sflag:s19] =	ssyncadd.s32 $0xFFFFC000  }
0x33: {  	s21 =	sadd.s32 $0x0, s17;
	[bflag:$0x0] =	sbarrier.arrive $0xFFFF  }
0x34: {  	[tilespmem:s3], [sflag:$0x1] =	stream.linear.gather [hbm4b:s21+s3], $0x80, $0x38;
	[tilespmem:$0x18080] =	vst v63  }
0x35: {  	_ =	swait.ge [sflag:s19], $0x80  }
0x36: {  	[sflag:s19] =	ssyncset.done $0x0  }
0x37: {  	[sflag:s19] =	ssyncadd.s32 $0xFFFFFF80  }
0x38: {  	[spmem:s1] =	stream.indirect.scatter.add.f32 [tilespmem:s18], [sflag:$0x1], $0x80, s3, s18, $0xb8;
	[tilespmem:$0x18080] =	vst v63  }
0x39: {  	_ =	swait.ge [sflag:s19], $0x4000  }
0x3a: {  	s22 =	simm.s32 $0x20;
	s21 =	simm.s32 $0x10;
	[sflag:s19] =	ssyncset.done $0x0  }
.LBB2_2:
0x3b: {  	s23 =	sadd.s32 s21, s17  }
0x3c: {  	[sflag:s19] =	ssyncadd.s32 $0xFFFFC000;
	s21 =	smov.u32 s22;
	s24 =	sadd.s32 $0x10, s22  }
0x3d: {  	[tilespmem:s3], [sflag:$0x1] =	stream.linear.gather [hbm4b:s23+s3], $0x80, $0x38;
	[tilespmem:$0x18080] =	vst v63  }
0x3e: {  	p0 =	sne.s32 s22, $0x4F0;
	_ =	swait.ge [sflag:s19], $0x80  }
.Ltmp0:
0x3f: {  	[sflag:s19] =	ssyncset.done $0x0;
	(pc) =	sbr.rel @p0 .LBB2_2-.Ltmp0, $4  }
0x40: {  	[sflag:s19] =	ssyncadd.s32 $0xFFFFFF80  }
0x41: {  	[spmem:s1] =	stream.indirect.scatter.add.f32 [tilespmem:s18], [sflag:$0x1], $0x80, s3, s18, $0xb8;
	[tilespmem:$0x18080] =	vst v63  }
0x42: {  	_ =	swait.ge [sflag:s19], $0x4000  }
0x43: {  	s22 =	smov.u32 s24;
	[sflag:s19] =	ssyncset.done $0x0  }
0x44: {  	s21 =	sadd.s32 s21, s17;
	[sflag:s19] =	ssyncadd.s32 $0xFFFFC000  }
0x45: {  	[tilespmem:s3], [sflag:$0x1] =	stream.linear.gather [hbm4b:s21+s3], $0x80, $0x38;
	[tilespmem:$0x18080] =	vst v63  }
0x46: {  	_ =	swait.ge [sflag:s19], $0x80  }
0x47: {  	[sflag:s19] =	ssyncset.done $0x0  }
0x48: {  	[sflag:s19] =	ssyncadd.s32 $0xFFFFFF80  }
0x49: {  	[spmem:s1] =	stream.indirect.scatter.add.f32 [tilespmem:s18], [sflag:$0x1], $0x80, s3, s18, $0xb8;
	[tilespmem:$0x18080] =	vst v63  }
0x4a: {  	_ =	swait.ge [sflag:s19], $0x4000  }
0x4b: {  	[sflag:s19] =	ssyncset.done $0x0  }
0x4c: {  	[sflag:s19] =	ssyncadd.s32 $0xFFFFC000  }
0x4d: {  	[bflag:$0x0] =	sbarrier.arrive $0xFFFF  }
0x4e: {  	[tilespmem:s18], [sflag:$0x1] =	stream.linear.gather [spmem:s6], $0x4000, $0x38;
	[tilespmem:$0x18080] =	vst v63  }
0x4f: {  	_ =	swait.ge [sflag:s19], $0x4000  }
0x50: {  	[sflag:s19] =	ssyncset.done $0x0  }
0x51: {  	[sflag:s19] =	ssyncadd.s32 $0xFFFFC000  }
0x52: {  	[hbm4b:s11+s3] =	stream.linear.scatter [tilespmem:s18], [sflag:$0x1], $0x4000, $0x38;
	[tilespmem:$0x18080] =	vst v63  }
0x53: {  	_ =	swait.ge [sflag:s19], $0x4000  }
0x54: {  	[sflag:s19] =	ssyncset.done $0x0  }
0x55: {  	[sflag:s19] =	ssyncadd.s32 $0xFFFFC000  }
0x56: {  	[tilespmem:s18], [sflag:$0x1] =	stream.linear.gather [spmem:s7], $0x4000, $0x38;
	[tilespmem:$0x18080] =	vst v63  }
0x57: {  	_ =	swait.ge [sflag:s19], $0x4000  }
0x58: {  	[sflag:s19] =	ssyncset.done $0x0  }
0x59: {  	[sflag:s19] =	ssyncadd.s32 $0xFFFFC000  }
0x5a: {  	[hbm4b:s12+s3] =	stream.linear.scatter [tilespmem:s18], [sflag:$0x1], $0x4000, $0x38;
	[tilespmem:$0x18080] =	vst v63  }
0x5b: {  	_ =	swait.ge [sflag:s19], $0x4000  }
0x5c: {  	[sflag:s19] =	ssyncset.done $0x0  }
0x5d: {  	[sflag:s19] =	ssyncadd.s32 $0xFFFFC000  }
0x5e: {  	[tilespmem:s18], [sflag:$0x1] =	stream.linear.gather [spmem:s8], $0x4000, $0x38;
	[tilespmem:$0x18080] =	vst v63  }
0x5f: {  	_ =	swait.ge [sflag:s19], $0x4000  }
0x60: {  	[sflag:s19] =	ssyncset.done $0x0  }
0x61: {  	[sflag:s19] =	ssyncadd.s32 $0xFFFFC000  }
0x62: {  	[hbm4b:s13+s3] =	stream.linear.scatter [tilespmem:s18], [sflag:$0x1], $0x4000, $0x38;
	[tilespmem:$0x18080] =	vst v63  }
0x63: {  	_ =	swait.ge [sflag:s19], $0x4000  }
0x64: {  	[sflag:s19] =	ssyncset.done $0x0  }
0x65: {  	[sflag:s19] =	ssyncadd.s32 $0xFFFFC000  }
0x66: {  	[tilespmem:s18], [sflag:$0x1] =	stream.linear.gather [spmem:s9], $0x4000, $0x38;
	[tilespmem:$0x18080] =	vst v63  }
0x67: {  	_ =	swait.ge [sflag:s19], $0x4000  }
0x68: {  	[sflag:s19] =	ssyncset.done $0x0  }
0x69: {  	[sflag:s19] =	ssyncadd.s32 $0xFFFFC000  }
0x6a: {  	[hbm4b:s14+s3] =	stream.linear.scatter [tilespmem:s18], [sflag:$0x1], $0x4000, $0x38;
	[tilespmem:$0x18080] =	vst v63  }
0x6b: {  	_ =	swait.ge [sflag:s19], $0x4000  }
0x6c: {  	[sflag:s19] =	ssyncset.done $0x0  }
0x6d: {  	[sflag:s19] =	ssyncadd.s32 $0xFFFFC000  }
0x6e: {  	[tilespmem:s18], [sflag:$0x1] =	stream.linear.gather [spmem:s10], $0x4000, $0x38;
	[tilespmem:$0x18080] =	vst v63  }
0x6f: {  	s20 =	sadd.s32 $0x1, s20;
	_ =	swait.ge [sflag:s19], $0x4000  }
0x70: {  	p0 =	sne.s32 s20, s16;
	[sflag:s19] =	ssyncset.done $0x0  }
.Ltmp1:
0x71: {  	[sflag:s19] =	ssyncadd.s32 $0xFFFFC000;
	(pc) =	sbr.rel @p0 .LBB2_1-.Ltmp1, $4  }
0x72: {  	[hbm4b:s15+s3] =	stream.linear.scatter [tilespmem:s18], [sflag:$0x1], $0x4000, $0x38;
	[tilespmem:$0x18080] =	vst v63  }
0x73: {  	_ =	swait.ge [sflag:s19], $0x4000  }
0x74: {  	[sflag:s19] =	ssyncset.done $0x0  }
0x75: {  	[sflag:s19] =	ssyncadd.s32 $0xFFFFC000  }
0x76: {  	_ =	sfence.sel $0x180000  }
0x77: {  	[bflag:$0x0] =	sbarrier.arrive $0xFFFF  }
0x78: {  	p0 =	sne.s32 s2, $0x0;
	_ =	strace $0x90000047  }
0x79: {  	s0 =	sadd.s32 @!p0 $0x100000, s0;
	[bflag:$0x2] =	sbarrier.arrive $0xFFFF  }
0x7a: {  	[sflag:s0] =	ssyncadd.tile.s32 @!p0 $0x1;
	_ =	shalt  }
.Lfunc_end2:
_tile_overlayer_lowered:
.L_overlay_start_2:
0x7b: {  	(tag) =	ssettag $0x2  }
0x7c: {  	s0 =	rddreg [dreg:$0x0];
	s2 =	stileid.u32  }
0x7d: {  	s1 =	rddreg [dreg:$0x1];
	p0 =	sne.s32 s2, $0x0  }
0x7e: {  	s3 =	rddreg [dreg:$0x2];
	[bflag:$0x3] =	sbarrier.arrive $0xFFFF;
	s2 =	simm.s32 @!p0 $0x1C01  }
0x7f: {  	[timem:s3], [sflag:s2] =	dma.local @!p0 [hbm:s0], s1  }
0x80: {  	s0 =	simm.s32 @!p0 $0x1  }
0x81: {  	_ =	swait.ge @!p0 [sflag:s0], s1  }
0x82: {  	s1 =	ssub.s32 @!p0 $0x0, s1;
	[sflag:s0] =	ssyncset.done @!p0 $0x0  }
0x83: {  	[sflag:s0] =	ssyncadd.s32 @!p0 s1  }
0x84: {  	[bflag:$0x3] =	sbarrier.arrive $0xFFFF  }
0x85: {  	_ =	shalt  }

</sc_bundles>
